<compile_context>
chip_gen: v7x
topology: tpu7x:2x2x1
jax: 0.10.2.dev20260603
libtpu: 0.0.44.dev20260713+nightly
codegen_flags: <defaults>
</compile_context>

<pallas_src>
import functools

import jax
import jax.numpy as jnp
from jax import lax
from jax.experimental import pallas as pl
from jax.experimental.pallas import tpu as pltpu
from jax.experimental.pallas import tpu_sc as plsc

NUM_CODES = 1024
BASIS_DIM = 2700
PAD_DIM = 2816
D_MODEL = 256
ROWS = 8192

TILE = 512
GRID = ROWS // TILE

SC_NC = 2
SC_NS = 16
SC_NW = SC_NC * SC_NS
ROWS_PER_W = ROWS // SC_NW
CHUNK = 8
NBUF = 4
NCHUNK = ROWS_PER_W // CHUNK


def _tc_body(x_ref, w_ref, b_ref, embed_ref,
             idx_ref, vq_ref, ent_ref, pad_ref,
             e2_ref, wbf_ref, ebf_ref, prob_ref, acc_ref):
    step = pl.program_id(0)

    @pl.when(step == 0)
    def _init():
        emb = embed_ref[...]
        ee = emb * emb
        ones = jnp.ones((1, BASIS_DIM), dtype=jnp.float32)
        e2_ref[...] = lax.dot_general(
            ones, ee, (((1,), (1,)), ((), ())),
            preferred_element_type=jnp.float32,
            precision=lax.Precision.HIGHEST)
        wbf_ref[...] = w_ref[...].astype(jnp.bfloat16)
        ebf_ref[...] = emb.astype(jnp.bfloat16)
        prob_ref[...] = jnp.zeros_like(prob_ref)
        acc_ref[0] = 0.0
        pad_ref[:, :BASIS_DIM] = emb
        pad_ref[:, BASIS_DIM:] = jnp.zeros(
            (NUM_CODES, PAD_DIM - BASIS_DIM), jnp.float32)

    xbf = x_ref[...].astype(jnp.bfloat16).reshape(TILE, D_MODEL)
    z = jnp.dot(xbf, wbf_ref[...],
                preferred_element_type=jnp.float32) + b_ref[...]
    zz = jnp.sum(z * z, axis=1, keepdims=True)
    zbf = z.astype(jnp.bfloat16)
    sc = lax.dot_general(zbf, ebf_ref[...], (((1,), (1,)), ((), ())),
                         preferred_element_type=jnp.float32)
    dist = zz - 2.0 * sc + e2_ref[...]
    mind = jnp.min(dist, axis=1, keepdims=True)
    iota = lax.broadcasted_iota(jnp.int32, dist.shape, 1)
    idx = jnp.min(jnp.where(dist == mind, iota, NUM_CODES), axis=1)
    idx_ref[...] = idx.reshape(1, 1, TILE)

    p = jnp.exp(mind - dist)
    probs = p / jnp.sum(p, axis=1, keepdims=True)
    prob_ref[...] += jnp.sum(probs, axis=0, keepdims=True)
    acc_ref[0] += jnp.sum(mind)

    @pl.when(step == GRID - 1)
    def _fin():
        vq_ref[...] = jnp.full((1, 1), acc_ref[0] / (ROWS * BASIS_DIM),
                               jnp.float32)
        avg = prob_ref[...] / ROWS
        ent = -jnp.sum(avg * jnp.log(avg + 1e-8))
        ent_ref[...] = jnp.full((1, 1), ent, jnp.float32)


def _tc_stage(x, W, b2, embed):
    return pl.pallas_call(
        _tc_body,
        grid=(GRID,),
        in_specs=[
            pl.BlockSpec((TILE // 128, 128, D_MODEL), lambda i: (i, 0, 0)),
            pl.BlockSpec((D_MODEL, BASIS_DIM), lambda i: (0, 0)),
            pl.BlockSpec((1, BASIS_DIM), lambda i: (0, 0)),
            pl.BlockSpec((NUM_CODES, BASIS_DIM), lambda i: (0, 0)),
        ],
        out_specs=[
            pl.BlockSpec((1, 1, TILE), lambda i: (i, 0, 0)),
            pl.BlockSpec((1, 1), lambda i: (0, 0)),
            pl.BlockSpec((1, 1), lambda i: (0, 0)),
            pl.BlockSpec((NUM_CODES, PAD_DIM), lambda i: (0, 0)),
        ],
        out_shape=[
            jax.ShapeDtypeStruct((GRID, 1, TILE), jnp.int32),
            jax.ShapeDtypeStruct((1, 1), jnp.float32),
            jax.ShapeDtypeStruct((1, 1), jnp.float32),
            jax.ShapeDtypeStruct((NUM_CODES, PAD_DIM), jnp.float32),
        ],
        scratch_shapes=[
            pltpu.VMEM((1, NUM_CODES), jnp.float32),
            pltpu.VMEM((D_MODEL, BASIS_DIM), jnp.bfloat16),
            pltpu.VMEM((NUM_CODES, BASIS_DIM), jnp.bfloat16),
            pltpu.VMEM((1, NUM_CODES), jnp.float32),
            pltpu.SMEM((1,), jnp.float32),
        ],
        compiler_params=pltpu.CompilerParams(
            dimension_semantics=("arbitrary",),
        ),
    )(x, W, b2, embed)


@functools.cache
def _make_sc_gather():
    mesh = plsc.VectorSubcoreMesh(core_axis_name="c", subcore_axis_name="s",
                                  num_cores=SC_NC, num_subcores=SC_NS)

    @functools.partial(
        pl.kernel,
        out_type=jax.ShapeDtypeStruct((ROWS, PAD_DIM), jnp.float32),
        mesh=mesh,
        scratch_types=[
            pltpu.VMEM((ROWS_PER_W,), jnp.int32),
        ] + [pltpu.VMEM((CHUNK, PAD_DIM), jnp.float32)] * NBUF
          + [pltpu.SemaphoreType.DMA] * (2 * NBUF),
    )
    def _sc_gather(table_hbm, idx_hbm, out_hbm, idx_v, *bufsem):
        bufs = bufsem[:NBUF]
        gsem = bufsem[NBUF:2 * NBUF]
        wsem = bufsem[2 * NBUF:]
        wid = lax.axis_index("s") * SC_NC + lax.axis_index("c")
        base = wid * ROWS_PER_W
        pltpu.sync_copy(idx_hbm.at[pl.ds(base, ROWS_PER_W)], idx_v)

        def gather(c):
            pltpu.async_copy(
                table_hbm.at[idx_v.at[pl.ds(c * CHUNK, CHUNK)]],
                bufs[c % NBUF], gsem[c % NBUF])

        def wait_gather(c):
            pltpu.make_async_copy(
                table_hbm.at[idx_v.at[pl.ds(c * CHUNK, CHUNK)]],
                bufs[c % NBUF], gsem[c % NBUF]).wait()

        def write(c):
            pltpu.async_copy(
                bufs[c % NBUF],
                out_hbm.at[pl.ds(base + c * CHUNK, CHUNK)], wsem[c % NBUF])

        def wait_write(c):
            pltpu.make_async_copy(
                bufs[c % NBUF],
                out_hbm.at[pl.ds(base + c * CHUNK, CHUNK)],
                wsem[c % NBUF]).wait()

        for c in range(NBUF):
            gather(c)
        for c in range(NCHUNK):
            wait_gather(c)
            write(c)
            if c + NBUF < NCHUNK:
                wait_write(c)
                gather(c + NBUF)
        for c in range(NCHUNK - NBUF, NCHUNK):
            wait_write(c)

    return _sc_gather


def kernel(slot_features, W, b, embed):
    bb, kk, _ = slot_features.shape
    x = slot_features.reshape(ROWS // 128, 128, D_MODEL)
    b2 = b.reshape(1, BASIS_DIM)
    idx3, vq, ent, embed_pad = _tc_stage(x, W, b2, embed)
    idx_flat = idx3.reshape(ROWS)
    q = _make_sc_gather()(embed_pad, idx_flat)
    q_st = q[:, :BASIS_DIM].reshape(bb, kk, BASIS_DIM)
    indices = idx_flat.reshape(bb, kk)
    return (q_st, indices, vq.reshape(()), ent.reshape(()))

# --- scband reference (transcript-rebuilt; emitter-appended) ---
"""Pipeline reference for scband-basis-vq-16604343566408 (READ-ONLY COPY).

The authoritative reference and input builder live on the scoring server;
editing this copy changes nothing except your own understanding.
"""

import jax, jax.numpy as jnp
import numpy as np

NUM_CODES = 1024
BASIS_DIM = 2700
D_MODEL = 256
B, K = 64, 128


def setup_inputs(seed: int = 0) -> dict:
    key = jax.random.key(seed)
    k1, k2, k3, k4 = jax.random.split(key, 4)
    slot_features = jax.random.normal(k1, (B, K, D_MODEL), dtype=jnp.float32)
    # slot_proj: nn.Linear(d_model, basis_dim); store as [d_model, basis_dim] for x @ W + b
    W = jax.random.normal(k2, (D_MODEL, BASIS_DIM), dtype=jnp.float32) * 0.02
    b_bias = jax.random.normal(k3, (BASIS_DIM,), dtype=jnp.float32) * 0.01
    # NMF basis is nonnegative -> uniform init for the codebook buffer
    embed = jax.random.uniform(k4, (NUM_CODES, BASIS_DIM), dtype=jnp.float32)
    return {"slot_features": slot_features, "W": W, "b": b_bias, "embed": embed}


def reference(slot_features, W, b, embed):
    bb, kk, _ = slot_features.shape
    z_e = slot_features @ W + b  # [B, K, basis_dim]
    z_flat = z_e.reshape(bb * kk, BASIS_DIM)
    dist = (jnp.sum(z_flat ** 2, axis=1, keepdims=True)
            - 2.0 * (z_flat @ embed.T)
            + jnp.sum(embed ** 2, axis=1)[None, :])  # [B*K, num_codes]
    indices_flat = jnp.argmin(dist, axis=-1)
    indices = indices_flat.reshape(bb, kk)
    e_i = jnp.take(embed, indices_flat, axis=0).reshape(bb, kk, BASIS_DIM)
    q_st = z_e + jax.lax.stop_gradient(e_i - z_e)
    vq_loss = jnp.mean((z_e - jax.lax.stop_gradient(e_i)) ** 2)
    logits = -dist.reshape(bb, kk, NUM_CODES)
    avg_probs = jnp.mean(jax.nn.softmax(logits, axis=-1).reshape(-1, NUM_CODES), axis=0)
    entropy = -jnp.sum(avg_probs * jnp.log(avg_probs + 1e-08))
    return (q_st, indices, vq_loss, entropy)

if __name__ == "__main__":
    import jax
    _d = setup_inputs()
    print(jax.jit(kernel)(*tuple(_d.values())))

</pallas_src>

<mosaic_0001>
#map = affine_map<(d0, d1) -> (0, 0)>
#map1 = affine_map<(d0, d1) -> (0)>
module attributes {stable_mosaic.version = 14 : i64} {
  func.func @_sc_gather(%arg0: i32, %arg1: i32, %arg2: memref<1024x2816xf32, #tpu.memory_space<hbm>>, %arg3: memref<8192xi32, #tpu.memory_space<hbm>>, %arg4: memref<8192x2816xf32, #tpu.memory_space<hbm>>, %arg5: memref<256xi32, #tpu.memory_space<vmem>>, %arg6: memref<8x2816xf32, #tpu.memory_space<vmem>>, %arg7: memref<8x2816xf32, #tpu.memory_space<vmem>>, %arg8: memref<8x2816xf32, #tpu.memory_space<vmem>>, %arg9: memref<8x2816xf32, #tpu.memory_space<vmem>>, %arg10: memref<!tpu.dma_semaphore, #tpu.memory_space<semaphore_mem>>, %arg11: memref<!tpu.dma_semaphore, #tpu.memory_space<semaphore_mem>>, %arg12: memref<!tpu.dma_semaphore, #tpu.memory_space<semaphore_mem>>, %arg13: memref<!tpu.dma_semaphore, #tpu.memory_space<semaphore_mem>>, %arg14: memref<!tpu.dma_semaphore, #tpu.memory_space<semaphore_mem>>, %arg15: memref<!tpu.dma_semaphore, #tpu.memory_space<semaphore_mem>>, %arg16: memref<!tpu.dma_semaphore, #tpu.memory_space<semaphore_mem>>, %arg17: memref<!tpu.dma_semaphore, #tpu.memory_space<semaphore_mem>>) attributes {dimension_semantics = [#tpu.dimension_semantics<core_parallel>, #tpu.dimension_semantics<subcore_parallel>], iteration_bounds = array<i64: 2, 16>, scalar_prefetch = 0 : i64, scratch_operands = 13 : i64, tpu.core_type = #tpu.core_type<sc_vector_subcore>, window_params = [{transform_indices = #map}, {transform_indices = #map1}, {transform_indices = #map}]} {
    %mul3A = arith.constant 2 : i32
    %mul3A_0 = arith.muli %arg1, %mul3A : i32
    %add3A = arith.addi %mul3A_0, %arg0 : i32
    %mul3A_1 = arith.constant 256 : i32
    %mul3A_2 = arith.muli %add3A, %mul3A_1 : i32
    "tpu.region"() ({
      %run_scoped3A = tpu.sem_alloc : memref<!tpu.dma_semaphore, #tpu.memory_space<semaphore_mem>>
      %dma_start3A_705 = tpu.memref_slice %arg3[%mul3A_2] : memref<8192xi32, #tpu.memory_space<hbm>> -> memref<256xi32, #tpu.memory_space<hbm>>
      %dma_start3A_706 = tpu.memref_slice %arg3[%mul3A_2] : memref<8192xi32, #tpu.memory_space<hbm>> -> memref<256xi32, #tpu.memory_space<hbm>>
      tpu.enqueue_dma source(%dma_start3A_706 : memref<256xi32, #tpu.memory_space<hbm>>) target(%arg5 : memref<256xi32, #tpu.memory_space<vmem>>) target_semaphore(%run_scoped3A : memref<!tpu.dma_semaphore, #tpu.memory_space<semaphore_mem>>)
      %dma_wait3A_707 = tpu.memref_slice %arg3[%mul3A_2] : memref<8192xi32, #tpu.memory_space<hbm>> -> memref<256xi32, #tpu.memory_space<hbm>>
      %dma_wait3A_708 = tpu.memref_slice %arg3[%mul3A_2] : memref<8192xi32, #tpu.memory_space<hbm>> -> memref<256xi32, #tpu.memory_space<hbm>>
      tpu.wait_dma2 semaphore(%run_scoped3A : memref<!tpu.dma_semaphore, #tpu.memory_space<semaphore_mem>>) src(%dma_wait3A_708 : memref<256xi32, #tpu.memory_space<hbm>>) dst(%arg5 : memref<256xi32, #tpu.memory_space<vmem>>)
      tpu.yield
    }) : () -> ()
    %dma_start3A = arith.constant 0 : i32
    %dma_start3A_3 = tpu.memref_slice %arg5[%dma_start3A] : memref<256xi32, #tpu.memory_space<vmem>> -> memref<8xi32, #tpu.memory_space<vmem>>
    %dma_start3A_4 = arith.constant 0 : i32
    %dma_start3A_5 = arith.constant 0 : i32
    %dma_start3A_6 = tpu.memref_slice %arg2[%dma_start3A_4, %dma_start3A_5] : memref<1024x2816xf32, #tpu.memory_space<hbm>> -> memref<1024x2816xf32, #tpu.memory_space<hbm>>
    tpu.enqueue_indirect_dma source(%dma_start3A_6 : memref<1024x2816xf32, #tpu.memory_space<hbm>>) target(%arg6 : memref<8x2816xf32, #tpu.memory_space<vmem>>) offsets(%dma_start3A_3 : memref<8xi32, #tpu.memory_space<vmem>>) semaphore(%arg10 : memref<!tpu.dma_semaphore, #tpu.memory_space<semaphore_mem>>)
    %dma_start3A_7 = arith.constant 8 : i32
    %dma_start3A_8 = tpu.memref_slice %arg5[%dma_start3A_7] : memref<256xi32, #tpu.memory_space<vmem>> -> memref<8xi32, #tpu.memory_space<vmem>>
    %dma_start3A_9 = arith.constant 0 : i32
    %dma_start3A_10 = arith.constant 0 : i32
    %dma_start3A_11 = tpu.memref_slice %arg2[%dma_start3A_9, %dma_start3A_10] : memref<1024x2816xf32, #tpu.memory_space<hbm>> -> memref<1024x2816xf32, #tpu.memory_space<hbm>>
    tpu.enqueue_indirect_dma source(%dma_start3A_11 : memref<1024x2816xf32, #tpu.memory_space<hbm>>) target(%arg7 : memref<8x2816xf32, #tpu.memory_space<vmem>>) offsets(%dma_start3A_8 : memref<8xi32, #tpu.memory_space<vmem>>) semaphore(%arg11 : memref<!tpu.dma_semaphore, #tpu.memory_space<semaphore_mem>>)
    %dma_start3A_12 = arith.constant 16 : i32
    %dma_start3A_13 = tpu.memref_slice %arg5[%dma_start3A_12] : memref<256xi32, #tpu.memory_space<vmem>> -> memref<8xi32, #tpu.memory_space<vmem>>
    %dma_start3A_14 = arith.constant 0 : i32
    %dma_start3A_15 = arith.constant 0 : i32
    %dma_start3A_16 = tpu.memref_slice %arg2[%dma_start3A_14, %dma_start3A_15] : memref<1024x2816xf32, #tpu.memory_space<hbm>> -> memref<1024x2816xf32, #tpu.memory_space<hbm>>
    tpu.enqueue_indirect_dma source(%dma_start3A_16 : memref<1024x2816xf32, #tpu.memory_space<hbm>>) target(%arg8 : memref<8x2816xf32, #tpu.memory_space<vmem>>) offsets(%dma_start3A_13 : memref<8xi32, #tpu.memory_space<vmem>>) semaphore(%arg12 : memref<!tpu.dma_semaphore, #tpu.memory_space<semaphore_mem>>)
    %dma_start3A_17 = arith.constant 24 : i32
    %dma_start3A_18 = tpu.memref_slice %arg5[%dma_start3A_17] : memref<256xi32, #tpu.memory_space<vmem>> -> memref<8xi32, #tpu.memory_space<vmem>>
    %dma_start3A_19 = arith.constant 0 : i32
    %dma_start3A_20 = arith.constant 0 : i32
    %dma_start3A_21 = tpu.memref_slice %arg2[%dma_start3A_19, %dma_start3A_20] : memref<1024x2816xf32, #tpu.memory_space<hbm>> -> memref<1024x2816xf32, #tpu.memory_space<hbm>>
    tpu.enqueue_indirect_dma source(%dma_start3A_21 : memref<1024x2816xf32, #tpu.memory_space<hbm>>) target(%arg9 : memref<8x2816xf32, #tpu.memory_space<vmem>>) offsets(%dma_start3A_18 : memref<8xi32, #tpu.memory_space<vmem>>) semaphore(%arg13 : memref<!tpu.dma_semaphore, #tpu.memory_space<semaphore_mem>>)
    %dma_wait3A = arith.constant 0 : i32
    %dma_wait3A_22 = tpu.memref_slice %arg5[%dma_wait3A] : memref<256xi32, #tpu.memory_space<vmem>> -> memref<8xi32, #tpu.memory_space<vmem>>
    %dma_wait3A_23 = arith.constant 0 : i32
    %dma_wait3A_24 = arith.constant 0 : i32
    %dma_wait3A_25 = tpu.memref_slice %arg2[%dma_wait3A_23, %dma_wait3A_24] : memref<1024x2816xf32, #tpu.memory_space<hbm>> -> memref<1024x2816xf32, #tpu.memory_space<hbm>>
    tpu.wait_indirect_dma semaphore(%arg10 : memref<!tpu.dma_semaphore, #tpu.memory_space<semaphore_mem>>) src(%dma_wait3A_25 : memref<1024x2816xf32, #tpu.memory_space<hbm>>) dst(%arg6 : memref<8x2816xf32, #tpu.memory_space<vmem>>)
    %add3A_26 = arith.constant 0 : i32
    %add3A_27 = arith.addi %mul3A_2, %add3A_26 : i32
    %dma_start3A_28 = arith.constant 0 : i32
    %dma_start3A_29 = tpu.memref_slice %arg4[%add3A_27, %dma_start3A_28] : memref<8192x2816xf32, #tpu.memory_space<hbm>> -> memref<8x2816xf32, #tpu.memory_space<hbm>>
    %dma_start3A_30 = arith.constant 0 : i32
    %dma_start3A_31 = tpu.memref_slice %arg4[%add3A_27, %dma_start3A_30] : memref<8192x2816xf32, #tpu.memory_space<hbm>> -> memref<8x2816xf32, #tpu.memory_space<hbm>>
    tpu.enqueue_dma source(%arg6 : memref<8x2816xf32, #tpu.memory_space<vmem>>) target(%dma_start3A_31 : memref<8x2816xf32, #tpu.memory_space<hbm>>) target_semaphore(%arg14 : memref<!tpu.dma_semaphore, #tpu.memory_space<semaphore_mem>>)
    %add3A_32 = arith.constant 0 : i32
    %add3A_33 = arith.addi %mul3A_2, %add3A_32 : i32
    %dma_wait3A_34 = arith.constant 0 : i32
    %dma_wait3A_35 = tpu.memref_slice %arg4[%add3A_33, %dma_wait3A_34] : memref<8192x2816xf32, #tpu.memory_space<hbm>> -> memref<8x2816xf32, #tpu.memory_space<hbm>>
    %dma_wait3A_36 = arith.constant 0 : i32
    %dma_wait3A_37 = tpu.memref_slice %arg4[%add3A_33, %dma_wait3A_36] : memref<8192x2816xf32, #tpu.memory_space<hbm>> -> memref<8x2816xf32, #tpu.memory_space<hbm>>
    tpu.wait_dma2 semaphore(%arg14 : memref<!tpu.dma_semaphore, #tpu.memory_space<semaphore_mem>>) src(%arg6 : memref<8x2816xf32, #tpu.memory_space<vmem>>) dst(%dma_wait3A_37 : memref<8x2816xf32, #tpu.memory_space<hbm>>)
    %dma_start3A_38 = arith.constant 32 : i32
    %dma_start3A_39 = tpu.memref_slice %arg5[%dma_start3A_38] : memref<256xi32, #tpu.memory_space<vmem>> -> memref<8xi32, #tpu.memory_space<vmem>>
    %dma_start3A_40 = arith.constant 0 : i32
    %dma_start3A_41 = arith.constant 0 : i32
    %dma_start3A_42 = tpu.memref_slice %arg2[%dma_start3A_40, %dma_start3A_41] : memref<1024x2816xf32, #tpu.memory_space<hbm>> -> memref<1024x2816xf32, #tpu.memory_space<hbm>>
    tpu.enqueue_indirect_dma source(%dma_start3A_42 : memref<1024x2816xf32, #tpu.memory_space<hbm>>) target(%arg6 : memref<8x2816xf32, #tpu.memory_space<vmem>>) offsets(%dma_start3A_39 : memref<8xi32, #tpu.memory_space<vmem>>) semaphore(%arg10 : memref<!tpu.dma_semaphore, #tpu.memory_space<semaphore_mem>>)
    %dma_wait3A_43 = arith.constant 8 : i32
    %dma_wait3A_44 = tpu.memref_slice %arg5[%dma_wait3A_43] : memref<256xi32, #tpu.memory_space<vmem>> -> memref<8xi32, #tpu.memory_space<vmem>>
    %dma_wait3A_45 = arith.constant 0 : i32
    %dma_wait3A_46 = arith.constant 0 : i32
    %dma_wait3A_47 = tpu.memref_slice %arg2[%dma_wait3A_45, %dma_wait3A_46] : memref<1024x2816xf32, #tpu.memory_space<hbm>> -> memref<1024x2816xf32, #tpu.memory_space<hbm>>
    tpu.wait_indirect_dma semaphore(%arg11 : memref<!tpu.dma_semaphore, #tpu.memory_space<semaphore_mem>>) src(%dma_wait3A_47 : memref<1024x2816xf32, #tpu.memory_space<hbm>>) dst(%arg7 : memref<8x2816xf32, #tpu.memory_space<vmem>>)
    %add3A_48 = arith.constant 8 : i32
    %add3A_49 = arith.addi %mul3A_2, %add3A_48 : i32
    %dma_start3A_50 = arith.constant 0 : i32
    %dma_start3A_51 = tpu.memref_slice %arg4[%add3A_49, %dma_start3A_50] : memref<8192x2816xf32, #tpu.memory_space<hbm>> -> memref<8x2816xf32, #tpu.memory_space<hbm>>
    %dma_start3A_52 = arith.constant 0 : i32
    %dma_start3A_53 = tpu.memref_slice %arg4[%add3A_49, %dma_start3A_52] : memref<8192x2816xf32, #tpu.memory_space<hbm>> -> memref<8x2816xf32, #tpu.memory_space<hbm>>
    tpu.enqueue_dma source(%arg7 : memref<8x2816xf32, #tpu.memory_space<vmem>>) target(%dma_start3A_53 : memref<8x2816xf32, #tpu.memory_space<hbm>>) target_semaphore(%arg15 : memref<!tpu.dma_semaphore, #tpu.memory_space<semaphore_mem>>)
    %add3A_54 = arith.constant 8 : i32
    %add3A_55 = arith.addi %mul3A_2, %add3A_54 : i32
    %dma_wait3A_56 = arith.constant 0 : i32
    %dma_wait3A_57 = tpu.memref_slice %arg4[%add3A_55, %dma_wait3A_56] : memref<8192x2816xf32, #tpu.memory_space<hbm>> -> memref<8x2816xf32, #tpu.memory_space<hbm>>
    %dma_wait3A_58 = arith.constant 0 : i32
    %dma_wait3A_59 = tpu.memref_slice %arg4[%add3A_55, %dma_wait3A_58] : memref<8192x2816xf32, #tpu.memory_space<hbm>> -> memref<8x2816xf32, #tpu.memory_space<hbm>>
    tpu.wait_dma2 semaphore(%arg15 : memref<!tpu.dma_semaphore, #tpu.memory_space<semaphore_mem>>) src(%arg7 : memref<8x2816xf32, #tpu.memory_space<vmem>>) dst(%dma_wait3A_59 : memref<8x2816xf32, #tpu.memory_space<hbm>>)
    %dma_start3A_60 = arith.constant 40 : i32
    %dma_start3A_61 = tpu.memref_slice %arg5[%dma_start3A_60] : memref<256xi32, #tpu.memory_space<vmem>> -> memref<8xi32, #tpu.memory_space<vmem>>
    %dma_start3A_62 = arith.constant 0 : i32
    %dma_start3A_63 = arith.constant 0 : i32
    %dma_start3A_64 = tpu.memref_slice %arg2[%dma_start3A_62, %dma_start3A_63] : memref<1024x2816xf32, #tpu.memory_space<hbm>> -> memref<1024x2816xf32, #tpu.memory_space<hbm>>
    tpu.enqueue_indirect_dma source(%dma_start3A_64 : memref<1024x2816xf32, #tpu.memory_space<hbm>>) target(%arg7 : memref<8x2816xf32, #tpu.memory_space<vmem>>) offsets(%dma_start3A_61 : memref<8xi32, #tpu.memory_space<vmem>>) semaphore(%arg11 : memref<!tpu.dma_semaphore, #tpu.memory_space<semaphore_mem>>)
    %dma_wait3A_65 = arith.constant 16 : i32
    %dma_wait3A_66 = tpu.memref_slice %arg5[%dma_wait3A_65] : memref<256xi32, #tpu.memory_space<vmem>> -> memref<8xi32, #tpu.memory_space<vmem>>
    %dma_wait3A_67 = arith.constant 0 : i32
    %dma_wait3A_68 = arith.constant 0 : i32
    %dma_wait3A_69 = tpu.memref_slice %arg2[%dma_wait3A_67, %dma_wait3A_68] : memref<1024x2816xf32, #tpu.memory_space<hbm>> -> memref<1024x2816xf32, #tpu.memory_space<hbm>>
    tpu.wait_indirect_dma semaphore(%arg12 : memref<!tpu.dma_semaphore, #tpu.memory_space<semaphore_mem>>) src(%dma_wait3A_69 : memref<1024x2816xf32, #tpu.memory_space<hbm>>) dst(%arg8 : memref<8x2816xf32, #tpu.memory_space<vmem>>)
    %add3A_70 = arith.constant 16 : i32
    %add3A_71 = arith.addi %mul3A_2, %add3A_70 : i32
    %dma_start3A_72 = arith.constant 0 : i32
    %dma_start3A_73 = tpu.memref_slice %arg4[%add3A_71, %dma_start3A_72] : memref<8192x2816xf32, #tpu.memory_space<hbm>> -> memref<8x2816xf32, #tpu.memory_space<hbm>>
    %dma_start3A_74 = arith.constant 0 : i32
    %dma_start3A_75 = tpu.memref_slice %arg4[%add3A_71, %dma_start3A_74] : memref<8192x2816xf32, #tpu.memory_space<hbm>> -> memref<8x2816xf32, #tpu.memory_space<hbm>>
    tpu.enqueue_dma source(%arg8 : memref<8x2816xf32, #tpu.memory_space<vmem>>) target(%dma_start3A_75 : memref<8x2816xf32, #tpu.memory_space<hbm>>) target_semaphore(%arg16 : memref<!tpu.dma_semaphore, #tpu.memory_space<semaphore_mem>>)
    %add3A_76 = arith.constant 16 : i32
    %add3A_77 = arith.addi %mul3A_2, %add3A_76 : i32
    %dma_wait3A_78 = arith.constant 0 : i32
    %dma_wait3A_79 = tpu.memref_slice %arg4[%add3A_77, %dma_wait3A_78] : memref<8192x2816xf32, #tpu.memory_space<hbm>> -> memref<8x2816xf32, #tpu.memory_space<hbm>>
    %dma_wait3A_80 = arith.constant 0 : i32
    %dma_wait3A_81 = tpu.memref_slice %arg4[%add3A_77, %dma_wait3A_80] : memref<8192x2816xf32, #tpu.memory_space<hbm>> -> memref<8x2816xf32, #tpu.memory_space<hbm>>
    tpu.wait_dma2 semaphore(%arg16 : memref<!tpu.dma_semaphore, #tpu.memory_space<semaphore_mem>>) src(%arg8 : memref<8x2816xf32, #tpu.memory_space<vmem>>) dst(%dma_wait3A_81 : memref<8x2816xf32, #tpu.memory_space<hbm>>)
    %dma_start3A_82 = arith.constant 48 : i32
    %dma_start3A_83 = tpu.memref_slice %arg5[%dma_start3A_82] : memref<256xi32, #tpu.memory_space<vmem>> -> memref<8xi32, #tpu.memory_space<vmem>>
    %dma_start3A_84 = arith.constant 0 : i32
    %dma_start3A_85 = arith.constant 0 : i32
    %dma_start3A_86 = tpu.memref_slice %arg2[%dma_start3A_84, %dma_start3A_85] : memref<1024x2816xf32, #tpu.memory_space<hbm>> -> memref<1024x2816xf32, #tpu.memory_space<hbm>>
    tpu.enqueue_indirect_dma source(%dma_start3A_86 : memref<1024x2816xf32, #tpu.memory_space<hbm>>) target(%arg8 : memref<8x2816xf32, #tpu.memory_space<vmem>>) offsets(%dma_start3A_83 : memref<8xi32, #tpu.memory_space<vmem>>) semaphore(%arg12 : memref<!tpu.dma_semaphore, #tpu.memory_space<semaphore_mem>>)
    %dma_wait3A_87 = arith.constant 24 : i32
    %dma_wait3A_88 = tpu.memref_slice %arg5[%dma_wait3A_87] : memref<256xi32, #tpu.memory_space<vmem>> -> memref<8xi32, #tpu.memory_space<vmem>>
    %dma_wait3A_89 = arith.constant 0 : i32
    %dma_wait3A_90 = arith.constant 0 : i32
    %dma_wait3A_91 = tpu.memref_slice %arg2[%dma_wait3A_89, %dma_wait3A_90] : memref<1024x2816xf32, #tpu.memory_space<hbm>> -> memref<1024x2816xf32, #tpu.memory_space<hbm>>
    tpu.wait_indirect_dma semaphore(%arg13 : memref<!tpu.dma_semaphore, #tpu.memory_space<semaphore_mem>>) src(%dma_wait3A_91 : memref<1024x2816xf32, #tpu.memory_space<hbm>>) dst(%arg9 : memref<8x2816xf32, #tpu.memory_space<vmem>>)
    %add3A_92 = arith.constant 24 : i32
    %add3A_93 = arith.addi %mul3A_2, %add3A_92 : i32
    %dma_start3A_94 = arith.constant 0 : i32
    %dma_start3A_95 = tpu.memref_slice %arg4[%add3A_93, %dma_start3A_94] : memref<8192x2816xf32, #tpu.memory_space<hbm>> -> memref<8x2816xf32, #tpu.memory_space<hbm>>
    %dma_start3A_96 = arith.constant 0 : i32
    %dma_start3A_97 = tpu.memref_slice %arg4[%add3A_93, %dma_start3A_96] : memref<8192x2816xf32, #tpu.memory_space<hbm>> -> memref<8x2816xf32, #tpu.memory_space<hbm>>
    tpu.enqueue_dma source(%arg9 : memref<8x2816xf32, #tpu.memory_space<vmem>>) target(%dma_start3A_97 : memref<8x2816xf32, #tpu.memory_space<hbm>>) target_semaphore(%arg17 : memref<!tpu.dma_semaphore, #tpu.memory_space<semaphore_mem>>)
    %add3A_98 = arith.constant 24 : i32
    %add3A_99 = arith.addi %mul3A_2, %add3A_98 : i32
    %dma_wait3A_100 = arith.constant 0 : i32
    %dma_wait3A_101 = tpu.memref_slice %arg4[%add3A_99, %dma_wait3A_100] : memref<8192x2816xf32, #tpu.memory_space<hbm>> -> memref<8x2816xf32, #tpu.memory_space<hbm>>
    %dma_wait3A_102 = arith.constant 0 : i32
    %dma_wait3A_103 = tpu.memref_slice %arg4[%add3A_99, %dma_wait3A_102] : memref<8192x2816xf32, #tpu.memory_space<hbm>> -> memref<8x2816xf32, #tpu.memory_space<hbm>>
    tpu.wait_dma2 semaphore(%arg17 : memref<!tpu.dma_semaphore, #tpu.memory_space<semaphore_mem>>) src(%arg9 : memref<8x2816xf32, #tpu.memory_space<vmem>>) dst(%dma_wait3A_103 : memref<8x2816xf32, #tpu.memory_space<hbm>>)
    %dma_start3A_104 = arith.constant 56 : i32
    %dma_start3A_105 = tpu.memref_slice %arg5[%dma_start3A_104] : memref<256xi32, #tpu.memory_space<vmem>> -> memref<8xi32, #tpu.memory_space<vmem>>
    %dma_start3A_106 = arith.constant 0 : i32
    %dma_start3A_107 = arith.constant 0 : i32
    %dma_start3A_108 = tpu.memref_slice %arg2[%dma_start3A_106, %dma_start3A_107] : memref<1024x2816xf32, #tpu.memory_space<hbm>> -> memref<1024x2816xf32, #tpu.memory_space<hbm>>
    tpu.enqueue_indirect_dma source(%dma_start3A_108 : memref<1024x2816xf32, #tpu.memory_space<hbm>>) target(%arg9 : memref<8x2816xf32, #tpu.memory_space<vmem>>) offsets(%dma_start3A_105 : memref<8xi32, #tpu.memory_space<vmem>>) semaphore(%arg13 : memref<!tpu.dma_semaphore, #tpu.memory_space<semaphore_mem>>)
    %dma_wait3A_109 = arith.constant 32 : i32
    %dma_wait3A_110 = tpu.memref_slice %arg5[%dma_wait3A_109] : memref<256xi32, #tpu.memory_space<vmem>> -> memref<8xi32, #tpu.memory_space<vmem>>
    %dma_wait3A_111 = arith.constant 0 : i32
    %dma_wait3A_112 = arith.constant 0 : i32
    %dma_wait3A_113 = tpu.memref_slice %arg2[%dma_wait3A_111, %dma_wait3A_112] : memref<1024x2816xf32, #tpu.memory_space<hbm>> -> memref<1024x2816xf32, #tpu.memory_space<hbm>>
    tpu.wait_indirect_dma semaphore(%arg10 : memref<!tpu.dma_semaphore, #tpu.memory_space<semaphore_mem>>) src(%dma_wait3A_113 : memref<1024x2816xf32, #tpu.memory_space<hbm>>) dst(%arg6 : memref<8x2816xf32, #tpu.memory_space<vmem>>)
    %add3A_114 = arith.constant 32 : i32
    %add3A_115 = arith.addi %mul3A_2, %add3A_114 : i32
    %dma_start3A_116 = arith.constant 0 : i32
    %dma_start3A_117 = tpu.memref_slice %arg4[%add3A_115, %dma_start3A_116] : memref<8192x2816xf32, #tpu.memory_space<hbm>> -> memref<8x2816xf32, #tpu.memory_space<hbm>>
    %dma_start3A_118 = arith.constant 0 : i32
    %dma_start3A_119 = tpu.memref_slice %arg4[%add3A_115, %dma_start3A_118] : memref<8192x2816xf32, #tpu.memory_space<hbm>> -> memref<8x2816xf32, #tpu.memory_space<hbm>>
    tpu.enqueue_dma source(%arg6 : memref<8x2816xf32, #tpu.memory_space<vmem>>) target(%dma_start3A_119 : memref<8x2816xf32, #tpu.memory_space<hbm>>) target_semaphore(%arg14 : memref<!tpu.dma_semaphore, #tpu.memory_space<semaphore_mem>>)
    %add3A_120 = arith.constant 32 : i32
    %add3A_121 = arith.addi %mul3A_2, %add3A_120 : i32
    %dma_wait3A_122 = arith.constant 0 : i32
    %dma_wait3A_123 = tpu.memref_slice %arg4[%add3A_121, %dma_wait3A_122] : memref<8192x2816xf32, #tpu.memory_space<hbm>> -> memref<8x2816xf32, #tpu.memory_space<hbm>>
    %dma_wait3A_124 = arith.constant 0 : i32
    %dma_wait3A_125 = tpu.memref_slice %arg4[%add3A_121, %dma_wait3A_124] : memref<8192x2816xf32, #tpu.memory_space<hbm>> -> memref<8x2816xf32, #tpu.memory_space<hbm>>
    tpu.wait_dma2 semaphore(%arg14 : memref<!tpu.dma_semaphore, #tpu.memory_space<semaphore_mem>>) src(%arg6 : memref<8x2816xf32, #tpu.memory_space<vmem>>) dst(%dma_wait3A_125 : memref<8x2816xf32, #tpu.memory_space<hbm>>)
    %dma_start3A_126 = arith.constant 64 : i32
    %dma_start3A_127 = tpu.memref_slice %arg5[%dma_start3A_126] : memref<256xi32, #tpu.memory_space<vmem>> -> memref<8xi32, #tpu.memory_space<vmem>>
    %dma_start3A_128 = arith.constant 0 : i32
    %dma_start3A_129 = arith.constant 0 : i32
    %dma_start3A_130 = tpu.memref_slice %arg2[%dma_start3A_128, %dma_start3A_129] : memref<1024x2816xf32, #tpu.memory_space<hbm>> -> memref<1024x2816xf32, #tpu.memory_space<hbm>>
    tpu.enqueue_indirect_dma source(%dma_start3A_130 : memref<1024x2816xf32, #tpu.memory_space<hbm>>) target(%arg6 : memref<8x2816xf32, #tpu.memory_space<vmem>>) offsets(%dma_start3A_127 : memref<8xi32, #tpu.memory_space<vmem>>) semaphore(%arg10 : memref<!tpu.dma_semaphore, #tpu.memory_space<semaphore_mem>>)
    %dma_wait3A_131 = arith.constant 40 : i32
    %dma_wait3A_132 = tpu.memref_slice %arg5[%dma_wait3A_131] : memref<256xi32, #tpu.memory_space<vmem>> -> memref<8xi32, #tpu.memory_space<vmem>>
    %dma_wait3A_133 = arith.constant 0 : i32
    %dma_wait3A_134 = arith.constant 0 : i32
    %dma_wait3A_135 = tpu.memref_slice %arg2[%dma_wait3A_133, %dma_wait3A_134] : memref<1024x2816xf32, #tpu.memory_space<hbm>> -> memref<1024x2816xf32, #tpu.memory_space<hbm>>
    tpu.wait_indirect_dma semaphore(%arg11 : memref<!tpu.dma_semaphore, #tpu.memory_space<semaphore_mem>>) src(%dma_wait3A_135 : memref<1024x2816xf32, #tpu.memory_space<hbm>>) dst(%arg7 : memref<8x2816xf32, #tpu.memory_space<vmem>>)
    %add3A_136 = arith.constant 40 : i32
    %add3A_137 = arith.addi %mul3A_2, %add3A_136 : i32
    %dma_start3A_138 = arith.constant 0 : i32
    %dma_start3A_139 = tpu.memref_slice %arg4[%add3A_137, %dma_start3A_138] : memref<8192x2816xf32, #tpu.memory_space<hbm>> -> memref<8x2816xf32, #tpu.memory_space<hbm>>
    %dma_start3A_140 = arith.constant 0 : i32
    %dma_start3A_141 = tpu.memref_slice %arg4[%add3A_137, %dma_start3A_140] : memref<8192x2816xf32, #tpu.memory_space<hbm>> -> memref<8x2816xf32, #tpu.memory_space<hbm>>
    tpu.enqueue_dma source(%arg7 : memref<8x2816xf32, #tpu.memory_space<vmem>>) target(%dma_start3A_141 : memref<8x2816xf32, #tpu.memory_space<hbm>>) target_semaphore(%arg15 : memref<!tpu.dma_semaphore, #tpu.memory_space<semaphore_mem>>)
    %add3A_142 = arith.constant 40 : i32
    %add3A_143 = arith.addi %mul3A_2, %add3A_142 : i32
    %dma_wait3A_144 = arith.constant 0 : i32
    %dma_wait3A_145 = tpu.memref_slice %arg4[%add3A_143, %dma_wait3A_144] : memref<8192x2816xf32, #tpu.memory_space<hbm>> -> memref<8x2816xf32, #tpu.memory_space<hbm>>
    %dma_wait3A_146 = arith.constant 0 : i32
    %dma_wait3A_147 = tpu.memref_slice %arg4[%add3A_143, %dma_wait3A_146] : memref<8192x2816xf32, #tpu.memory_space<hbm>> -> memref<8x2816xf32, #tpu.memory_space<hbm>>
    tpu.wait_dma2 semaphore(%arg15 : memref<!tpu.dma_semaphore, #tpu.memory_space<semaphore_mem>>) src(%arg7 : memref<8x2816xf32, #tpu.memory_space<vmem>>) dst(%dma_wait3A_147 : memref<8x2816xf32, #tpu.memory_space<hbm>>)
    %dma_start3A_148 = arith.constant 72 : i32
    %dma_start3A_149 = tpu.memref_slice %arg5[%dma_start3A_148] : memref<256xi32, #tpu.memory_space<vmem>> -> memref<8xi32, #tpu.memory_space<vmem>>
    %dma_start3A_150 = arith.constant 0 : i32
    %dma_start3A_151 = arith.constant 0 : i32
    %dma_start3A_152 = tpu.memref_slice %arg2[%dma_start3A_150, %dma_start3A_151] : memref<1024x2816xf32, #tpu.memory_space<hbm>> -> memref<1024x2816xf32, #tpu.memory_space<hbm>>
    tpu.enqueue_indirect_dma source(%dma_start3A_152 : memref<1024x2816xf32, #tpu.memory_space<hbm>>) target(%arg7 : memref<8x2816xf32, #tpu.memory_space<vmem>>) offsets(%dma_start3A_149 : memref<8xi32, #tpu.memory_space<vmem>>) semaphore(%arg11 : memref<!tpu.dma_semaphore, #tpu.memory_space<semaphore_mem>>)
    %dma_wait3A_153 = arith.constant 48 : i32
    %dma_wait3A_154 = tpu.memref_slice %arg5[%dma_wait3A_153] : memref<256xi32, #tpu.memory_space<vmem>> -> memref<8xi32, #tpu.memory_space<vmem>>
    %dma_wait3A_155 = arith.constant 0 : i32
    %dma_wait3A_156 = arith.constant 0 : i32
    %dma_wait3A_157 = tpu.memref_slice %arg2[%dma_wait3A_155, %dma_wait3A_156] : memref<1024x2816xf32, #tpu.memory_space<hbm>> -> memref<1024x2816xf32, #tpu.memory_space<hbm>>
    tpu.wait_indirect_dma semaphore(%arg12 : memref<!tpu.dma_semaphore, #tpu.memory_space<semaphore_mem>>) src(%dma_wait3A_157 : memref<1024x2816xf32, #tpu.memory_space<hbm>>) dst(%arg8 : memref<8x2816xf32, #tpu.memory_space<vmem>>)
    %add3A_158 = arith.constant 48 : i32
    %add3A_159 = arith.addi %mul3A_2, %add3A_158 : i32
    %dma_start3A_160 = arith.constant 0 : i32
    %dma_start3A_161 = tpu.memref_slice %arg4[%add3A_159, %dma_start3A_160] : memref<8192x2816xf32, #tpu.memory_space<hbm>> -> memref<8x2816xf32, #tpu.memory_space<hbm>>
    %dma_start3A_162 = arith.constant 0 : i32
    %dma_start3A_163 = tpu.memref_slice %arg4[%add3A_159, %dma_start3A_162] : memref<8192x2816xf32, #tpu.memory_space<hbm>> -> memref<8x2816xf32, #tpu.memory_space<hbm>>
    tpu.enqueue_dma source(%arg8 : memref<8x2816xf32, #tpu.memory_space<vmem>>) target(%dma_start3A_163 : memref<8x2816xf32, #tpu.memory_space<hbm>>) target_semaphore(%arg16 : memref<!tpu.dma_semaphore, #tpu.memory_space<semaphore_mem>>)
    %add3A_164 = arith.constant 48 : i32
    %add3A_165 = arith.addi %mul3A_2, %add3A_164 : i32
    %dma_wait3A_166 = arith.constant 0 : i32
    %dma_wait3A_167 = tpu.memref_slice %arg4[%add3A_165, %dma_wait3A_166] : memref<8192x2816xf32, #tpu.memory_space<hbm>> -> memref<8x2816xf32, #tpu.memory_space<hbm>>
    %dma_wait3A_168 = arith.constant 0 : i32
    %dma_wait3A_169 = tpu.memref_slice %arg4[%add3A_165, %dma_wait3A_168] : memref<8192x2816xf32, #tpu.memory_space<hbm>> -> memref<8x2816xf32, #tpu.memory_space<hbm>>
    tpu.wait_dma2 semaphore(%arg16 : memref<!tpu.dma_semaphore, #tpu.memory_space<semaphore_mem>>) src(%arg8 : memref<8x2816xf32, #tpu.memory_space<vmem>>) dst(%dma_wait3A_169 : memref<8x2816xf32, #tpu.memory_space<hbm>>)
    %dma_start3A_170 = arith.constant 80 : i32
    %dma_start3A_171 = tpu.memref_slice %arg5[%dma_start3A_170] : memref<256xi32, #tpu.memory_space<vmem>> -> memref<8xi32, #tpu.memory_space<vmem>>
    %dma_start3A_172 = arith.constant 0 : i32
    %dma_start3A_173 = arith.constant 0 : i32
    %dma_start3A_174 = tpu.memref_slice %arg2[%dma_start3A_172, %dma_start3A_173] : memref<1024x2816xf32, #tpu.memory_space<hbm>> -> memref<1024x2816xf32, #tpu.memory_space<hbm>>
    tpu.enqueue_indirect_dma source(%dma_start3A_174 : memref<1024x2816xf32, #tpu.memory_space<hbm>>) target(%arg8 : memref<8x2816xf32, #tpu.memory_space<vmem>>) offsets(%dma_start3A_171 : memref<8xi32, #tpu.memory_space<vmem>>) semaphore(%arg12 : memref<!tpu.dma_semaphore, #tpu.memory_space<semaphore_mem>>)
    %dma_wait3A_175 = arith.constant 56 : i32
    %dma_wait3A_176 = tpu.memref_slice %arg5[%dma_wait3A_175] : memref<256xi32, #tpu.memory_space<vmem>> -> memref<8xi32, #tpu.memory_space<vmem>>
    %dma_wait3A_177 = arith.constant 0 : i32
    %dma_wait3A_178 = arith.constant 0 : i32
    %dma_wait3A_179 = tpu.memref_slice %arg2[%dma_wait3A_177, %dma_wait3A_178] : memref<1024x2816xf32, #tpu.memory_space<hbm>> -> memref<1024x2816xf32, #tpu.memory_space<hbm>>
    tpu.wait_indirect_dma semaphore(%arg13 : memref<!tpu.dma_semaphore, #tpu.memory_space<semaphore_mem>>) src(%dma_wait3A_179 : memref<1024x2816xf32, #tpu.memory_space<hbm>>) dst(%arg9 : memref<8x2816xf32, #tpu.memory_space<vmem>>)
    %add3A_180 = arith.constant 56 : i32
    %add3A_181 = arith.addi %mul3A_2, %add3A_180 : i32
    %dma_start3A_182 = arith.constant 0 : i32
    %dma_start3A_183 = tpu.memref_slice %arg4[%add3A_181, %dma_start3A_182] : memref<8192x2816xf32, #tpu.memory_space<hbm>> -> memref<8x2816xf32, #tpu.memory_space<hbm>>
    %dma_start3A_184 = arith.constant 0 : i32
    %dma_start3A_185 = tpu.memref_slice %arg4[%add3A_181, %dma_start3A_184] : memref<8192x2816xf32, #tpu.memory_space<hbm>> -> memref<8x2816xf32, #tpu.memory_space<hbm>>
    tpu.enqueue_dma source(%arg9 : memref<8x2816xf32, #tpu.memory_space<vmem>>) target(%dma_start3A_185 : memref<8x2816xf32, #tpu.memory_space<hbm>>) target_semaphore(%arg17 : memref<!tpu.dma_semaphore, #tpu.memory_space<semaphore_mem>>)
    %add3A_186 = arith.constant 56 : i32
    %add3A_187 = arith.addi %mul3A_2, %add3A_186 : i32
    %dma_wait3A_188 = arith.constant 0 : i32
    %dma_wait3A_189 = tpu.memref_slice %arg4[%add3A_187, %dma_wait3A_188] : memref<8192x2816xf32, #tpu.memory_space<hbm>> -> memref<8x2816xf32, #tpu.memory_space<hbm>>
    %dma_wait3A_190 = arith.constant 0 : i32
    %dma_wait3A_191 = tpu.memref_slice %arg4[%add3A_187, %dma_wait3A_190] : memref<8192x2816xf32, #tpu.memory_space<hbm>> -> memref<8x2816xf32, #tpu.memory_space<hbm>>
    tpu.wait_dma2 semaphore(%arg17 : memref<!tpu.dma_semaphore, #tpu.memory_space<semaphore_mem>>) src(%arg9 : memref<8x2816xf32, #tpu.memory_space<vmem>>) dst(%dma_wait3A_191 : memref<8x2816xf32, #tpu.memory_space<hbm>>)
    %dma_start3A_192 = arith.constant 88 : i32
    %dma_start3A_193 = tpu.memref_slice %arg5[%dma_start3A_192] : memref<256xi32, #tpu.memory_space<vmem>> -> memref<8xi32, #tpu.memory_space<vmem>>
    %dma_start3A_194 = arith.constant 0 : i32
    %dma_start3A_195 = arith.constant 0 : i32
    %dma_start3A_196 = tpu.memref_slice %arg2[%dma_start3A_194, %dma_start3A_195] : memref<1024x2816xf32, #tpu.memory_space<hbm>> -> memref<1024x2816xf32, #tpu.memory_space<hbm>>
    tpu.enqueue_indirect_dma source(%dma_start3A_196 : memref<1024x2816xf32, #tpu.memory_space<hbm>>) target(%arg9 : memref<8x2816xf32, #tpu.memory_space<vmem>>) offsets(%dma_start3A_193 : memref<8xi32, #tpu.memory_space<vmem>>) semaphore(%arg13 : memref<!tpu.dma_semaphore, #tpu.memory_space<semaphore_mem>>)
    %dma_wait3A_197 = arith.constant 64 : i32
    %dma_wait3A_198 = tpu.memref_slice %arg5[%dma_wait3A_197] : memref<256xi32, #tpu.memory_space<vmem>> -> memref<8xi32, #tpu.memory_space<vmem>>
    %dma_wait3A_199 = arith.constant 0 : i32
    %dma_wait3A_200 = arith.constant 0 : i32
    %dma_wait3A_201 = tpu.memref_slice %arg2[%dma_wait3A_199, %dma_wait3A_200] : memref<1024x2816xf32, #tpu.memory_space<hbm>> -> memref<1024x2816xf32, #tpu.memory_space<hbm>>
    tpu.wait_indirect_dma semaphore(%arg10 : memref<!tpu.dma_semaphore, #tpu.memory_space<semaphore_mem>>) src(%dma_wait3A_201 : memref<1024x2816xf32, #tpu.memory_space<hbm>>) dst(%arg6 : memref<8x2816xf32, #tpu.memory_space<vmem>>)
    %add3A_202 = arith.constant 64 : i32
    %add3A_203 = arith.addi %mul3A_2, %add3A_202 : i32
    %dma_start3A_204 = arith.constant 0 : i32
    %dma_start3A_205 = tpu.memref_slice %arg4[%add3A_203, %dma_start3A_204] : memref<8192x2816xf32, #tpu.memory_space<hbm>> -> memref<8x2816xf32, #tpu.memory_space<hbm>>
    %dma_start3A_206 = arith.constant 0 : i32
    %dma_start3A_207 = tpu.memref_slice %arg4[%add3A_203, %dma_start3A_206] : memref<8192x2816xf32, #tpu.memory_space<hbm>> -> memref<8x2816xf32, #tpu.memory_space<hbm>>
    tpu.enqueue_dma source(%arg6 : memref<8x2816xf32, #tpu.memory_space<vmem>>) target(%dma_start3A_207 : memref<8x2816xf32, #tpu.memory_space<hbm>>) target_semaphore(%arg14 : memref<!tpu.dma_semaphore, #tpu.memory_space<semaphore_mem>>)
    %add3A_208 = arith.constant 64 : i32
    %add3A_209 = arith.addi %mul3A_2, %add3A_208 : i32
    %dma_wait3A_210 = arith.constant 0 : i32
    %dma_wait3A_211 = tpu.memref_slice %arg4[%add3A_209, %dma_wait3A_210] : memref<8192x2816xf32, #tpu.memory_space<hbm>> -> memref<8x2816xf32, #tpu.memory_space<hbm>>
    %dma_wait3A_212 = arith.constant 0 : i32
    %dma_wait3A_213 = tpu.memref_slice %arg4[%add3A_209, %dma_wait3A_212] : memref<8192x2816xf32, #tpu.memory_space<hbm>> -> memref<8x2816xf32, #tpu.memory_space<hbm>>
    tpu.wait_dma2 semaphore(%arg14 : memref<!tpu.dma_semaphore, #tpu.memory_space<semaphore_mem>>) src(%arg6 : memref<8x2816xf32, #tpu.memory_space<vmem>>) dst(%dma_wait3A_213 : memref<8x2816xf32, #tpu.memory_space<hbm>>)
    %dma_start3A_214 = arith.constant 96 : i32
    %dma_start3A_215 = tpu.memref_slice %arg5[%dma_start3A_214] : memref<256xi32, #tpu.memory_space<vmem>> -> memref<8xi32, #tpu.memory_space<vmem>>
    %dma_start3A_216 = arith.constant 0 : i32
    %dma_start3A_217 = arith.constant 0 : i32
    %dma_start3A_218 = tpu.memref_slice %arg2[%dma_start3A_216, %dma_start3A_217] : memref<1024x2816xf32, #tpu.memory_space<hbm>> -> memref<1024x2816xf32, #tpu.memory_space<hbm>>
    tpu.enqueue_indirect_dma source(%dma_start3A_218 : memref<1024x2816xf32, #tpu.memory_space<hbm>>) target(%arg6 : memref<8x2816xf32, #tpu.memory_space<vmem>>) offsets(%dma_start3A_215 : memref<8xi32, #tpu.memory_space<vmem>>) semaphore(%arg10 : memref<!tpu.dma_semaphore, #tpu.memory_space<semaphore_mem>>)
    %dma_wait3A_219 = arith.constant 72 : i32
    %dma_wait3A_220 = tpu.memref_slice %arg5[%dma_wait3A_219] : memref<256xi32, #tpu.memory_space<vmem>> -> memref<8xi32, #tpu.memory_space<vmem>>
    %dma_wait3A_221 = arith.constant 0 : i32
    %dma_wait3A_222 = arith.constant 0 : i32
    %dma_wait3A_223 = tpu.memref_slice %arg2[%dma_wait3A_221, %dma_wait3A_222] : memref<1024x2816xf32, #tpu.memory_space<hbm>> -> memref<1024x2816xf32, #tpu.memory_space<hbm>>
    tpu.wait_indirect_dma semaphore(%arg11 : memref<!tpu.dma_semaphore, #tpu.memory_space<semaphore_mem>>) src(%dma_wait3A_223 : memref<1024x2816xf32, #tpu.memory_space<hbm>>) dst(%arg7 : memref<8x2816xf32, #tpu.memory_space<vmem>>)
    %add3A_224 = arith.constant 72 : i32
    %add3A_225 = arith.addi %mul3A_2, %add3A_224 : i32
    %dma_start3A_226 = arith.constant 0 : i32
    %dma_start3A_227 = tpu.memref_slice %arg4[%add3A_225, %dma_start3A_226] : memref<8192x2816xf32, #tpu.memory_space<hbm>> -> memref<8x2816xf32, #tpu.memory_space<hbm>>
    %dma_start3A_228 = arith.constant 0 : i32
    %dma_start3A_229 = tpu.memref_slice %arg4[%add3A_225, %dma_start3A_228] : memref<8192x2816xf32, #tpu.memory_space<hbm>> -> memref<8x2816xf32, #tpu.memory_space<hbm>>
    tpu.enqueue_dma source(%arg7 : memref<8x2816xf32, #tpu.memory_space<vmem>>) target(%dma_start3A_229 : memref<8x2816xf32, #tpu.memory_space<hbm>>) target_semaphore(%arg15 : memref<!tpu.dma_semaphore, #tpu.memory_space<semaphore_mem>>)
    %add3A_230 = arith.constant 72 : i32
    %add3A_231 = arith.addi %mul3A_2, %add3A_230 : i32
    %dma_wait3A_232 = arith.constant 0 : i32
    %dma_wait3A_233 = tpu.memref_slice %arg4[%add3A_231, %dma_wait3A_232] : memref<8192x2816xf32, #tpu.memory_space<hbm>> -> memref<8x2816xf32, #tpu.memory_space<hbm>>
    %dma_wait3A_234 = arith.constant 0 : i32
    %dma_wait3A_235 = tpu.memref_slice %arg4[%add3A_231, %dma_wait3A_234] : memref<8192x2816xf32, #tpu.memory_space<hbm>> -> memref<8x2816xf32, #tpu.memory_space<hbm>>
    tpu.wait_dma2 semaphore(%arg15 : memref<!tpu.dma_semaphore, #tpu.memory_space<semaphore_mem>>) src(%arg7 : memref<8x2816xf32, #tpu.memory_space<vmem>>) dst(%dma_wait3A_235 : memref<8x2816xf32, #tpu.memory_space<hbm>>)
    %dma_start3A_236 = arith.constant 104 : i32
    %dma_start3A_237 = tpu.memref_slice %arg5[%dma_start3A_236] : memref<256xi32, #tpu.memory_space<vmem>> -> memref<8xi32, #tpu.memory_space<vmem>>
    %dma_start3A_238 = arith.constant 0 : i32
    %dma_start3A_239 = arith.constant 0 : i32
    %dma_start3A_240 = tpu.memref_slice %arg2[%dma_start3A_238, %dma_start3A_239] : memref<1024x2816xf32, #tpu.memory_space<hbm>> -> memref<1024x2816xf32, #tpu.memory_space<hbm>>
    tpu.enqueue_indirect_dma source(%dma_start3A_240 : memref<1024x2816xf32, #tpu.memory_space<hbm>>) target(%arg7 : memref<8x2816xf32, #tpu.memory_space<vmem>>) offsets(%dma_start3A_237 : memref<8xi32, #tpu.memory_space<vmem>>) semaphore(%arg11 : memref<!tpu.dma_semaphore, #tpu.memory_space<semaphore_mem>>)
    %dma_wait3A_241 = arith.constant 80 : i32
    %dma_wait3A_242 = tpu.memref_slice %arg5[%dma_wait3A_241] : memref<256xi32, #tpu.memory_space<vmem>> -> memref<8xi32, #tpu.memory_space<vmem>>
    %dma_wait3A_243 = arith.constant 0 : i32
    %dma_wait3A_244 = arith.constant 0 : i32
    %dma_wait3A_245 = tpu.memref_slice %arg2[%dma_wait3A_243, %dma_wait3A_244] : memref<1024x2816xf32, #tpu.memory_space<hbm>> -> memref<1024x2816xf32, #tpu.memory_space<hbm>>
    tpu.wait_indirect_dma semaphore(%arg12 : memref<!tpu.dma_semaphore, #tpu.memory_space<semaphore_mem>>) src(%dma_wait3A_245 : memref<1024x2816xf32, #tpu.memory_space<hbm>>) dst(%arg8 : memref<8x2816xf32, #tpu.memory_space<vmem>>)
    %add3A_246 = arith.constant 80 : i32
    %add3A_247 = arith.addi %mul3A_2, %add3A_246 : i32
    %dma_start3A_248 = arith.constant 0 : i32
    %dma_start3A_249 = tpu.memref_slice %arg4[%add3A_247, %dma_start3A_248] : memref<8192x2816xf32, #tpu.memory_space<hbm>> -> memref<8x2816xf32, #tpu.memory_space<hbm>>
    %dma_start3A_250 = arith.constant 0 : i32
    %dma_start3A_251 = tpu.memref_slice %arg4[%add3A_247, %dma_start3A_250] : memref<8192x2816xf32, #tpu.memory_space<hbm>> -> memref<8x2816xf32, #tpu.memory_space<hbm>>
    tpu.enqueue_dma source(%arg8 : memref<8x2816xf32, #tpu.memory_space<vmem>>) target(%dma_start3A_251 : memref<8x2816xf32, #tpu.memory_space<hbm>>) target_semaphore(%arg16 : memref<!tpu.dma_semaphore, #tpu.memory_space<semaphore_mem>>)
    %add3A_252 = arith.constant 80 : i32
    %add3A_253 = arith.addi %mul3A_2, %add3A_252 : i32
    %dma_wait3A_254 = arith.constant 0 : i32
    %dma_wait3A_255 = tpu.memref_slice %arg4[%add3A_253, %dma_wait3A_254] : memref<8192x2816xf32, #tpu.memory_space<hbm>> -> memref<8x2816xf32, #tpu.memory_space<hbm>>
    %dma_wait3A_256 = arith.constant 0 : i32
    %dma_wait3A_257 = tpu.memref_slice %arg4[%add3A_253, %dma_wait3A_256] : memref<8192x2816xf32, #tpu.memory_space<hbm>> -> memref<8x2816xf32, #tpu.memory_space<hbm>>
    tpu.wait_dma2 semaphore(%arg16 : memref<!tpu.dma_semaphore, #tpu.memory_space<semaphore_mem>>) src(%arg8 : memref<8x2816xf32, #tpu.memory_space<vmem>>) dst(%dma_wait3A_257 : memref<8x2816xf32, #tpu.memory_space<hbm>>)
    %dma_start3A_258 = arith.constant 112 : i32
    %dma_start3A_259 = tpu.memref_slice %arg5[%dma_start3A_258] : memref<256xi32, #tpu.memory_space<vmem>> -> memref<8xi32, #tpu.memory_space<vmem>>
    %dma_start3A_260 = arith.constant 0 : i32
    %dma_start3A_261 = arith.constant 0 : i32
    %dma_start3A_262 = tpu.memref_slice %arg2[%dma_start3A_260, %dma_start3A_261] : memref<1024x2816xf32, #tpu.memory_space<hbm>> -> memref<1024x2816xf32, #tpu.memory_space<hbm>>
    tpu.enqueue_indirect_dma source(%dma_start3A_262 : memref<1024x2816xf32, #tpu.memory_space<hbm>>) target(%arg8 : memref<8x2816xf32, #tpu.memory_space<vmem>>) offsets(%dma_start3A_259 : memref<8xi32, #tpu.memory_space<vmem>>) semaphore(%arg12 : memref<!tpu.dma_semaphore, #tpu.memory_space<semaphore_mem>>)
    %dma_wait3A_263 = arith.constant 88 : i32
    %dma_wait3A_264 = tpu.memref_slice %arg5[%dma_wait3A_263] : memref<256xi32, #tpu.memory_space<vmem>> -> memref<8xi32, #tpu.memory_space<vmem>>
    %dma_wait3A_265 = arith.constant 0 : i32
    %dma_wait3A_266 = arith.constant 0 : i32
    %dma_wait3A_267 = tpu.memref_slice %arg2[%dma_wait3A_265, %dma_wait3A_266] : memref<1024x2816xf32, #tpu.memory_space<hbm>> -> memref<1024x2816xf32, #tpu.memory_space<hbm>>
    tpu.wait_indirect_dma semaphore(%arg13 : memref<!tpu.dma_semaphore, #tpu.memory_space<semaphore_mem>>) src(%dma_wait3A_267 : memref<1024x2816xf32, #tpu.memory_space<hbm>>) dst(%arg9 : memref<8x2816xf32, #tpu.memory_space<vmem>>)
    %add3A_268 = arith.constant 88 : i32
    %add3A_269 = arith.addi %mul3A_2, %add3A_268 : i32
    %dma_start3A_270 = arith.constant 0 : i32
    %dma_start3A_271 = tpu.memref_slice %arg4[%add3A_269, %dma_start3A_270] : memref<8192x2816xf32, #tpu.memory_space<hbm>> -> memref<8x2816xf32, #tpu.memory_space<hbm>>
    %dma_start3A_272 = arith.constant 0 : i32
    %dma_start3A_273 = tpu.memref_slice %arg4[%add3A_269, %dma_start3A_272] : memref<8192x2816xf32, #tpu.memory_space<hbm>> -> memref<8x2816xf32, #tpu.memory_space<hbm>>
    tpu.enqueue_dma source(%arg9 : memref<8x2816xf32, #tpu.memory_space<vmem>>) target(%dma_start3A_273 : memref<8x2816xf32, #tpu.memory_space<hbm>>) target_semaphore(%arg17 : memref<!tpu.dma_semaphore, #tpu.memory_space<semaphore_mem>>)
    %add3A_274 = arith.constant 88 : i32
    %add3A_275 = arith.addi %mul3A_2, %add3A_274 : i32
    %dma_wait3A_276 = arith.constant 0 : i32
    %dma_wait3A_277 = tpu.memref_slice %arg4[%add3A_275, %dma_wait3A_276] : memref<8192x2816xf32, #tpu.memory_space<hbm>> -> memref<8x2816xf32, #tpu.memory_space<hbm>>
    %dma_wait3A_278 = arith.constant 0 : i32
    %dma_wait3A_279 = tpu.memref_slice %arg4[%add3A_275, %dma_wait3A_278] : memref<8192x2816xf32, #tpu.memory_space<hbm>> -> memref<8x2816xf32, #tpu.memory_space<hbm>>
    tpu.wait_dma2 semaphore(%arg17 : memref<!tpu.dma_semaphore, #tpu.memory_space<semaphore_mem>>) src(%arg9 : memref<8x2816xf32, #tpu.memory_space<vmem>>) dst(%dma_wait3A_279 : memref<8x2816xf32, #tpu.memory_space<hbm>>)
    %dma_start3A_280 = arith.constant 120 : i32
    %dma_start3A_281 = tpu.memref_slice %arg5[%dma_start3A_280] : memref<256xi32, #tpu.memory_space<vmem>> -> memref<8xi32, #tpu.memory_space<vmem>>
    %dma_start3A_282 = arith.constant 0 : i32
    %dma_start3A_283 = arith.constant 0 : i32
    %dma_start3A_284 = tpu.memref_slice %arg2[%dma_start3A_282, %dma_start3A_283] : memref<1024x2816xf32, #tpu.memory_space<hbm>> -> memref<1024x2816xf32, #tpu.memory_space<hbm>>
    tpu.enqueue_indirect_dma source(%dma_start3A_284 : memref<1024x2816xf32, #tpu.memory_space<hbm>>) target(%arg9 : memref<8x2816xf32, #tpu.memory_space<vmem>>) offsets(%dma_start3A_281 : memref<8xi32, #tpu.memory_space<vmem>>) semaphore(%arg13 : memref<!tpu.dma_semaphore, #tpu.memory_space<semaphore_mem>>)
    %dma_wait3A_285 = arith.constant 96 : i32
    %dma_wait3A_286 = tpu.memref_slice %arg5[%dma_wait3A_285] : memref<256xi32, #tpu.memory_space<vmem>> -> memref<8xi32, #tpu.memory_space<vmem>>
    %dma_wait3A_287 = arith.constant 0 : i32
    %dma_wait3A_288 = arith.constant 0 : i32
    %dma_wait3A_289 = tpu.memref_slice %arg2[%dma_wait3A_287, %dma_wait3A_288] : memref<1024x2816xf32, #tpu.memory_space<hbm>> -> memref<1024x2816xf32, #tpu.memory_space<hbm>>
    tpu.wait_indirect_dma semaphore(%arg10 : memref<!tpu.dma_semaphore, #tpu.memory_space<semaphore_mem>>) src(%dma_wait3A_289 : memref<1024x2816xf32, #tpu.memory_space<hbm>>) dst(%arg6 : memref<8x2816xf32, #tpu.memory_space<vmem>>)
    %add3A_290 = arith.constant 96 : i32
    %add3A_291 = arith.addi %mul3A_2, %add3A_290 : i32
    %dma_start3A_292 = arith.constant 0 : i32
    %dma_start3A_293 = tpu.memref_slice %arg4[%add3A_291, %dma_start3A_292] : memref<8192x2816xf32, #tpu.memory_space<hbm>> -> memref<8x2816xf32, #tpu.memory_space<hbm>>
    %dma_start3A_294 = arith.constant 0 : i32
    %dma_start3A_295 = tpu.memref_slice %arg4[%add3A_291, %dma_start3A_294] : memref<8192x2816xf32, #tpu.memory_space<hbm>> -> memref<8x2816xf32, #tpu.memory_space<hbm>>
    tpu.enqueue_dma source(%arg6 : memref<8x2816xf32, #tpu.memory_space<vmem>>) target(%dma_start3A_295 : memref<8x2816xf32, #tpu.memory_space<hbm>>) target_semaphore(%arg14 : memref<!tpu.dma_semaphore, #tpu.memory_space<semaphore_mem>>)
    %add3A_296 = arith.constant 96 : i32
    %add3A_297 = arith.addi %mul3A_2, %add3A_296 : i32
    %dma_wait3A_298 = arith.constant 0 : i32
    %dma_wait3A_299 = tpu.memref_slice %arg4[%add3A_297, %dma_wait3A_298] : memref<8192x2816xf32, #tpu.memory_space<hbm>> -> memref<8x2816xf32, #tpu.memory_space<hbm>>
    %dma_wait3A_300 = arith.constant 0 : i32
    %dma_wait3A_301 = tpu.memref_slice %arg4[%add3A_297, %dma_wait3A_300] : memref<8192x2816xf32, #tpu.memory_space<hbm>> -> memref<8x2816xf32, #tpu.memory_space<hbm>>
    tpu.wait_dma2 semaphore(%arg14 : memref<!tpu.dma_semaphore, #tpu.memory_space<semaphore_mem>>) src(%arg6 : memref<8x2816xf32, #tpu.memory_space<vmem>>) dst(%dma_wait3A_301 : memref<8x2816xf32, #tpu.memory_space<hbm>>)
    %dma_start3A_302 = arith.constant 128 : i32
    %dma_start3A_303 = tpu.memref_slice %arg5[%dma_start3A_302] : memref<256xi32, #tpu.memory_space<vmem>> -> memref<8xi32, #tpu.memory_space<vmem>>
    %dma_start3A_304 = arith.constant 0 : i32
    %dma_start3A_305 = arith.constant 0 : i32
    %dma_start3A_306 = tpu.memref_slice %arg2[%dma_start3A_304, %dma_start3A_305] : memref<1024x2816xf32, #tpu.memory_space<hbm>> -> memref<1024x2816xf32, #tpu.memory_space<hbm>>
    tpu.enqueue_indirect_dma source(%dma_start3A_306 : memref<1024x2816xf32, #tpu.memory_space<hbm>>) target(%arg6 : memref<8x2816xf32, #tpu.memory_space<vmem>>) offsets(%dma_start3A_303 : memref<8xi32, #tpu.memory_space<vmem>>) semaphore(%arg10 : memref<!tpu.dma_semaphore, #tpu.memory_space<semaphore_mem>>)
    %dma_wait3A_307 = arith.constant 104 : i32
    %dma_wait3A_308 = tpu.memref_slice %arg5[%dma_wait3A_307] : memref<256xi32, #tpu.memory_space<vmem>> -> memref<8xi32, #tpu.memory_space<vmem>>
    %dma_wait3A_309 = arith.constant 0 : i32
    %dma_wait3A_310 = arith.constant 0 : i32
    %dma_wait3A_311 = tpu.memref_slice %arg2[%dma_wait3A_309, %dma_wait3A_310] : memref<1024x2816xf32, #tpu.memory_space<hbm>> -> memref<1024x2816xf32, #tpu.memory_space<hbm>>
    tpu.wait_indirect_dma semaphore(%arg11 : memref<!tpu.dma_semaphore, #tpu.memory_space<semaphore_mem>>) src(%dma_wait3A_311 : memref<1024x2816xf32, #tpu.memory_space<hbm>>) dst(%arg7 : memref<8x2816xf32, #tpu.memory_space<vmem>>)
    %add3A_312 = arith.constant 104 : i32
    %add3A_313 = arith.addi %mul3A_2, %add3A_312 : i32
    %dma_start3A_314 = arith.constant 0 : i32
    %dma_start3A_315 = tpu.memref_slice %arg4[%add3A_313, %dma_start3A_314] : memref<8192x2816xf32, #tpu.memory_space<hbm>> -> memref<8x2816xf32, #tpu.memory_space<hbm>>
    %dma_start3A_316 = arith.constant 0 : i32
    %dma_start3A_317 = tpu.memref_slice %arg4[%add3A_313, %dma_start3A_316] : memref<8192x2816xf32, #tpu.memory_space<hbm>> -> memref<8x2816xf32, #tpu.memory_space<hbm>>
    tpu.enqueue_dma source(%arg7 : memref<8x2816xf32, #tpu.memory_space<vmem>>) target(%dma_start3A_317 : memref<8x2816xf32, #tpu.memory_space<hbm>>) target_semaphore(%arg15 : memref<!tpu.dma_semaphore, #tpu.memory_space<semaphore_mem>>)
    %add3A_318 = arith.constant 104 : i32
    %add3A_319 = arith.addi %mul3A_2, %add3A_318 : i32
    %dma_wait3A_320 = arith.constant 0 : i32
    %dma_wait3A_321 = tpu.memref_slice %arg4[%add3A_319, %dma_wait3A_320] : memref<8192x2816xf32, #tpu.memory_space<hbm>> -> memref<8x2816xf32, #tpu.memory_space<hbm>>
    %dma_wait3A_322 = arith.constant 0 : i32
    %dma_wait3A_323 = tpu.memref_slice %arg4[%add3A_319, %dma_wait3A_322] : memref<8192x2816xf32, #tpu.memory_space<hbm>> -> memref<8x2816xf32, #tpu.memory_space<hbm>>
    tpu.wait_dma2 semaphore(%arg15 : memref<!tpu.dma_semaphore, #tpu.memory_space<semaphore_mem>>) src(%arg7 : memref<8x2816xf32, #tpu.memory_space<vmem>>) dst(%dma_wait3A_323 : memref<8x2816xf32, #tpu.memory_space<hbm>>)
    %dma_start3A_324 = arith.constant 136 : i32
    %dma_start3A_325 = tpu.memref_slice %arg5[%dma_start3A_324] : memref<256xi32, #tpu.memory_space<vmem>> -> memref<8xi32, #tpu.memory_space<vmem>>
    %dma_start3A_326 = arith.constant 0 : i32
    %dma_start3A_327 = arith.constant 0 : i32
    %dma_start3A_328 = tpu.memref_slice %arg2[%dma_start3A_326, %dma_start3A_327] : memref<1024x2816xf32, #tpu.memory_space<hbm>> -> memref<1024x2816xf32, #tpu.memory_space<hbm>>
    tpu.enqueue_indirect_dma source(%dma_start3A_328 : memref<1024x2816xf32, #tpu.memory_space<hbm>>) target(%arg7 : memref<8x2816xf32, #tpu.memory_space<vmem>>) offsets(%dma_start3A_325 : memref<8xi32, #tpu.memory_space<vmem>>) semaphore(%arg11 : memref<!tpu.dma_semaphore, #tpu.memory_space<semaphore_mem>>)
    %dma_wait3A_329 = arith.constant 112 : i32
    %dma_wait3A_330 = tpu.memref_slice %arg5[%dma_wait3A_329] : memref<256xi32, #tpu.memory_space<vmem>> -> memref<8xi32, #tpu.memory_space<vmem>>
    %dma_wait3A_331 = arith.constant 0 : i32
    %dma_wait3A_332 = arith.constant 0 : i32
    %dma_wait3A_333 = tpu.memref_slice %arg2[%dma_wait3A_331, %dma_wait3A_332] : memref<1024x2816xf32, #tpu.memory_space<hbm>> -> memref<1024x2816xf32, #tpu.memory_space<hbm>>
    tpu.wait_indirect_dma semaphore(%arg12 : memref<!tpu.dma_semaphore, #tpu.memory_space<semaphore_mem>>) src(%dma_wait3A_333 : memref<1024x2816xf32, #tpu.memory_space<hbm>>) dst(%arg8 : memref<8x2816xf32, #tpu.memory_space<vmem>>)
    %add3A_334 = arith.constant 112 : i32
    %add3A_335 = arith.addi %mul3A_2, %add3A_334 : i32
    %dma_start3A_336 = arith.constant 0 : i32
    %dma_start3A_337 = tpu.memref_slice %arg4[%add3A_335, %dma_start3A_336] : memref<8192x2816xf32, #tpu.memory_space<hbm>> -> memref<8x2816xf32, #tpu.memory_space<hbm>>
    %dma_start3A_338 = arith.constant 0 : i32
    %dma_start3A_339 = tpu.memref_slice %arg4[%add3A_335, %dma_start3A_338] : memref<8192x2816xf32, #tpu.memory_space<hbm>> -> memref<8x2816xf32, #tpu.memory_space<hbm>>
    tpu.enqueue_dma source(%arg8 : memref<8x2816xf32, #tpu.memory_space<vmem>>) target(%dma_start3A_339 : memref<8x2816xf32, #tpu.memory_space<hbm>>) target_semaphore(%arg16 : memref<!tpu.dma_semaphore, #tpu.memory_space<semaphore_mem>>)
    %add3A_340 = arith.constant 112 : i32
    %add3A_341 = arith.addi %mul3A_2, %add3A_340 : i32
    %dma_wait3A_342 = arith.constant 0 : i32
    %dma_wait3A_343 = tpu.memref_slice %arg4[%add3A_341, %dma_wait3A_342] : memref<8192x2816xf32, #tpu.memory_space<hbm>> -> memref<8x2816xf32, #tpu.memory_space<hbm>>
    %dma_wait3A_344 = arith.constant 0 : i32
    %dma_wait3A_345 = tpu.memref_slice %arg4[%add3A_341, %dma_wait3A_344] : memref<8192x2816xf32, #tpu.memory_space<hbm>> -> memref<8x2816xf32, #tpu.memory_space<hbm>>
    tpu.wait_dma2 semaphore(%arg16 : memref<!tpu.dma_semaphore, #tpu.memory_space<semaphore_mem>>) src(%arg8 : memref<8x2816xf32, #tpu.memory_space<vmem>>) dst(%dma_wait3A_345 : memref<8x2816xf32, #tpu.memory_space<hbm>>)
    %dma_start3A_346 = arith.constant 144 : i32
    %dma_start3A_347 = tpu.memref_slice %arg5[%dma_start3A_346] : memref<256xi32, #tpu.memory_space<vmem>> -> memref<8xi32, #tpu.memory_space<vmem>>
    %dma_start3A_348 = arith.constant 0 : i32
    %dma_start3A_349 = arith.constant 0 : i32
    %dma_start3A_350 = tpu.memref_slice %arg2[%dma_start3A_348, %dma_start3A_349] : memref<1024x2816xf32, #tpu.memory_space<hbm>> -> memref<1024x2816xf32, #tpu.memory_space<hbm>>
    tpu.enqueue_indirect_dma source(%dma_start3A_350 : memref<1024x2816xf32, #tpu.memory_space<hbm>>) target(%arg8 : memref<8x2816xf32, #tpu.memory_space<vmem>>) offsets(%dma_start3A_347 : memref<8xi32, #tpu.memory_space<vmem>>) semaphore(%arg12 : memref<!tpu.dma_semaphore, #tpu.memory_space<semaphore_mem>>)
    %dma_wait3A_351 = arith.constant 120 : i32
    %dma_wait3A_352 = tpu.memref_slice %arg5[%dma_wait3A_351] : memref<256xi32, #tpu.memory_space<vmem>> -> memref<8xi32, #tpu.memory_space<vmem>>
    %dma_wait3A_353 = arith.constant 0 : i32
    %dma_wait3A_354 = arith.constant 0 : i32
    %dma_wait3A_355 = tpu.memref_slice %arg2[%dma_wait3A_353, %dma_wait3A_354] : memref<1024x2816xf32, #tpu.memory_space<hbm>> -> memref<1024x2816xf32, #tpu.memory_space<hbm>>
    tpu.wait_indirect_dma semaphore(%arg13 : memref<!tpu.dma_semaphore, #tpu.memory_space<semaphore_mem>>) src(%dma_wait3A_355 : memref<1024x2816xf32, #tpu.memory_space<hbm>>) dst(%arg9 : memref<8x2816xf32, #tpu.memory_space<vmem>>)
    %add3A_356 = arith.constant 120 : i32
    %add3A_357 = arith.addi %mul3A_2, %add3A_356 : i32
    %dma_start3A_358 = arith.constant 0 : i32
    %dma_start3A_359 = tpu.memref_slice %arg4[%add3A_357, %dma_start3A_358] : memref<8192x2816xf32, #tpu.memory_space<hbm>> -> memref<8x2816xf32, #tpu.memory_space<hbm>>
    %dma_start3A_360 = arith.constant 0 : i32
    %dma_start3A_361 = tpu.memref_slice %arg4[%add3A_357, %dma_start3A_360] : memref<8192x2816xf32, #tpu.memory_space<hbm>> -> memref<8x2816xf32, #tpu.memory_space<hbm>>
    tpu.enqueue_dma source(%arg9 : memref<8x2816xf32, #tpu.memory_space<vmem>>) target(%dma_start3A_361 : memref<8x2816xf32, #tpu.memory_space<hbm>>) target_semaphore(%arg17 : memref<!tpu.dma_semaphore, #tpu.memory_space<semaphore_mem>>)
    %add3A_362 = arith.constant 120 : i32
    %add3A_363 = arith.addi %mul3A_2, %add3A_362 : i32
    %dma_wait3A_364 = arith.constant 0 : i32
    %dma_wait3A_365 = tpu.memref_slice %arg4[%add3A_363, %dma_wait3A_364] : memref<8192x2816xf32, #tpu.memory_space<hbm>> -> memref<8x2816xf32, #tpu.memory_space<hbm>>
    %dma_wait3A_366 = arith.constant 0 : i32
    %dma_wait3A_367 = tpu.memref_slice %arg4[%add3A_363, %dma_wait3A_366] : memref<8192x2816xf32, #tpu.memory_space<hbm>> -> memref<8x2816xf32, #tpu.memory_space<hbm>>
    tpu.wait_dma2 semaphore(%arg17 : memref<!tpu.dma_semaphore, #tpu.memory_space<semaphore_mem>>) src(%arg9 : memref<8x2816xf32, #tpu.memory_space<vmem>>) dst(%dma_wait3A_367 : memref<8x2816xf32, #tpu.memory_space<hbm>>)
    %dma_start3A_368 = arith.constant 152 : i32
    %dma_start3A_369 = tpu.memref_slice %arg5[%dma_start3A_368] : memref<256xi32, #tpu.memory_space<vmem>> -> memref<8xi32, #tpu.memory_space<vmem>>
    %dma_start3A_370 = arith.constant 0 : i32
    %dma_start3A_371 = arith.constant 0 : i32
    %dma_start3A_372 = tpu.memref_slice %arg2[%dma_start3A_370, %dma_start3A_371] : memref<1024x2816xf32, #tpu.memory_space<hbm>> -> memref<1024x2816xf32, #tpu.memory_space<hbm>>
    tpu.enqueue_indirect_dma source(%dma_start3A_372 : memref<1024x2816xf32, #tpu.memory_space<hbm>>) target(%arg9 : memref<8x2816xf32, #tpu.memory_space<vmem>>) offsets(%dma_start3A_369 : memref<8xi32, #tpu.memory_space<vmem>>) semaphore(%arg13 : memref<!tpu.dma_semaphore, #tpu.memory_space<semaphore_mem>>)
    %dma_wait3A_373 = arith.constant 128 : i32
    %dma_wait3A_374 = tpu.memref_slice %arg5[%dma_wait3A_373] : memref<256xi32, #tpu.memory_space<vmem>> -> memref<8xi32, #tpu.memory_space<vmem>>
    %dma_wait3A_375 = arith.constant 0 : i32
    %dma_wait3A_376 = arith.constant 0 : i32
    %dma_wait3A_377 = tpu.memref_slice %arg2[%dma_wait3A_375, %dma_wait3A_376] : memref<1024x2816xf32, #tpu.memory_space<hbm>> -> memref<1024x2816xf32, #tpu.memory_space<hbm>>
    tpu.wait_indirect_dma semaphore(%arg10 : memref<!tpu.dma_semaphore, #tpu.memory_space<semaphore_mem>>) src(%dma_wait3A_377 : memref<1024x2816xf32, #tpu.memory_space<hbm>>) dst(%arg6 : memref<8x2816xf32, #tpu.memory_space<vmem>>)
    %add3A_378 = arith.constant 128 : i32
    %add3A_379 = arith.addi %mul3A_2, %add3A_378 : i32
    %dma_start3A_380 = arith.constant 0 : i32
    %dma_start3A_381 = tpu.memref_slice %arg4[%add3A_379, %dma_start3A_380] : memref<8192x2816xf32, #tpu.memory_space<hbm>> -> memref<8x2816xf32, #tpu.memory_space<hbm>>
    %dma_start3A_382 = arith.constant 0 : i32
    %dma_start3A_383 = tpu.memref_slice %arg4[%add3A_379, %dma_start3A_382] : memref<8192x2816xf32, #tpu.memory_space<hbm>> -> memref<8x2816xf32, #tpu.memory_space<hbm>>
    tpu.enqueue_dma source(%arg6 : memref<8x2816xf32, #tpu.memory_space<vmem>>) target(%dma_start3A_383 : memref<8x2816xf32, #tpu.memory_space<hbm>>) target_semaphore(%arg14 : memref<!tpu.dma_semaphore, #tpu.memory_space<semaphore_mem>>)
    %add3A_384 = arith.constant 128 : i32
    %add3A_385 = arith.addi %mul3A_2, %add3A_384 : i32
    %dma_wait3A_386 = arith.constant 0 : i32
    %dma_wait3A_387 = tpu.memref_slice %arg4[%add3A_385, %dma_wait3A_386] : memref<8192x2816xf32, #tpu.memory_space<hbm>> -> memref<8x2816xf32, #tpu.memory_space<hbm>>
    %dma_wait3A_388 = arith.constant 0 : i32
    %dma_wait3A_389 = tpu.memref_slice %arg4[%add3A_385, %dma_wait3A_388] : memref<8192x2816xf32, #tpu.memory_space<hbm>> -> memref<8x2816xf32, #tpu.memory_space<hbm>>
    tpu.wait_dma2 semaphore(%arg14 : memref<!tpu.dma_semaphore, #tpu.memory_space<semaphore_mem>>) src(%arg6 : memref<8x2816xf32, #tpu.memory_space<vmem>>) dst(%dma_wait3A_389 : memref<8x2816xf32, #tpu.memory_space<hbm>>)
    %dma_start3A_390 = arith.constant 160 : i32
    %dma_start3A_391 = tpu.memref_slice %arg5[%dma_start3A_390] : memref<256xi32, #tpu.memory_space<vmem>> -> memref<8xi32, #tpu.memory_space<vmem>>
    %dma_start3A_392 = arith.constant 0 : i32
    %dma_start3A_393 = arith.constant 0 : i32
    %dma_start3A_394 = tpu.memref_slice %arg2[%dma_start3A_392, %dma_start3A_393] : memref<1024x2816xf32, #tpu.memory_space<hbm>> -> memref<1024x2816xf32, #tpu.memory_space<hbm>>
    tpu.enqueue_indirect_dma source(%dma_start3A_394 : memref<1024x2816xf32, #tpu.memory_space<hbm>>) target(%arg6 : memref<8x2816xf32, #tpu.memory_space<vmem>>) offsets(%dma_start3A_391 : memref<8xi32, #tpu.memory_space<vmem>>) semaphore(%arg10 : memref<!tpu.dma_semaphore, #tpu.memory_space<semaphore_mem>>)
    %dma_wait3A_395 = arith.constant 136 : i32
    %dma_wait3A_396 = tpu.memref_slice %arg5[%dma_wait3A_395] : memref<256xi32, #tpu.memory_space<vmem>> -> memref<8xi32, #tpu.memory_space<vmem>>
    %dma_wait3A_397 = arith.constant 0 : i32
    %dma_wait3A_398 = arith.constant 0 : i32
    %dma_wait3A_399 = tpu.memref_slice %arg2[%dma_wait3A_397, %dma_wait3A_398] : memref<1024x2816xf32, #tpu.memory_space<hbm>> -> memref<1024x2816xf32, #tpu.memory_space<hbm>>
    tpu.wait_indirect_dma semaphore(%arg11 : memref<!tpu.dma_semaphore, #tpu.memory_space<semaphore_mem>>) src(%dma_wait3A_399 : memref<1024x2816xf32, #tpu.memory_space<hbm>>) dst(%arg7 : memref<8x2816xf32, #tpu.memory_space<vmem>>)
    %add3A_400 = arith.constant 136 : i32
    %add3A_401 = arith.addi %mul3A_2, %add3A_400 : i32
    %dma_start3A_402 = arith.constant 0 : i32
    %dma_start3A_403 = tpu.memref_slice %arg4[%add3A_401, %dma_start3A_402] : memref<8192x2816xf32, #tpu.memory_space<hbm>> -> memref<8x2816xf32, #tpu.memory_space<hbm>>
    %dma_start3A_404 = arith.constant 0 : i32
    %dma_start3A_405 = tpu.memref_slice %arg4[%add3A_401, %dma_start3A_404] : memref<8192x2816xf32, #tpu.memory_space<hbm>> -> memref<8x2816xf32, #tpu.memory_space<hbm>>
    tpu.enqueue_dma source(%arg7 : memref<8x2816xf32, #tpu.memory_space<vmem>>) target(%dma_start3A_405 : memref<8x2816xf32, #tpu.memory_space<hbm>>) target_semaphore(%arg15 : memref<!tpu.dma_semaphore, #tpu.memory_space<semaphore_mem>>)
    %add3A_406 = arith.constant 136 : i32
    %add3A_407 = arith.addi %mul3A_2, %add3A_406 : i32
    %dma_wait3A_408 = arith.constant 0 : i32
    %dma_wait3A_409 = tpu.memref_slice %arg4[%add3A_407, %dma_wait3A_408] : memref<8192x2816xf32, #tpu.memory_space<hbm>> -> memref<8x2816xf32, #tpu.memory_space<hbm>>
    %dma_wait3A_410 = arith.constant 0 : i32
    %dma_wait3A_411 = tpu.memref_slice %arg4[%add3A_407, %dma_wait3A_410] : memref<8192x2816xf32, #tpu.memory_space<hbm>> -> memref<8x2816xf32, #tpu.memory_space<hbm>>
    tpu.wait_dma2 semaphore(%arg15 : memref<!tpu.dma_semaphore, #tpu.memory_space<semaphore_mem>>) src(%arg7 : memref<8x2816xf32, #tpu.memory_space<vmem>>) dst(%dma_wait3A_411 : memref<8x2816xf32, #tpu.memory_space<hbm>>)
    %dma_start3A_412 = arith.constant 168 : i32
    %dma_start3A_413 = tpu.memref_slice %arg5[%dma_start3A_412] : memref<256xi32, #tpu.memory_space<vmem>> -> memref<8xi32, #tpu.memory_space<vmem>>
    %dma_start3A_414 = arith.constant 0 : i32
    %dma_start3A_415 = arith.constant 0 : i32
    %dma_start3A_416 = tpu.memref_slice %arg2[%dma_start3A_414, %dma_start3A_415] : memref<1024x2816xf32, #tpu.memory_space<hbm>> -> memref<1024x2816xf32, #tpu.memory_space<hbm>>
    tpu.enqueue_indirect_dma source(%dma_start3A_416 : memref<1024x2816xf32, #tpu.memory_space<hbm>>) target(%arg7 : memref<8x2816xf32, #tpu.memory_space<vmem>>) offsets(%dma_start3A_413 : memref<8xi32, #tpu.memory_space<vmem>>) semaphore(%arg11 : memref<!tpu.dma_semaphore, #tpu.memory_space<semaphore_mem>>)
    %dma_wait3A_417 = arith.constant 144 : i32
    %dma_wait3A_418 = tpu.memref_slice %arg5[%dma_wait3A_417] : memref<256xi32, #tpu.memory_space<vmem>> -> memref<8xi32, #tpu.memory_space<vmem>>
    %dma_wait3A_419 = arith.constant 0 : i32
    %dma_wait3A_420 = arith.constant 0 : i32
    %dma_wait3A_421 = tpu.memref_slice %arg2[%dma_wait3A_419, %dma_wait3A_420] : memref<1024x2816xf32, #tpu.memory_space<hbm>> -> memref<1024x2816xf32, #tpu.memory_space<hbm>>
    tpu.wait_indirect_dma semaphore(%arg12 : memref<!tpu.dma_semaphore, #tpu.memory_space<semaphore_mem>>) src(%dma_wait3A_421 : memref<1024x2816xf32, #tpu.memory_space<hbm>>) dst(%arg8 : memref<8x2816xf32, #tpu.memory_space<vmem>>)
    %add3A_422 = arith.constant 144 : i32
    %add3A_423 = arith.addi %mul3A_2, %add3A_422 : i32
    %dma_start3A_424 = arith.constant 0 : i32
    %dma_start3A_425 = tpu.memref_slice %arg4[%add3A_423, %dma_start3A_424] : memref<8192x2816xf32, #tpu.memory_space<hbm>> -> memref<8x2816xf32, #tpu.memory_space<hbm>>
    %dma_start3A_426 = arith.constant 0 : i32
    %dma_start3A_427 = tpu.memref_slice %arg4[%add3A_423, %dma_start3A_426] : memref<8192x2816xf32, #tpu.memory_space<hbm>> -> memref<8x2816xf32, #tpu.memory_space<hbm>>
    tpu.enqueue_dma source(%arg8 : memref<8x2816xf32, #tpu.memory_space<vmem>>) target(%dma_start3A_427 : memref<8x2816xf32, #tpu.memory_space<hbm>>) target_semaphore(%arg16 : memref<!tpu.dma_semaphore, #tpu.memory_space<semaphore_mem>>)
    %add3A_428 = arith.constant 144 : i32
    %add3A_429 = arith.addi %mul3A_2, %add3A_428 : i32
    %dma_wait3A_430 = arith.constant 0 : i32
    %dma_wait3A_431 = tpu.memref_slice %arg4[%add3A_429, %dma_wait3A_430] : memref<8192x2816xf32, #tpu.memory_space<hbm>> -> memref<8x2816xf32, #tpu.memory_space<hbm>>
    %dma_wait3A_432 = arith.constant 0 : i32
    %dma_wait3A_433 = tpu.memref_slice %arg4[%add3A_429, %dma_wait3A_432] : memref<8192x2816xf32, #tpu.memory_space<hbm>> -> memref<8x2816xf32, #tpu.memory_space<hbm>>
    tpu.wait_dma2 semaphore(%arg16 : memref<!tpu.dma_semaphore, #tpu.memory_space<semaphore_mem>>) src(%arg8 : memref<8x2816xf32, #tpu.memory_space<vmem>>) dst(%dma_wait3A_433 : memref<8x2816xf32, #tpu.memory_space<hbm>>)
    %dma_start3A_434 = arith.constant 176 : i32
    %dma_start3A_435 = tpu.memref_slice %arg5[%dma_start3A_434] : memref<256xi32, #tpu.memory_space<vmem>> -> memref<8xi32, #tpu.memory_space<vmem>>
    %dma_start3A_436 = arith.constant 0 : i32
    %dma_start3A_437 = arith.constant 0 : i32
    %dma_start3A_438 = tpu.memref_slice %arg2[%dma_start3A_436, %dma_start3A_437] : memref<1024x2816xf32, #tpu.memory_space<hbm>> -> memref<1024x2816xf32, #tpu.memory_space<hbm>>
    tpu.enqueue_indirect_dma source(%dma_start3A_438 : memref<1024x2816xf32, #tpu.memory_space<hbm>>) target(%arg8 : memref<8x2816xf32, #tpu.memory_space<vmem>>) offsets(%dma_start3A_435 : memref<8xi32, #tpu.memory_space<vmem>>) semaphore(%arg12 : memref<!tpu.dma_semaphore, #tpu.memory_space<semaphore_mem>>)
    %dma_wait3A_439 = arith.constant 152 : i32
    %dma_wait3A_440 = tpu.memref_slice %arg5[%dma_wait3A_439] : memref<256xi32, #tpu.memory_space<vmem>> -> memref<8xi32, #tpu.memory_space<vmem>>
    %dma_wait3A_441 = arith.constant 0 : i32
    %dma_wait3A_442 = arith.constant 0 : i32
    %dma_wait3A_443 = tpu.memref_slice %arg2[%dma_wait3A_441, %dma_wait3A_442] : memref<1024x2816xf32, #tpu.memory_space<hbm>> -> memref<1024x2816xf32, #tpu.memory_space<hbm>>
    tpu.wait_indirect_dma semaphore(%arg13 : memref<!tpu.dma_semaphore, #tpu.memory_space<semaphore_mem>>) src(%dma_wait3A_443 : memref<1024x2816xf32, #tpu.memory_space<hbm>>) dst(%arg9 : memref<8x2816xf32, #tpu.memory_space<vmem>>)
    %add3A_444 = arith.constant 152 : i32
    %add3A_445 = arith.addi %mul3A_2, %add3A_444 : i32
    %dma_start3A_446 = arith.constant 0 : i32
    %dma_start3A_447 = tpu.memref_slice %arg4[%add3A_445, %dma_start3A_446] : memref<8192x2816xf32, #tpu.memory_space<hbm>> -> memref<8x2816xf32, #tpu.memory_space<hbm>>
    %dma_start3A_448 = arith.constant 0 : i32
    %dma_start3A_449 = tpu.memref_slice %arg4[%add3A_445, %dma_start3A_448] : memref<8192x2816xf32, #tpu.memory_space<hbm>> -> memref<8x2816xf32, #tpu.memory_space<hbm>>
    tpu.enqueue_dma source(%arg9 : memref<8x2816xf32, #tpu.memory_space<vmem>>) target(%dma_start3A_449 : memref<8x2816xf32, #tpu.memory_space<hbm>>) target_semaphore(%arg17 : memref<!tpu.dma_semaphore, #tpu.memory_space<semaphore_mem>>)
    %add3A_450 = arith.constant 152 : i32
    %add3A_451 = arith.addi %mul3A_2, %add3A_450 : i32
    %dma_wait3A_452 = arith.constant 0 : i32
    %dma_wait3A_453 = tpu.memref_slice %arg4[%add3A_451, %dma_wait3A_452] : memref<8192x2816xf32, #tpu.memory_space<hbm>> -> memref<8x2816xf32, #tpu.memory_space<hbm>>
    %dma_wait3A_454 = arith.constant 0 : i32
    %dma_wait3A_455 = tpu.memref_slice %arg4[%add3A_451, %dma_wait3A_454] : memref<8192x2816xf32, #tpu.memory_space<hbm>> -> memref<8x2816xf32, #tpu.memory_space<hbm>>
    tpu.wait_dma2 semaphore(%arg17 : memref<!tpu.dma_semaphore, #tpu.memory_space<semaphore_mem>>) src(%arg9 : memref<8x2816xf32, #tpu.memory_space<vmem>>) dst(%dma_wait3A_455 : memref<8x2816xf32, #tpu.memory_space<hbm>>)
    %dma_start3A_456 = arith.constant 184 : i32
    %dma_start3A_457 = tpu.memref_slice %arg5[%dma_start3A_456] : memref<256xi32, #tpu.memory_space<vmem>> -> memref<8xi32, #tpu.memory_space<vmem>>
    %dma_start3A_458 = arith.constant 0 : i32
    %dma_start3A_459 = arith.constant 0 : i32
    %dma_start3A_460 = tpu.memref_slice %arg2[%dma_start3A_458, %dma_start3A_459] : memref<1024x2816xf32, #tpu.memory_space<hbm>> -> memref<1024x2816xf32, #tpu.memory_space<hbm>>
    tpu.enqueue_indirect_dma source(%dma_start3A_460 : memref<1024x2816xf32, #tpu.memory_space<hbm>>) target(%arg9 : memref<8x2816xf32, #tpu.memory_space<vmem>>) offsets(%dma_start3A_457 : memref<8xi32, #tpu.memory_space<vmem>>) semaphore(%arg13 : memref<!tpu.dma_semaphore, #tpu.memory_space<semaphore_mem>>)
    %dma_wait3A_461 = arith.constant 160 : i32
    %dma_wait3A_462 = tpu.memref_slice %arg5[%dma_wait3A_461] : memref<256xi32, #tpu.memory_space<vmem>> -> memref<8xi32, #tpu.memory_space<vmem>>
    %dma_wait3A_463 = arith.constant 0 : i32
    %dma_wait3A_464 = arith.constant 0 : i32
    %dma_wait3A_465 = tpu.memref_slice %arg2[%dma_wait3A_463, %dma_wait3A_464] : memref<1024x2816xf32, #tpu.memory_space<hbm>> -> memref<1024x2816xf32, #tpu.memory_space<hbm>>
    tpu.wait_indirect_dma semaphore(%arg10 : memref<!tpu.dma_semaphore, #tpu.memory_space<semaphore_mem>>) src(%dma_wait3A_465 : memref<1024x2816xf32, #tpu.memory_space<hbm>>) dst(%arg6 : memref<8x2816xf32, #tpu.memory_space<vmem>>)
    %add3A_466 = arith.constant 160 : i32
    %add3A_467 = arith.addi %mul3A_2, %add3A_466 : i32
    %dma_start3A_468 = arith.constant 0 : i32
    %dma_start3A_469 = tpu.memref_slice %arg4[%add3A_467, %dma_start3A_468] : memref<8192x2816xf32, #tpu.memory_space<hbm>> -> memref<8x2816xf32, #tpu.memory_space<hbm>>
    %dma_start3A_470 = arith.constant 0 : i32
    %dma_start3A_471 = tpu.memref_slice %arg4[%add3A_467, %dma_start3A_470] : memref<8192x2816xf32, #tpu.memory_space<hbm>> -> memref<8x2816xf32, #tpu.memory_space<hbm>>
    tpu.enqueue_dma source(%arg6 : memref<8x2816xf32, #tpu.memory_space<vmem>>) target(%dma_start3A_471 : memref<8x2816xf32, #tpu.memory_space<hbm>>) target_semaphore(%arg14 : memref<!tpu.dma_semaphore, #tpu.memory_space<semaphore_mem>>)
    %add3A_472 = arith.constant 160 : i32
    %add3A_473 = arith.addi %mul3A_2, %add3A_472 : i32
    %dma_wait3A_474 = arith.constant 0 : i32
    %dma_wait3A_475 = tpu.memref_slice %arg4[%add3A_473, %dma_wait3A_474] : memref<8192x2816xf32, #tpu.memory_space<hbm>> -> memref<8x2816xf32, #tpu.memory_space<hbm>>
    %dma_wait3A_476 = arith.constant 0 : i32
    %dma_wait3A_477 = tpu.memref_slice %arg4[%add3A_473, %dma_wait3A_476] : memref<8192x2816xf32, #tpu.memory_space<hbm>> -> memref<8x2816xf32, #tpu.memory_space<hbm>>
    tpu.wait_dma2 semaphore(%arg14 : memref<!tpu.dma_semaphore, #tpu.memory_space<semaphore_mem>>) src(%arg6 : memref<8x2816xf32, #tpu.memory_space<vmem>>) dst(%dma_wait3A_477 : memref<8x2816xf32, #tpu.memory_space<hbm>>)
    %dma_start3A_478 = arith.constant 192 : i32
    %dma_start3A_479 = tpu.memref_slice %arg5[%dma_start3A_478] : memref<256xi32, #tpu.memory_space<vmem>> -> memref<8xi32, #tpu.memory_space<vmem>>
    %dma_start3A_480 = arith.constant 0 : i32
    %dma_start3A_481 = arith.constant 0 : i32
    %dma_start3A_482 = tpu.memref_slice %arg2[%dma_start3A_480, %dma_start3A_481] : memref<1024x2816xf32, #tpu.memory_space<hbm>> -> memref<1024x2816xf32, #tpu.memory_space<hbm>>
    tpu.enqueue_indirect_dma source(%dma_start3A_482 : memref<1024x2816xf32, #tpu.memory_space<hbm>>) target(%arg6 : memref<8x2816xf32, #tpu.memory_space<vmem>>) offsets(%dma_start3A_479 : memref<8xi32, #tpu.memory_space<vmem>>) semaphore(%arg10 : memref<!tpu.dma_semaphore, #tpu.memory_space<semaphore_mem>>)
    %dma_wait3A_483 = arith.constant 168 : i32
    %dma_wait3A_484 = tpu.memref_slice %arg5[%dma_wait3A_483] : memref<256xi32, #tpu.memory_space<vmem>> -> memref<8xi32, #tpu.memory_space<vmem>>
    %dma_wait3A_485 = arith.constant 0 : i32
    %dma_wait3A_486 = arith.constant 0 : i32
    %dma_wait3A_487 = tpu.memref_slice %arg2[%dma_wait3A_485, %dma_wait3A_486] : memref<1024x2816xf32, #tpu.memory_space<hbm>> -> memref<1024x2816xf32, #tpu.memory_space<hbm>>
    tpu.wait_indirect_dma semaphore(%arg11 : memref<!tpu.dma_semaphore, #tpu.memory_space<semaphore_mem>>) src(%dma_wait3A_487 : memref<1024x2816xf32, #tpu.memory_space<hbm>>) dst(%arg7 : memref<8x2816xf32, #tpu.memory_space<vmem>>)
    %add3A_488 = arith.constant 168 : i32
    %add3A_489 = arith.addi %mul3A_2, %add3A_488 : i32
    %dma_start3A_490 = arith.constant 0 : i32
    %dma_start3A_491 = tpu.memref_slice %arg4[%add3A_489, %dma_start3A_490] : memref<8192x2816xf32, #tpu.memory_space<hbm>> -> memref<8x2816xf32, #tpu.memory_space<hbm>>
    %dma_start3A_492 = arith.constant 0 : i32
    %dma_start3A_493 = tpu.memref_slice %arg4[%add3A_489, %dma_start3A_492] : memref<8192x2816xf32, #tpu.memory_space<hbm>> -> memref<8x2816xf32, #tpu.memory_space<hbm>>
    tpu.enqueue_dma source(%arg7 : memref<8x2816xf32, #tpu.memory_space<vmem>>) target(%dma_start3A_493 : memref<8x2816xf32, #tpu.memory_space<hbm>>) target_semaphore(%arg15 : memref<!tpu.dma_semaphore, #tpu.memory_space<semaphore_mem>>)
    %add3A_494 = arith.constant 168 : i32
    %add3A_495 = arith.addi %mul3A_2, %add3A_494 : i32
    %dma_wait3A_496 = arith.constant 0 : i32
    %dma_wait3A_497 = tpu.memref_slice %arg4[%add3A_495, %dma_wait3A_496] : memref<8192x2816xf32, #tpu.memory_space<hbm>> -> memref<8x2816xf32, #tpu.memory_space<hbm>>
    %dma_wait3A_498 = arith.constant 0 : i32
    %dma_wait3A_499 = tpu.memref_slice %arg4[%add3A_495, %dma_wait3A_498] : memref<8192x2816xf32, #tpu.memory_space<hbm>> -> memref<8x2816xf32, #tpu.memory_space<hbm>>
    tpu.wait_dma2 semaphore(%arg15 : memref<!tpu.dma_semaphore, #tpu.memory_space<semaphore_mem>>) src(%arg7 : memref<8x2816xf32, #tpu.memory_space<vmem>>) dst(%dma_wait3A_499 : memref<8x2816xf32, #tpu.memory_space<hbm>>)
    %dma_start3A_500 = arith.constant 200 : i32
    %dma_start3A_501 = tpu.memref_slice %arg5[%dma_start3A_500] : memref<256xi32, #tpu.memory_space<vmem>> -> memref<8xi32, #tpu.memory_space<vmem>>
    %dma_start3A_502 = arith.constant 0 : i32
    %dma_start3A_503 = arith.constant 0 : i32
    %dma_start3A_504 = tpu.memref_slice %arg2[%dma_start3A_502, %dma_start3A_503] : memref<1024x2816xf32, #tpu.memory_space<hbm>> -> memref<1024x2816xf32, #tpu.memory_space<hbm>>
    tpu.enqueue_indirect_dma source(%dma_start3A_504 : memref<1024x2816xf32, #tpu.memory_space<hbm>>) target(%arg7 : memref<8x2816xf32, #tpu.memory_space<vmem>>) offsets(%dma_start3A_501 : memref<8xi32, #tpu.memory_space<vmem>>) semaphore(%arg11 : memref<!tpu.dma_semaphore, #tpu.memory_space<semaphore_mem>>)
    %dma_wait3A_505 = arith.constant 176 : i32
    %dma_wait3A_506 = tpu.memref_slice %arg5[%dma_wait3A_505] : memref<256xi32, #tpu.memory_space<vmem>> -> memref<8xi32, #tpu.memory_space<vmem>>
    %dma_wait3A_507 = arith.constant 0 : i32
    %dma_wait3A_508 = arith.constant 0 : i32
    %dma_wait3A_509 = tpu.memref_slice %arg2[%dma_wait3A_507, %dma_wait3A_508] : memref<1024x2816xf32, #tpu.memory_space<hbm>> -> memref<1024x2816xf32, #tpu.memory_space<hbm>>
    tpu.wait_indirect_dma semaphore(%arg12 : memref<!tpu.dma_semaphore, #tpu.memory_space<semaphore_mem>>) src(%dma_wait3A_509 : memref<1024x2816xf32, #tpu.memory_space<hbm>>) dst(%arg8 : memref<8x2816xf32, #tpu.memory_space<vmem>>)
    %add3A_510 = arith.constant 176 : i32
    %add3A_511 = arith.addi %mul3A_2, %add3A_510 : i32
    %dma_start3A_512 = arith.constant 0 : i32
    %dma_start3A_513 = tpu.memref_slice %arg4[%add3A_511, %dma_start3A_512] : memref<8192x2816xf32, #tpu.memory_space<hbm>> -> memref<8x2816xf32, #tpu.memory_space<hbm>>
    %dma_start3A_514 = arith.constant 0 : i32
    %dma_start3A_515 = tpu.memref_slice %arg4[%add3A_511, %dma_start3A_514] : memref<8192x2816xf32, #tpu.memory_space<hbm>> -> memref<8x2816xf32, #tpu.memory_space<hbm>>
    tpu.enqueue_dma source(%arg8 : memref<8x2816xf32, #tpu.memory_space<vmem>>) target(%dma_start3A_515 : memref<8x2816xf32, #tpu.memory_space<hbm>>) target_semaphore(%arg16 : memref<!tpu.dma_semaphore, #tpu.memory_space<semaphore_mem>>)
    %add3A_516 = arith.constant 176 : i32
    %add3A_517 = arith.addi %mul3A_2, %add3A_516 : i32
    %dma_wait3A_518 = arith.constant 0 : i32
    %dma_wait3A_519 = tpu.memref_slice %arg4[%add3A_517, %dma_wait3A_518] : memref<8192x2816xf32, #tpu.memory_space<hbm>> -> memref<8x2816xf32, #tpu.memory_space<hbm>>
    %dma_wait3A_520 = arith.constant 0 : i32
    %dma_wait3A_521 = tpu.memref_slice %arg4[%add3A_517, %dma_wait3A_520] : memref<8192x2816xf32, #tpu.memory_space<hbm>> -> memref<8x2816xf32, #tpu.memory_space<hbm>>
    tpu.wait_dma2 semaphore(%arg16 : memref<!tpu.dma_semaphore, #tpu.memory_space<semaphore_mem>>) src(%arg8 : memref<8x2816xf32, #tpu.memory_space<vmem>>) dst(%dma_wait3A_521 : memref<8x2816xf32, #tpu.memory_space<hbm>>)
    %dma_start3A_522 = arith.constant 208 : i32
    %dma_start3A_523 = tpu.memref_slice %arg5[%dma_start3A_522] : memref<256xi32, #tpu.memory_space<vmem>> -> memref<8xi32, #tpu.memory_space<vmem>>
    %dma_start3A_524 = arith.constant 0 : i32
    %dma_start3A_525 = arith.constant 0 : i32
    %dma_start3A_526 = tpu.memref_slice %arg2[%dma_start3A_524, %dma_start3A_525] : memref<1024x2816xf32, #tpu.memory_space<hbm>> -> memref<1024x2816xf32, #tpu.memory_space<hbm>>
    tpu.enqueue_indirect_dma source(%dma_start3A_526 : memref<1024x2816xf32, #tpu.memory_space<hbm>>) target(%arg8 : memref<8x2816xf32, #tpu.memory_space<vmem>>) offsets(%dma_start3A_523 : memref<8xi32, #tpu.memory_space<vmem>>) semaphore(%arg12 : memref<!tpu.dma_semaphore, #tpu.memory_space<semaphore_mem>>)
    %dma_wait3A_527 = arith.constant 184 : i32
    %dma_wait3A_528 = tpu.memref_slice %arg5[%dma_wait3A_527] : memref<256xi32, #tpu.memory_space<vmem>> -> memref<8xi32, #tpu.memory_space<vmem>>
    %dma_wait3A_529 = arith.constant 0 : i32
    %dma_wait3A_530 = arith.constant 0 : i32
    %dma_wait3A_531 = tpu.memref_slice %arg2[%dma_wait3A_529, %dma_wait3A_530] : memref<1024x2816xf32, #tpu.memory_space<hbm>> -> memref<1024x2816xf32, #tpu.memory_space<hbm>>
    tpu.wait_indirect_dma semaphore(%arg13 : memref<!tpu.dma_semaphore, #tpu.memory_space<semaphore_mem>>) src(%dma_wait3A_531 : memref<1024x2816xf32, #tpu.memory_space<hbm>>) dst(%arg9 : memref<8x2816xf32, #tpu.memory_space<vmem>>)
    %add3A_532 = arith.constant 184 : i32
    %add3A_533 = arith.addi %mul3A_2, %add3A_532 : i32
    %dma_start3A_534 = arith.constant 0 : i32
    %dma_start3A_535 = tpu.memref_slice %arg4[%add3A_533, %dma_start3A_534] : memref<8192x2816xf32, #tpu.memory_space<hbm>> -> memref<8x2816xf32, #tpu.memory_space<hbm>>
    %dma_start3A_536 = arith.constant 0 : i32
    %dma_start3A_537 = tpu.memref_slice %arg4[%add3A_533, %dma_start3A_536] : memref<8192x2816xf32, #tpu.memory_space<hbm>> -> memref<8x2816xf32, #tpu.memory_space<hbm>>
    tpu.enqueue_dma source(%arg9 : memref<8x2816xf32, #tpu.memory_space<vmem>>) target(%dma_start3A_537 : memref<8x2816xf32, #tpu.memory_space<hbm>>) target_semaphore(%arg17 : memref<!tpu.dma_semaphore, #tpu.memory_space<semaphore_mem>>)
    %add3A_538 = arith.constant 184 : i32
    %add3A_539 = arith.addi %mul3A_2, %add3A_538 : i32
    %dma_wait3A_540 = arith.constant 0 : i32
    %dma_wait3A_541 = tpu.memref_slice %arg4[%add3A_539, %dma_wait3A_540] : memref<8192x2816xf32, #tpu.memory_space<hbm>> -> memref<8x2816xf32, #tpu.memory_space<hbm>>
    %dma_wait3A_542 = arith.constant 0 : i32
    %dma_wait3A_543 = tpu.memref_slice %arg4[%add3A_539, %dma_wait3A_542] : memref<8192x2816xf32, #tpu.memory_space<hbm>> -> memref<8x2816xf32, #tpu.memory_space<hbm>>
    tpu.wait_dma2 semaphore(%arg17 : memref<!tpu.dma_semaphore, #tpu.memory_space<semaphore_mem>>) src(%arg9 : memref<8x2816xf32, #tpu.memory_space<vmem>>) dst(%dma_wait3A_543 : memref<8x2816xf32, #tpu.memory_space<hbm>>)
    %dma_start3A_544 = arith.constant 216 : i32
    %dma_start3A_545 = tpu.memref_slice %arg5[%dma_start3A_544] : memref<256xi32, #tpu.memory_space<vmem>> -> memref<8xi32, #tpu.memory_space<vmem>>
    %dma_start3A_546 = arith.constant 0 : i32
    %dma_start3A_547 = arith.constant 0 : i32
    %dma_start3A_548 = tpu.memref_slice %arg2[%dma_start3A_546, %dma_start3A_547] : memref<1024x2816xf32, #tpu.memory_space<hbm>> -> memref<1024x2816xf32, #tpu.memory_space<hbm>>
    tpu.enqueue_indirect_dma source(%dma_start3A_548 : memref<1024x2816xf32, #tpu.memory_space<hbm>>) target(%arg9 : memref<8x2816xf32, #tpu.memory_space<vmem>>) offsets(%dma_start3A_545 : memref<8xi32, #tpu.memory_space<vmem>>) semaphore(%arg13 : memref<!tpu.dma_semaphore, #tpu.memory_space<semaphore_mem>>)
    %dma_wait3A_549 = arith.constant 192 : i32
    %dma_wait3A_550 = tpu.memref_slice %arg5[%dma_wait3A_549] : memref<256xi32, #tpu.memory_space<vmem>> -> memref<8xi32, #tpu.memory_space<vmem>>
    %dma_wait3A_551 = arith.constant 0 : i32
    %dma_wait3A_552 = arith.constant 0 : i32
    %dma_wait3A_553 = tpu.memref_slice %arg2[%dma_wait3A_551, %dma_wait3A_552] : memref<1024x2816xf32, #tpu.memory_space<hbm>> -> memref<1024x2816xf32, #tpu.memory_space<hbm>>
    tpu.wait_indirect_dma semaphore(%arg10 : memref<!tpu.dma_semaphore, #tpu.memory_space<semaphore_mem>>) src(%dma_wait3A_553 : memref<1024x2816xf32, #tpu.memory_space<hbm>>) dst(%arg6 : memref<8x2816xf32, #tpu.memory_space<vmem>>)
    %add3A_554 = arith.constant 192 : i32
    %add3A_555 = arith.addi %mul3A_2, %add3A_554 : i32
    %dma_start3A_556 = arith.constant 0 : i32
    %dma_start3A_557 = tpu.memref_slice %arg4[%add3A_555, %dma_start3A_556] : memref<8192x2816xf32, #tpu.memory_space<hbm>> -> memref<8x2816xf32, #tpu.memory_space<hbm>>
    %dma_start3A_558 = arith.constant 0 : i32
    %dma_start3A_559 = tpu.memref_slice %arg4[%add3A_555, %dma_start3A_558] : memref<8192x2816xf32, #tpu.memory_space<hbm>> -> memref<8x2816xf32, #tpu.memory_space<hbm>>
    tpu.enqueue_dma source(%arg6 : memref<8x2816xf32, #tpu.memory_space<vmem>>) target(%dma_start3A_559 : memref<8x2816xf32, #tpu.memory_space<hbm>>) target_semaphore(%arg14 : memref<!tpu.dma_semaphore, #tpu.memory_space<semaphore_mem>>)
    %add3A_560 = arith.constant 192 : i32
    %add3A_561 = arith.addi %mul3A_2, %add3A_560 : i32
    %dma_wait3A_562 = arith.constant 0 : i32
    %dma_wait3A_563 = tpu.memref_slice %arg4[%add3A_561, %dma_wait3A_562] : memref<8192x2816xf32, #tpu.memory_space<hbm>> -> memref<8x2816xf32, #tpu.memory_space<hbm>>
    %dma_wait3A_564 = arith.constant 0 : i32
    %dma_wait3A_565 = tpu.memref_slice %arg4[%add3A_561, %dma_wait3A_564] : memref<8192x2816xf32, #tpu.memory_space<hbm>> -> memref<8x2816xf32, #tpu.memory_space<hbm>>
    tpu.wait_dma2 semaphore(%arg14 : memref<!tpu.dma_semaphore, #tpu.memory_space<semaphore_mem>>) src(%arg6 : memref<8x2816xf32, #tpu.memory_space<vmem>>) dst(%dma_wait3A_565 : memref<8x2816xf32, #tpu.memory_space<hbm>>)
    %dma_start3A_566 = arith.constant 224 : i32
    %dma_start3A_567 = tpu.memref_slice %arg5[%dma_start3A_566] : memref<256xi32, #tpu.memory_space<vmem>> -> memref<8xi32, #tpu.memory_space<vmem>>
    %dma_start3A_568 = arith.constant 0 : i32
    %dma_start3A_569 = arith.constant 0 : i32
    %dma_start3A_570 = tpu.memref_slice %arg2[%dma_start3A_568, %dma_start3A_569] : memref<1024x2816xf32, #tpu.memory_space<hbm>> -> memref<1024x2816xf32, #tpu.memory_space<hbm>>
    tpu.enqueue_indirect_dma source(%dma_start3A_570 : memref<1024x2816xf32, #tpu.memory_space<hbm>>) target(%arg6 : memref<8x2816xf32, #tpu.memory_space<vmem>>) offsets(%dma_start3A_567 : memref<8xi32, #tpu.memory_space<vmem>>) semaphore(%arg10 : memref<!tpu.dma_semaphore, #tpu.memory_space<semaphore_mem>>)
    %dma_wait3A_571 = arith.constant 200 : i32
    %dma_wait3A_572 = tpu.memref_slice %arg5[%dma_wait3A_571] : memref<256xi32, #tpu.memory_space<vmem>> -> memref<8xi32, #tpu.memory_space<vmem>>
    %dma_wait3A_573 = arith.constant 0 : i32
    %dma_wait3A_574 = arith.constant 0 : i32
    %dma_wait3A_575 = tpu.memref_slice %arg2[%dma_wait3A_573, %dma_wait3A_574] : memref<1024x2816xf32, #tpu.memory_space<hbm>> -> memref<1024x2816xf32, #tpu.memory_space<hbm>>
    tpu.wait_indirect_dma semaphore(%arg11 : memref<!tpu.dma_semaphore, #tpu.memory_space<semaphore_mem>>) src(%dma_wait3A_575 : memref<1024x2816xf32, #tpu.memory_space<hbm>>) dst(%arg7 : memref<8x2816xf32, #tpu.memory_space<vmem>>)
    %add3A_576 = arith.constant 200 : i32
    %add3A_577 = arith.addi %mul3A_2, %add3A_576 : i32
    %dma_start3A_578 = arith.constant 0 : i32
    %dma_start3A_579 = tpu.memref_slice %arg4[%add3A_577, %dma_start3A_578] : memref<8192x2816xf32, #tpu.memory_space<hbm>> -> memref<8x2816xf32, #tpu.memory_space<hbm>>
    %dma_start3A_580 = arith.constant 0 : i32
    %dma_start3A_581 = tpu.memref_slice %arg4[%add3A_577, %dma_start3A_580] : memref<8192x2816xf32, #tpu.memory_space<hbm>> -> memref<8x2816xf32, #tpu.memory_space<hbm>>
    tpu.enqueue_dma source(%arg7 : memref<8x2816xf32, #tpu.memory_space<vmem>>) target(%dma_start3A_581 : memref<8x2816xf32, #tpu.memory_space<hbm>>) target_semaphore(%arg15 : memref<!tpu.dma_semaphore, #tpu.memory_space<semaphore_mem>>)
    %add3A_582 = arith.constant 200 : i32
    %add3A_583 = arith.addi %mul3A_2, %add3A_582 : i32
    %dma_wait3A_584 = arith.constant 0 : i32
    %dma_wait3A_585 = tpu.memref_slice %arg4[%add3A_583, %dma_wait3A_584] : memref<8192x2816xf32, #tpu.memory_space<hbm>> -> memref<8x2816xf32, #tpu.memory_space<hbm>>
    %dma_wait3A_586 = arith.constant 0 : i32
    %dma_wait3A_587 = tpu.memref_slice %arg4[%add3A_583, %dma_wait3A_586] : memref<8192x2816xf32, #tpu.memory_space<hbm>> -> memref<8x2816xf32, #tpu.memory_space<hbm>>
    tpu.wait_dma2 semaphore(%arg15 : memref<!tpu.dma_semaphore, #tpu.memory_space<semaphore_mem>>) src(%arg7 : memref<8x2816xf32, #tpu.memory_space<vmem>>) dst(%dma_wait3A_587 : memref<8x2816xf32, #tpu.memory_space<hbm>>)
    %dma_start3A_588 = arith.constant 232 : i32
    %dma_start3A_589 = tpu.memref_slice %arg5[%dma_start3A_588] : memref<256xi32, #tpu.memory_space<vmem>> -> memref<8xi32, #tpu.memory_space<vmem>>
    %dma_start3A_590 = arith.constant 0 : i32
    %dma_start3A_591 = arith.constant 0 : i32
    %dma_start3A_592 = tpu.memref_slice %arg2[%dma_start3A_590, %dma_start3A_591] : memref<1024x2816xf32, #tpu.memory_space<hbm>> -> memref<1024x2816xf32, #tpu.memory_space<hbm>>
    tpu.enqueue_indirect_dma source(%dma_start3A_592 : memref<1024x2816xf32, #tpu.memory_space<hbm>>) target(%arg7 : memref<8x2816xf32, #tpu.memory_space<vmem>>) offsets(%dma_start3A_589 : memref<8xi32, #tpu.memory_space<vmem>>) semaphore(%arg11 : memref<!tpu.dma_semaphore, #tpu.memory_space<semaphore_mem>>)
    %dma_wait3A_593 = arith.constant 208 : i32
    %dma_wait3A_594 = tpu.memref_slice %arg5[%dma_wait3A_593] : memref<256xi32, #tpu.memory_space<vmem>> -> memref<8xi32, #tpu.memory_space<vmem>>
    %dma_wait3A_595 = arith.constant 0 : i32
    %dma_wait3A_596 = arith.constant 0 : i32
    %dma_wait3A_597 = tpu.memref_slice %arg2[%dma_wait3A_595, %dma_wait3A_596] : memref<1024x2816xf32, #tpu.memory_space<hbm>> -> memref<1024x2816xf32, #tpu.memory_space<hbm>>
    tpu.wait_indirect_dma semaphore(%arg12 : memref<!tpu.dma_semaphore, #tpu.memory_space<semaphore_mem>>) src(%dma_wait3A_597 : memref<1024x2816xf32, #tpu.memory_space<hbm>>) dst(%arg8 : memref<8x2816xf32, #tpu.memory_space<vmem>>)
    %add3A_598 = arith.constant 208 : i32
    %add3A_599 = arith.addi %mul3A_2, %add3A_598 : i32
    %dma_start3A_600 = arith.constant 0 : i32
    %dma_start3A_601 = tpu.memref_slice %arg4[%add3A_599, %dma_start3A_600] : memref<8192x2816xf32, #tpu.memory_space<hbm>> -> memref<8x2816xf32, #tpu.memory_space<hbm>>
    %dma_start3A_602 = arith.constant 0 : i32
    %dma_start3A_603 = tpu.memref_slice %arg4[%add3A_599, %dma_start3A_602] : memref<8192x2816xf32, #tpu.memory_space<hbm>> -> memref<8x2816xf32, #tpu.memory_space<hbm>>
    tpu.enqueue_dma source(%arg8 : memref<8x2816xf32, #tpu.memory_space<vmem>>) target(%dma_start3A_603 : memref<8x2816xf32, #tpu.memory_space<hbm>>) target_semaphore(%arg16 : memref<!tpu.dma_semaphore, #tpu.memory_space<semaphore_mem>>)
    %add3A_604 = arith.constant 208 : i32
    %add3A_605 = arith.addi %mul3A_2, %add3A_604 : i32
    %dma_wait3A_606 = arith.constant 0 : i32
    %dma_wait3A_607 = tpu.memref_slice %arg4[%add3A_605, %dma_wait3A_606] : memref<8192x2816xf32, #tpu.memory_space<hbm>> -> memref<8x2816xf32, #tpu.memory_space<hbm>>
    %dma_wait3A_608 = arith.constant 0 : i32
    %dma_wait3A_609 = tpu.memref_slice %arg4[%add3A_605, %dma_wait3A_608] : memref<8192x2816xf32, #tpu.memory_space<hbm>> -> memref<8x2816xf32, #tpu.memory_space<hbm>>
    tpu.wait_dma2 semaphore(%arg16 : memref<!tpu.dma_semaphore, #tpu.memory_space<semaphore_mem>>) src(%arg8 : memref<8x2816xf32, #tpu.memory_space<vmem>>) dst(%dma_wait3A_609 : memref<8x2816xf32, #tpu.memory_space<hbm>>)
    %dma_start3A_610 = arith.constant 240 : i32
    %dma_start3A_611 = tpu.memref_slice %arg5[%dma_start3A_610] : memref<256xi32, #tpu.memory_space<vmem>> -> memref<8xi32, #tpu.memory_space<vmem>>
    %dma_start3A_612 = arith.constant 0 : i32
    %dma_start3A_613 = arith.constant 0 : i32
    %dma_start3A_614 = tpu.memref_slice %arg2[%dma_start3A_612, %dma_start3A_613] : memref<1024x2816xf32, #tpu.memory_space<hbm>> -> memref<1024x2816xf32, #tpu.memory_space<hbm>>
    tpu.enqueue_indirect_dma source(%dma_start3A_614 : memref<1024x2816xf32, #tpu.memory_space<hbm>>) target(%arg8 : memref<8x2816xf32, #tpu.memory_space<vmem>>) offsets(%dma_start3A_611 : memref<8xi32, #tpu.memory_space<vmem>>) semaphore(%arg12 : memref<!tpu.dma_semaphore, #tpu.memory_space<semaphore_mem>>)
    %dma_wait3A_615 = arith.constant 216 : i32
    %dma_wait3A_616 = tpu.memref_slice %arg5[%dma_wait3A_615] : memref<256xi32, #tpu.memory_space<vmem>> -> memref<8xi32, #tpu.memory_space<vmem>>
    %dma_wait3A_617 = arith.constant 0 : i32
    %dma_wait3A_618 = arith.constant 0 : i32
    %dma_wait3A_619 = tpu.memref_slice %arg2[%dma_wait3A_617, %dma_wait3A_618] : memref<1024x2816xf32, #tpu.memory_space<hbm>> -> memref<1024x2816xf32, #tpu.memory_space<hbm>>
    tpu.wait_indirect_dma semaphore(%arg13 : memref<!tpu.dma_semaphore, #tpu.memory_space<semaphore_mem>>) src(%dma_wait3A_619 : memref<1024x2816xf32, #tpu.memory_space<hbm>>) dst(%arg9 : memref<8x2816xf32, #tpu.memory_space<vmem>>)
    %add3A_620 = arith.constant 216 : i32
    %add3A_621 = arith.addi %mul3A_2, %add3A_620 : i32
    %dma_start3A_622 = arith.constant 0 : i32
    %dma_start3A_623 = tpu.memref_slice %arg4[%add3A_621, %dma_start3A_622] : memref<8192x2816xf32, #tpu.memory_space<hbm>> -> memref<8x2816xf32, #tpu.memory_space<hbm>>
    %dma_start3A_624 = arith.constant 0 : i32
    %dma_start3A_625 = tpu.memref_slice %arg4[%add3A_621, %dma_start3A_624] : memref<8192x2816xf32, #tpu.memory_space<hbm>> -> memref<8x2816xf32, #tpu.memory_space<hbm>>
    tpu.enqueue_dma source(%arg9 : memref<8x2816xf32, #tpu.memory_space<vmem>>) target(%dma_start3A_625 : memref<8x2816xf32, #tpu.memory_space<hbm>>) target_semaphore(%arg17 : memref<!tpu.dma_semaphore, #tpu.memory_space<semaphore_mem>>)
    %add3A_626 = arith.constant 216 : i32
    %add3A_627 = arith.addi %mul3A_2, %add3A_626 : i32
    %dma_wait3A_628 = arith.constant 0 : i32
    %dma_wait3A_629 = tpu.memref_slice %arg4[%add3A_627, %dma_wait3A_628] : memref<8192x2816xf32, #tpu.memory_space<hbm>> -> memref<8x2816xf32, #tpu.memory_space<hbm>>
    %dma_wait3A_630 = arith.constant 0 : i32
    %dma_wait3A_631 = tpu.memref_slice %arg4[%add3A_627, %dma_wait3A_630] : memref<8192x2816xf32, #tpu.memory_space<hbm>> -> memref<8x2816xf32, #tpu.memory_space<hbm>>
    tpu.wait_dma2 semaphore(%arg17 : memref<!tpu.dma_semaphore, #tpu.memory_space<semaphore_mem>>) src(%arg9 : memref<8x2816xf32, #tpu.memory_space<vmem>>) dst(%dma_wait3A_631 : memref<8x2816xf32, #tpu.memory_space<hbm>>)
    %dma_start3A_632 = arith.constant 248 : i32
    %dma_start3A_633 = tpu.memref_slice %arg5[%dma_start3A_632] : memref<256xi32, #tpu.memory_space<vmem>> -> memref<8xi32, #tpu.memory_space<vmem>>
    %dma_start3A_634 = arith.constant 0 : i32
    %dma_start3A_635 = arith.constant 0 : i32
    %dma_start3A_636 = tpu.memref_slice %arg2[%dma_start3A_634, %dma_start3A_635] : memref<1024x2816xf32, #tpu.memory_space<hbm>> -> memref<1024x2816xf32, #tpu.memory_space<hbm>>
    tpu.enqueue_indirect_dma source(%dma_start3A_636 : memref<1024x2816xf32, #tpu.memory_space<hbm>>) target(%arg9 : memref<8x2816xf32, #tpu.memory_space<vmem>>) offsets(%dma_start3A_633 : memref<8xi32, #tpu.memory_space<vmem>>) semaphore(%arg13 : memref<!tpu.dma_semaphore, #tpu.memory_space<semaphore_mem>>)
    %dma_wait3A_637 = arith.constant 224 : i32
    %dma_wait3A_638 = tpu.memref_slice %arg5[%dma_wait3A_637] : memref<256xi32, #tpu.memory_space<vmem>> -> memref<8xi32, #tpu.memory_space<vmem>>
    %dma_wait3A_639 = arith.constant 0 : i32
    %dma_wait3A_640 = arith.constant 0 : i32
    %dma_wait3A_641 = tpu.memref_slice %arg2[%dma_wait3A_639, %dma_wait3A_640] : memref<1024x2816xf32, #tpu.memory_space<hbm>> -> memref<1024x2816xf32, #tpu.memory_space<hbm>>
    tpu.wait_indirect_dma semaphore(%arg10 : memref<!tpu.dma_semaphore, #tpu.memory_space<semaphore_mem>>) src(%dma_wait3A_641 : memref<1024x2816xf32, #tpu.memory_space<hbm>>) dst(%arg6 : memref<8x2816xf32, #tpu.memory_space<vmem>>)
    %add3A_642 = arith.constant 224 : i32
    %add3A_643 = arith.addi %mul3A_2, %add3A_642 : i32
    %dma_start3A_644 = arith.constant 0 : i32
    %dma_start3A_645 = tpu.memref_slice %arg4[%add3A_643, %dma_start3A_644] : memref<8192x2816xf32, #tpu.memory_space<hbm>> -> memref<8x2816xf32, #tpu.memory_space<hbm>>
    %dma_start3A_646 = arith.constant 0 : i32
    %dma_start3A_647 = tpu.memref_slice %arg4[%add3A_643, %dma_start3A_646] : memref<8192x2816xf32, #tpu.memory_space<hbm>> -> memref<8x2816xf32, #tpu.memory_space<hbm>>
    tpu.enqueue_dma source(%arg6 : memref<8x2816xf32, #tpu.memory_space<vmem>>) target(%dma_start3A_647 : memref<8x2816xf32, #tpu.memory_space<hbm>>) target_semaphore(%arg14 : memref<!tpu.dma_semaphore, #tpu.memory_space<semaphore_mem>>)
    %dma_wait3A_648 = arith.constant 232 : i32
    %dma_wait3A_649 = tpu.memref_slice %arg5[%dma_wait3A_648] : memref<256xi32, #tpu.memory_space<vmem>> -> memref<8xi32, #tpu.memory_space<vmem>>
    %dma_wait3A_650 = arith.constant 0 : i32
    %dma_wait3A_651 = arith.constant 0 : i32
    %dma_wait3A_652 = tpu.memref_slice %arg2[%dma_wait3A_650, %dma_wait3A_651] : memref<1024x2816xf32, #tpu.memory_space<hbm>> -> memref<1024x2816xf32, #tpu.memory_space<hbm>>
    tpu.wait_indirect_dma semaphore(%arg11 : memref<!tpu.dma_semaphore, #tpu.memory_space<semaphore_mem>>) src(%dma_wait3A_652 : memref<1024x2816xf32, #tpu.memory_space<hbm>>) dst(%arg7 : memref<8x2816xf32, #tpu.memory_space<vmem>>)
    %add3A_653 = arith.constant 232 : i32
    %add3A_654 = arith.addi %mul3A_2, %add3A_653 : i32
    %dma_start3A_655 = arith.constant 0 : i32
    %dma_start3A_656 = tpu.memref_slice %arg4[%add3A_654, %dma_start3A_655] : memref<8192x2816xf32, #tpu.memory_space<hbm>> -> memref<8x2816xf32, #tpu.memory_space<hbm>>
    %dma_start3A_657 = arith.constant 0 : i32
    %dma_start3A_658 = tpu.memref_slice %arg4[%add3A_654, %dma_start3A_657] : memref<8192x2816xf32, #tpu.memory_space<hbm>> -> memref<8x2816xf32, #tpu.memory_space<hbm>>
    tpu.enqueue_dma source(%arg7 : memref<8x2816xf32, #tpu.memory_space<vmem>>) target(%dma_start3A_658 : memref<8x2816xf32, #tpu.memory_space<hbm>>) target_semaphore(%arg15 : memref<!tpu.dma_semaphore, #tpu.memory_space<semaphore_mem>>)
    %dma_wait3A_659 = arith.constant 240 : i32
    %dma_wait3A_660 = tpu.memref_slice %arg5[%dma_wait3A_659] : memref<256xi32, #tpu.memory_space<vmem>> -> memref<8xi32, #tpu.memory_space<vmem>>
    %dma_wait3A_661 = arith.constant 0 : i32
    %dma_wait3A_662 = arith.constant 0 : i32
    %dma_wait3A_663 = tpu.memref_slice %arg2[%dma_wait3A_661, %dma_wait3A_662] : memref<1024x2816xf32, #tpu.memory_space<hbm>> -> memref<1024x2816xf32, #tpu.memory_space<hbm>>
    tpu.wait_indirect_dma semaphore(%arg12 : memref<!tpu.dma_semaphore, #tpu.memory_space<semaphore_mem>>) src(%dma_wait3A_663 : memref<1024x2816xf32, #tpu.memory_space<hbm>>) dst(%arg8 : memref<8x2816xf32, #tpu.memory_space<vmem>>)
    %add3A_664 = arith.constant 240 : i32
    %add3A_665 = arith.addi %mul3A_2, %add3A_664 : i32
    %dma_start3A_666 = arith.constant 0 : i32
    %dma_start3A_667 = tpu.memref_slice %arg4[%add3A_665, %dma_start3A_666] : memref<8192x2816xf32, #tpu.memory_space<hbm>> -> memref<8x2816xf32, #tpu.memory_space<hbm>>
    %dma_start3A_668 = arith.constant 0 : i32
    %dma_start3A_669 = tpu.memref_slice %arg4[%add3A_665, %dma_start3A_668] : memref<8192x2816xf32, #tpu.memory_space<hbm>> -> memref<8x2816xf32, #tpu.memory_space<hbm>>
    tpu.enqueue_dma source(%arg8 : memref<8x2816xf32, #tpu.memory_space<vmem>>) target(%dma_start3A_669 : memref<8x2816xf32, #tpu.memory_space<hbm>>) target_semaphore(%arg16 : memref<!tpu.dma_semaphore, #tpu.memory_space<semaphore_mem>>)
    %dma_wait3A_670 = arith.constant 248 : i32
    %dma_wait3A_671 = tpu.memref_slice %arg5[%dma_wait3A_670] : memref<256xi32, #tpu.memory_space<vmem>> -> memref<8xi32, #tpu.memory_space<vmem>>
    %dma_wait3A_672 = arith.constant 0 : i32
    %dma_wait3A_673 = arith.constant 0 : i32
    %dma_wait3A_674 = tpu.memref_slice %arg2[%dma_wait3A_672, %dma_wait3A_673] : memref<1024x2816xf32, #tpu.memory_space<hbm>> -> memref<1024x2816xf32, #tpu.memory_space<hbm>>
    tpu.wait_indirect_dma semaphore(%arg13 : memref<!tpu.dma_semaphore, #tpu.memory_space<semaphore_mem>>) src(%dma_wait3A_674 : memref<1024x2816xf32, #tpu.memory_space<hbm>>) dst(%arg9 : memref<8x2816xf32, #tpu.memory_space<vmem>>)
    %add3A_675 = arith.constant 248 : i32
    %add3A_676 = arith.addi %mul3A_2, %add3A_675 : i32
    %dma_start3A_677 = arith.constant 0 : i32
    %dma_start3A_678 = tpu.memref_slice %arg4[%add3A_676, %dma_start3A_677] : memref<8192x2816xf32, #tpu.memory_space<hbm>> -> memref<8x2816xf32, #tpu.memory_space<hbm>>
    %dma_start3A_679 = arith.constant 0 : i32
    %dma_start3A_680 = tpu.memref_slice %arg4[%add3A_676, %dma_start3A_679] : memref<8192x2816xf32, #tpu.memory_space<hbm>> -> memref<8x2816xf32, #tpu.memory_space<hbm>>
    tpu.enqueue_dma source(%arg9 : memref<8x2816xf32, #tpu.memory_space<vmem>>) target(%dma_start3A_680 : memref<8x2816xf32, #tpu.memory_space<hbm>>) target_semaphore(%arg17 : memref<!tpu.dma_semaphore, #tpu.memory_space<semaphore_mem>>)
    %add3A_681 = arith.constant 224 : i32
    %add3A_682 = arith.addi %mul3A_2, %add3A_681 : i32
    %dma_wait3A_683 = arith.constant 0 : i32
    %dma_wait3A_684 = tpu.memref_slice %arg4[%add3A_682, %dma_wait3A_683] : memref<8192x2816xf32, #tpu.memory_space<hbm>> -> memref<8x2816xf32, #tpu.memory_space<hbm>>
    %dma_wait3A_685 = arith.constant 0 : i32
    %dma_wait3A_686 = tpu.memref_slice %arg4[%add3A_682, %dma_wait3A_685] : memref<8192x2816xf32, #tpu.memory_space<hbm>> -> memref<8x2816xf32, #tpu.memory_space<hbm>>
    tpu.wait_dma2 semaphore(%arg14 : memref<!tpu.dma_semaphore, #tpu.memory_space<semaphore_mem>>) src(%arg6 : memref<8x2816xf32, #tpu.memory_space<vmem>>) dst(%dma_wait3A_686 : memref<8x2816xf32, #tpu.memory_space<hbm>>)
    %add3A_687 = arith.constant 232 : i32
    %add3A_688 = arith.addi %mul3A_2, %add3A_687 : i32
    %dma_wait3A_689 = arith.constant 0 : i32
    %dma_wait3A_690 = tpu.memref_slice %arg4[%add3A_688, %dma_wait3A_689] : memref<8192x2816xf32, #tpu.memory_space<hbm>> -> memref<8x2816xf32, #tpu.memory_space<hbm>>
    %dma_wait3A_691 = arith.constant 0 : i32
    %dma_wait3A_692 = tpu.memref_slice %arg4[%add3A_688, %dma_wait3A_691] : memref<8192x2816xf32, #tpu.memory_space<hbm>> -> memref<8x2816xf32, #tpu.memory_space<hbm>>
    tpu.wait_dma2 semaphore(%arg15 : memref<!tpu.dma_semaphore, #tpu.memory_space<semaphore_mem>>) src(%arg7 : memref<8x2816xf32, #tpu.memory_space<vmem>>) dst(%dma_wait3A_692 : memref<8x2816xf32, #tpu.memory_space<hbm>>)
    %add3A_693 = arith.constant 240 : i32
    %add3A_694 = arith.addi %mul3A_2, %add3A_693 : i32
    %dma_wait3A_695 = arith.constant 0 : i32
    %dma_wait3A_696 = tpu.memref_slice %arg4[%add3A_694, %dma_wait3A_695] : memref<8192x2816xf32, #tpu.memory_space<hbm>> -> memref<8x2816xf32, #tpu.memory_space<hbm>>
    %dma_wait3A_697 = arith.constant 0 : i32
    %dma_wait3A_698 = tpu.memref_slice %arg4[%add3A_694, %dma_wait3A_697] : memref<8192x2816xf32, #tpu.memory_space<hbm>> -> memref<8x2816xf32, #tpu.memory_space<hbm>>
    tpu.wait_dma2 semaphore(%arg16 : memref<!tpu.dma_semaphore, #tpu.memory_space<semaphore_mem>>) src(%arg8 : memref<8x2816xf32, #tpu.memory_space<vmem>>) dst(%dma_wait3A_698 : memref<8x2816xf32, #tpu.memory_space<hbm>>)
    %add3A_699 = arith.constant 248 : i32
    %add3A_700 = arith.addi %mul3A_2, %add3A_699 : i32
    %dma_wait3A_701 = arith.constant 0 : i32
    %dma_wait3A_702 = tpu.memref_slice %arg4[%add3A_700, %dma_wait3A_701] : memref<8192x2816xf32, #tpu.memory_space<hbm>> -> memref<8x2816xf32, #tpu.memory_space<hbm>>
    %dma_wait3A_703 = arith.constant 0 : i32
    %dma_wait3A_704 = tpu.memref_slice %arg4[%add3A_700, %dma_wait3A_703] : memref<8192x2816xf32, #tpu.memory_space<hbm>> -> memref<8x2816xf32, #tpu.memory_space<hbm>>
    tpu.wait_dma2 semaphore(%arg17 : memref<!tpu.dma_semaphore, #tpu.memory_space<semaphore_mem>>) src(%arg9 : memref<8x2816xf32, #tpu.memory_space<vmem>>) dst(%dma_wait3A_704 : memref<8x2816xf32, #tpu.memory_space<hbm>>)
    return
  }
}

module attributes {stable_mosaic.version = 14 : i64} {
  func.func @_tc_body(%arg0: i32, %arg1: memref<4x128x256xf32, #tpu.memory_space<vmem>>, %arg2: memref<256x2700xf32, #tpu.memory_space<vmem>>, %arg3: memref<1x2700xf32, #tpu.memory_space<vmem>>, %arg4: memref<1024x2700xf32, #tpu.memory_space<vmem>>, %arg5: memref<1x1x512xi32, #tpu.memory_space<vmem>>, %arg6: memref<1x1xf32, #tpu.memory_space<vmem>>, %arg7: memref<1x1xf32, #tpu.memory_space<vmem>>, %arg8: memref<1024x2816xf32, #tpu.memory_space<vmem>>, %arg9: memref<1x1024xf32, #tpu.memory_space<vmem>>, %arg10: memref<256x2700xbf16, #tpu.memory_space<vmem>>, %arg11: memref<1024x2700xbf16, #tpu.memory_space<vmem>>, %arg12: memref<1x1024xf32, #tpu.memory_space<vmem>>, %arg13: memref<1xf32, #tpu.memory_space<smem>>) attributes {dimension_semantics = [#tpu.dimension_semantics<arbitrary>], iteration_bounds = array<i64: 16>, scalar_prefetch = 0 : i64, scratch_operands = 5 : i64, tpu.core_type = #tpu.core_type<tc>, window_params = [{transform_indices = @transform_0, window_bounds = array<i64: 4, 128, 256>}, {pipeline_mode = #tpu.pipeline_mode<synchronous>, transform_indices = @transform_1, window_bounds = array<i64: 256, 2700>}, {pipeline_mode = #tpu.pipeline_mode<synchronous>, transform_indices = @transform_2, window_bounds = array<i64: 1, 2700>}, {pipeline_mode = #tpu.pipeline_mode<synchronous>, transform_indices = @transform_3, window_bounds = array<i64: 1024, 2700>}, {transform_indices = @transform_4, window_bounds = array<i64: 1, 1, 512>}, {pipeline_mode = #tpu.pipeline_mode<synchronous>, transform_indices = @transform_5, window_bounds = array<i64: 1, 1>}, {pipeline_mode = #tpu.pipeline_mode<synchronous>, transform_indices = @transform_6, window_bounds = array<i64: 1, 1>}, {pipeline_mode = #tpu.pipeline_mode<synchronous>, transform_indices = @transform_7, window_bounds = array<i64: 1024, 2816>}]} {
    %eq3A = arith.constant 0 : i32
    %eq3A_0 = arith.cmpi eq, %arg0, %eq3A : i32
    %convert_element_type3A = arith.extui %eq3A_0 : i1 to i32
    %cond3A = arith.constant 0 : i32
    %cond3A_1 = arith.cmpi ne, %convert_element_type3A, %cond3A : i32
    scf.if %cond3A_1 {
      %get3A_72 = arith.constant 0 : index
      %get3A_73 = arith.constant 0 : index
      %get3A_74 = vector.load %arg4[%get3A_72, %get3A_73] : memref<1024x2700xf32, #tpu.memory_space<vmem>>, vector<1024x2700xf32>
      %mul3A_75 = arith.mulf %get3A_74, %get3A_74 : vector<1024x2700xf32>
      %broadcast_in_dim3A_76 = arith.constant 1.000000e+00 : f32
      %broadcast_in_dim3A_77 = vector.broadcast %broadcast_in_dim3A_76 : f32 to vector<1x2700xf32>
      %dot_general3A_78 = arith.constant dense<0.000000e+00> : vector<1x1024xf32>
      %dot_general3A_79 = tpu.matmul %broadcast_in_dim3A_77, %mul3A_75, %dot_general3A_78 {dimension_numbers = #tpu.dot_dimension_numbers<[1], [1], [0], [0], [0, 0, 1, 0], [], []>, precision = #tpu.contract_precision<fp32>, transpose_lhs_hint = false} : vector<1x2700xf32>, vector<1024x2700xf32>, vector<1x1024xf32> -> vector<1x1024xf32>
      %swap3A_80 = arith.constant 0 : index
      %swap3A_81 = arith.constant 0 : index
      %swap3A_82 = vector.load %arg9[%swap3A_80, %swap3A_81] : memref<1x1024xf32, #tpu.memory_space<vmem>>, vector<1x1024xf32>
      tpu.vector_store %arg9[%swap3A_80, %swap3A_81], %dot_general3A_79 {strides = array<i32>} : memref<1x1024xf32, #tpu.memory_space<vmem>>, vector<1x1024xf32>,
      %get3A_83 = arith.constant 0 : index
      %get3A_84 = arith.constant 0 : index
      %get3A_85 = vector.load %arg2[%get3A_83, %get3A_84] : memref<256x2700xf32, #tpu.memory_space<vmem>>, vector<256x2700xf32>
      %convert_element_type3A_86 = arith.truncf %get3A_85 : vector<256x2700xf32> to vector<256x2700xbf16>
      %swap3A_87 = arith.constant 0 : index
      %swap3A_88 = arith.constant 0 : index
      %swap3A_89 = vector.load %arg10[%swap3A_87, %swap3A_88] : memref<256x2700xbf16, #tpu.memory_space<vmem>>, vector<256x2700xbf16>
      tpu.vector_store %arg10[%swap3A_87, %swap3A_88], %convert_element_type3A_86 {strides = array<i32>} : memref<256x2700xbf16, #tpu.memory_space<vmem>>, vector<256x2700xbf16>,
      %convert_element_type3A_90 = arith.truncf %get3A_74 : vector<1024x2700xf32> to vector<1024x2700xbf16>
      %swap3A_91 = arith.constant 0 : index
      %swap3A_92 = arith.constant 0 : index
      %swap3A_93 = vector.load %arg11[%swap3A_91, %swap3A_92] : memref<1024x2700xbf16, #tpu.memory_space<vmem>>, vector<1024x2700xbf16>
      tpu.vector_store %arg11[%swap3A_91, %swap3A_92], %convert_element_type3A_90 {strides = array<i32>} : memref<1024x2700xbf16, #tpu.memory_space<vmem>>, vector<1024x2700xbf16>,
      %broadcast_in_dim3A_94 = arith.constant 0.000000e+00 : f32
      %broadcast_in_dim3A_95 = vector.broadcast %broadcast_in_dim3A_94 : f32 to vector<1x1024xf32>
      %swap3A_96 = arith.constant 0 : index
      %swap3A_97 = arith.constant 0 : index
      %swap3A_98 = vector.load %arg12[%swap3A_96, %swap3A_97] : memref<1x1024xf32, #tpu.memory_space<vmem>>, vector<1x1024xf32>
      tpu.vector_store %arg12[%swap3A_96, %swap3A_97], %broadcast_in_dim3A_95 {strides = array<i32>} : memref<1x1024xf32, #tpu.memory_space<vmem>>, vector<1x1024xf32>,
      %swap3A_99 = arith.constant 0.000000e+00 : f32
      %swap3A_100 = arith.constant 0 : index
      %swap3A_101 = memref.load %arg13[%swap3A_100] : memref<1xf32, #tpu.memory_space<smem>>
      memref.store %swap3A_99, %arg13[%swap3A_100] : memref<1xf32, #tpu.memory_space<smem>>
      %swap3A_102 = arith.constant 0 : index
      %swap3A_103 = arith.constant 0 : index
      %swap3A_104 = vector.load %arg8[%swap3A_102, %swap3A_103] : memref<1024x2816xf32, #tpu.memory_space<vmem>>, vector<1024x2700xf32>
      tpu.vector_store %arg8[%swap3A_102, %swap3A_103], %get3A_74 {strides = array<i32>} : memref<1024x2816xf32, #tpu.memory_space<vmem>>, vector<1024x2700xf32>,
      %broadcast_in_dim3A_105 = arith.constant 0.000000e+00 : f32
      %broadcast_in_dim3A_106 = vector.broadcast %broadcast_in_dim3A_105 : f32 to vector<1024x116xf32>
      %swap3A_107 = arith.constant 0 : index
      %swap3A_108 = arith.constant 2700 : index
      %swap3A_109 = vector.load %arg8[%swap3A_107, %swap3A_108] : memref<1024x2816xf32, #tpu.memory_space<vmem>>, vector<1024x116xf32>
      tpu.vector_store %arg8[%swap3A_107, %swap3A_108], %broadcast_in_dim3A_106 {strides = array<i32>} : memref<1024x2816xf32, #tpu.memory_space<vmem>>, vector<1024x116xf32>,
    } else {
    }
    %get3A = arith.constant 0 : index
    %get3A_2 = arith.constant 0 : index
    %get3A_3 = arith.constant 0 : index
    %get3A_4 = vector.load %arg1[%get3A, %get3A_2, %get3A_3] : memref<4x128x256xf32, #tpu.memory_space<vmem>>, vector<4x128x256xf32>
    %convert_element_type3A_5 = arith.truncf %get3A_4 : vector<4x128x256xf32> to vector<4x128x256xbf16>
    %reshape3A = vector.shape_cast %convert_element_type3A_5 : vector<4x128x256xbf16> to vector<512x256xbf16>
    %get3A_6 = arith.constant 0 : index
    %get3A_7 = arith.constant 0 : index
    %get3A_8 = vector.load %arg10[%get3A_6, %get3A_7] : memref<256x2700xbf16, #tpu.memory_space<vmem>>, vector<256x2700xbf16>
    %dot_general3A = arith.constant dense<0.000000e+00> : vector<512x2700xf32>
    %dot_general3A_9 = tpu.matmul %reshape3A, %get3A_8, %dot_general3A {dimension_numbers = #tpu.dot_dimension_numbers<[1], [0], [0], [1], [0, 0, 1, 1], [], []>, transpose_lhs_hint = false} : vector<512x256xbf16>, vector<256x2700xbf16>, vector<512x2700xf32> -> vector<512x2700xf32>
    %get3A_10 = arith.constant 0 : index
    %get3A_11 = arith.constant 0 : index
    %get3A_12 = vector.load %arg3[%get3A_10, %get3A_11] : memref<1x2700xf32, #tpu.memory_space<vmem>>, vector<1x2700xf32>
    %add3A = vector.broadcast %get3A_12 : vector<1x2700xf32> to vector<512x2700xf32>
    %add3A_13 = arith.addf %dot_general3A_9, %add3A : vector<512x2700xf32>
    %mul3A = arith.mulf %add3A_13, %add3A_13 : vector<512x2700xf32>
    %reduce_sum3A = arith.constant dense<0.000000e+00> : vector<512xf32>
    %reduce_sum3A_14 = vector.multi_reduction <add>, %mul3A, %reduce_sum3A [1] : vector<512x2700xf32> to vector<512xf32>
    %broadcast_in_dim3A = vector.shape_cast %reduce_sum3A_14 : vector<512xf32> to vector<512x1xf32>
    %convert_element_type3A_15 = arith.truncf %add3A_13 : vector<512x2700xf32> to vector<512x2700xbf16>
    %get3A_16 = arith.constant 0 : index
    %get3A_17 = arith.constant 0 : index
    %get3A_18 = vector.load %arg11[%get3A_16, %get3A_17] : memref<1024x2700xbf16, #tpu.memory_space<vmem>>, vector<1024x2700xbf16>
    %dot_general3A_19 = arith.constant dense<0.000000e+00> : vector<512x1024xf32>
    %dot_general3A_20 = tpu.matmul %convert_element_type3A_15, %get3A_18, %dot_general3A_19 {dimension_numbers = #tpu.dot_dimension_numbers<[1], [1], [0], [0], [0, 0, 1, 0], [], []>, transpose_lhs_hint = false} : vector<512x2700xbf16>, vector<1024x2700xbf16>, vector<512x1024xf32> -> vector<512x1024xf32>
    %mul3A_21 = arith.constant 2.000000e+00 : f32
    %mul3A_22 = vector.broadcast %mul3A_21 : f32 to vector<512x1024xf32>
    %mul3A_23 = arith.mulf %mul3A_22, %dot_general3A_20 : vector<512x1024xf32>
    %sub3A = vector.broadcast %broadcast_in_dim3A : vector<512x1xf32> to vector<512x1024xf32>
    %sub3A_24 = arith.subf %sub3A, %mul3A_23 : vector<512x1024xf32>
    %get3A_25 = arith.constant 0 : index
    %get3A_26 = arith.constant 0 : index
    %get3A_27 = vector.load %arg9[%get3A_25, %get3A_26] : memref<1x1024xf32, #tpu.memory_space<vmem>>, vector<1x1024xf32>
    %add3A_28 = vector.broadcast %get3A_27 : vector<1x1024xf32> to vector<512x1024xf32>
    %add3A_29 = arith.addf %sub3A_24, %add3A_28 : vector<512x1024xf32>
    %reduce_min3A = arith.constant dense<0x7F800000> : vector<512xf32>
    %reduce_min3A_30 = vector.multi_reduction <minimumf>, %add3A_29, %reduce_min3A [1] : vector<512x1024xf32> to vector<512xf32>
    %broadcast_in_dim3A_31 = vector.shape_cast %reduce_min3A_30 : vector<512xf32> to vector<512x1xf32>
    %iota3A = tpu.iota {dimensions = array<i32: 1>} : vector<512x1024xi32>
    %eq3A_32 = vector.broadcast %broadcast_in_dim3A_31 : vector<512x1xf32> to vector<512x1024xf32>
    %eq3A_33 = arith.cmpf oeq, %add3A_29, %eq3A_32 : vector<512x1024xf32>
    %jit3A = arith.constant 1024 : i32
    %broadcast_in_dim3A_34 = vector.broadcast %jit3A : i32 to vector<512x1024xi32>
    %select_n3A = arith.select %eq3A_33, %iota3A, %broadcast_in_dim3A_34 : vector<512x1024xi1>, vector<512x1024xi32>
    %reduce_min3A_35 = arith.constant dense<2147483647> : vector<512xi32>
    %reduce_min3A_36 = vector.multi_reduction <minsi>, %select_n3A, %reduce_min3A_35 [1] : vector<512x1024xi32> to vector<512xi32>
    %reshape3A_37 = vector.shape_cast %reduce_min3A_36 : vector<512xi32> to vector<1x1x512xi32>
    %swap3A = arith.constant 0 : index
    %swap3A_38 = arith.constant 0 : index
    %swap3A_39 = arith.constant 0 : index
    %swap3A_40 = vector.load %arg5[%swap3A, %swap3A_38, %swap3A_39] : memref<1x1x512xi32, #tpu.memory_space<vmem>>, vector<1x1x512xi32>
    tpu.vector_store %arg5[%swap3A, %swap3A_38, %swap3A_39], %reshape3A_37 {strides = array<i32>} : memref<1x1x512xi32, #tpu.memory_space<vmem>>, vector<1x1x512xi32>,
    %sub3A_41 = vector.broadcast %broadcast_in_dim3A_31 : vector<512x1xf32> to vector<512x1024xf32>
    %sub3A_42 = arith.subf %sub3A_41, %add3A_29 : vector<512x1024xf32>
    %exp3A = math.exp %sub3A_42 : vector<512x1024xf32>
    %reduce_sum3A_43 = arith.constant dense<0.000000e+00> : vector<512xf32>
    %reduce_sum3A_44 = vector.multi_reduction <add>, %exp3A, %reduce_sum3A_43 [1] : vector<512x1024xf32> to vector<512xf32>
    %broadcast_in_dim3A_45 = vector.shape_cast %reduce_sum3A_44 : vector<512xf32> to vector<512x1xf32>
    %div3A = vector.broadcast %broadcast_in_dim3A_45 : vector<512x1xf32> to vector<512x1024xf32>
    %div3A_46 = arith.divf %exp3A, %div3A : vector<512x1024xf32>
    %get3A_47 = arith.constant 0 : index
    %get3A_48 = arith.constant 0 : index
    %get3A_49 = vector.load %arg12[%get3A_47, %get3A_48] : memref<1x1024xf32, #tpu.memory_space<vmem>>, vector<1x1024xf32>
    %reduce_sum3A_50 = arith.constant dense<0.000000e+00> : vector<1024xf32>
    %reduce_sum3A_51 = vector.multi_reduction <add>, %div3A_46, %reduce_sum3A_50 [0] : vector<512x1024xf32> to vector<1024xf32>
    %broadcast_in_dim3A_52 = vector.shape_cast %reduce_sum3A_51 : vector<1024xf32> to vector<1x1024xf32>
    %add3A_53 = arith.addf %get3A_49, %broadcast_in_dim3A_52 : vector<1x1024xf32>
    %swap3A_54 = arith.constant 0 : index
    %swap3A_55 = arith.constant 0 : index
    %swap3A_56 = vector.load %arg12[%swap3A_54, %swap3A_55] : memref<1x1024xf32, #tpu.memory_space<vmem>>, vector<1x1024xf32>
    tpu.vector_store %arg12[%swap3A_54, %swap3A_55], %add3A_53 {strides = array<i32>} : memref<1x1024xf32, #tpu.memory_space<vmem>>, vector<1x1024xf32>,
    %get3A_57 = arith.constant 0 : index
    %get3A_58 = memref.load %arg13[%get3A_57] : memref<1xf32, #tpu.memory_space<smem>>
    %reduce_sum3A_59 = vector.shape_cast %broadcast_in_dim3A_31 : vector<512x1xf32> to vector<1x512x1xf32>
    %reduce_sum3A_60 = arith.constant dense<0.000000e+00> : vector<1xf32>
    %reduce_sum3A_61 = vector.multi_reduction <add>, %reduce_sum3A_59, %reduce_sum3A_60 [1, 2] : vector<1x512x1xf32> to vector<1xf32>
    %reduce_sum3A_62 = vector.shape_cast %reduce_sum3A_61 : vector<1xf32> to vector<1x1x1xf32>
    %reduce_sum3A_63 = vector.extract %reduce_sum3A_62[0, 0, 0] : f32 from vector<1x1x1xf32>
    %add3A_64 = arith.addf %get3A_58, %reduce_sum3A_63 : f32
    %swap3A_65 = arith.constant 0 : index
    %swap3A_66 = memref.load %arg13[%swap3A_65] : memref<1xf32, #tpu.memory_space<smem>>
    memref.store %add3A_64, %arg13[%swap3A_65] : memref<1xf32, #tpu.memory_space<smem>>
    %eq3A_67 = arith.constant 15 : i32
    %eq3A_68 = arith.cmpi eq, %arg0, %eq3A_67 : i32
    %convert_element_type3A_69 = arith.extui %eq3A_68 : i1 to i32
    %cond3A_70 = arith.constant 0 : i32
    %cond3A_71 = arith.cmpi ne, %convert_element_type3A_69, %cond3A_70 : i32
    scf.if %cond3A_71 {
      %get3A_72 = arith.constant 0 : index
      %get3A_73 = memref.load %arg13[%get3A_72] : memref<1xf32, #tpu.memory_space<smem>>
      %div3A_74 = arith.constant 2.211840e+07 : f32
      %div3A_75 = arith.divf %get3A_73, %div3A_74 : f32
      %broadcast_in_dim3A_76 = vector.broadcast %div3A_75 : f32 to vector<1x1xf32>
      %swap3A_77 = arith.constant 0 : index
      %swap3A_78 = arith.constant 0 : index
      %swap3A_79 = vector.load %arg6[%swap3A_77, %swap3A_78] : memref<1x1xf32, #tpu.memory_space<vmem>>, vector<1x1xf32>
      tpu.vector_store %arg6[%swap3A_77, %swap3A_78], %broadcast_in_dim3A_76 {strides = array<i32>} : memref<1x1xf32, #tpu.memory_space<vmem>>, vector<1x1xf32>,
      %get3A_80 = arith.constant 0 : index
      %get3A_81 = arith.constant 0 : index
      %get3A_82 = vector.load %arg12[%get3A_80, %get3A_81] : memref<1x1024xf32, #tpu.memory_space<vmem>>, vector<1x1024xf32>
      %div3A_83 = arith.constant 8.192000e+03 : f32
      %div3A_84 = vector.broadcast %div3A_83 : f32 to vector<1x1024xf32>
      %div3A_85 = arith.divf %get3A_82, %div3A_84 : vector<1x1024xf32>
      %add3A_86 = arith.constant 9.99999993E-9 : f32
      %add3A_87 = vector.broadcast %add3A_86 : f32 to vector<1x1024xf32>
      %add3A_88 = arith.addf %div3A_85, %add3A_87 : vector<1x1024xf32>
      %log3A = math.log %add3A_88 : vector<1x1024xf32>
      %mul3A_89 = arith.mulf %div3A_85, %log3A : vector<1x1024xf32>
      %reduce_sum3A_90 = vector.shape_cast %mul3A_89 : vector<1x1024xf32> to vector<1x1x1024xf32>
      %reduce_sum3A_91 = arith.constant dense<0.000000e+00> : vector<1xf32>
      %reduce_sum3A_92 = vector.multi_reduction <add>, %reduce_sum3A_90, %reduce_sum3A_91 [1, 2] : vector<1x1x1024xf32> to vector<1xf32>
      %reduce_sum3A_93 = vector.shape_cast %reduce_sum3A_92 : vector<1xf32> to vector<1x1x1xf32>
      %reduce_sum3A_94 = vector.extract %reduce_sum3A_93[0, 0, 0] : f32 from vector<1x1x1xf32>
      %neg3A = arith.constant 0.000000e+00 : f32
      %neg3A_95 = arith.subf %neg3A, %reduce_sum3A_94 : f32
      %broadcast_in_dim3A_96 = vector.broadcast %neg3A_95 : f32 to vector<1x1xf32>
      %swap3A_97 = arith.constant 0 : index
      %swap3A_98 = arith.constant 0 : index
      %swap3A_99 = vector.load %arg7[%swap3A_97, %swap3A_98] : memref<1x1xf32, #tpu.memory_space<vmem>>, vector<1x1xf32>
      tpu.vector_store %arg7[%swap3A_97, %swap3A_98], %broadcast_in_dim3A_96 {strides = array<i32>} : memref<1x1xf32, #tpu.memory_space<vmem>>, vector<1x1xf32>,
    } else {
    }
    return
  }
  func.func @transform_0(%arg0: i32) -> (i32, i32, i32) {
    %c0_i32 = arith.constant 0 : i32
    %c0_i32_0 = arith.constant 0 : i32
    %c0_i32_1 = arith.constant 0 : i32
    return %arg0, %c0_i32, %c0_i32_0 : i32, i32, i32
  }
  func.func @transform_1(%arg0: i32) -> (i32, i32) {
    %c0_i32 = arith.constant 0 : i32
    %c0_i32_0 = arith.constant 0 : i32
    %c0_i32_1 = arith.constant 0 : i32
    return %c0_i32, %c0_i32_0 : i32, i32
  }
  func.func @transform_2(%arg0: i32) -> (i32, i32) {
    %c0_i32 = arith.constant 0 : i32
    %c0_i32_0 = arith.constant 0 : i32
    %c0_i32_1 = arith.constant 0 : i32
    return %c0_i32, %c0_i32_0 : i32, i32
  }
  func.func @transform_3(%arg0: i32) -> (i32, i32) {
    %c0_i32 = arith.constant 0 : i32
    %c0_i32_0 = arith.constant 0 : i32
    %c0_i32_1 = arith.constant 0 : i32
    return %c0_i32, %c0_i32_0 : i32, i32
  }
  func.func @transform_4(%arg0: i32) -> (i32, i32, i32) {
    %c0_i32 = arith.constant 0 : i32
    %c0_i32_0 = arith.constant 0 : i32
    %c0_i32_1 = arith.constant 0 : i32
    return %arg0, %c0_i32, %c0_i32_0 : i32, i32, i32
  }
  func.func @transform_5(%arg0: i32) -> (i32, i32) {
    %c0_i32 = arith.constant 0 : i32
    %c0_i32_0 = arith.constant 0 : i32
    %c0_i32_1 = arith.constant 0 : i32
    return %c0_i32, %c0_i32_0 : i32, i32
  }
  func.func @transform_6(%arg0: i32) -> (i32, i32) {
    %c0_i32 = arith.constant 0 : i32
    %c0_i32_0 = arith.constant 0 : i32
    %c0_i32_1 = arith.constant 0 : i32
    return %c0_i32, %c0_i32_0 : i32, i32
  }
  func.func @transform_7(%arg0: i32) -> (i32, i32) {
    %c0_i32 = arith.constant 0 : i32
    %c0_i32_0 = arith.constant 0 : i32
    %c0_i32_1 = arith.constant 0 : i32
    return %c0_i32, %c0_i32_0 : i32, i32
  }
}

</mosaic_0001>

<sc_bundles>
// kernel: kernel.4.cloned.1.call-start
scs
__scs_entry_jumppad:
0x0: {  	(pc) =	sbr.rel $0x88, $3  }
0x1: {  	(tag) =	ssettag $0x0;
	lr =	simm.s32 $0x1  }
0x2: {  	[smem:$0x3F9D] =	sst lr;
	_ =	strace $0xD0000000  }
0x3: {  	_ = 	snop  }
0x4: {  	_ = 	snop  }
0x5: {  	_ = 	snop  }
0x6: {  	_ = 	snop  }
0x7: {  	_ = 	snop  }
__scs_overlays_trampoline_lowered:
0x8: {  	[smem:$0x3FAC] =	sst s0  }
0x9: {  	[smem:$0x3FAD] =	sst s1  }
0xa: {  	[smem:$0x3FAE] =	sst s2  }
0xb: {  	[smem:$0x3FAF] =	sst s3  }
0xc: {  	[smem:$0x3FB0] =	sst s4  }
0xd: {  	[smem:$0x3FB1] =	sst s5  }
0xe: {  	[smem:$0x3FB2] =	sst s6  }
0xf: {  	[smem:$0x3FB3] =	sst s7  }
0x10: {  	[smem:$0x3FB4] =	sst s8  }
0x11: {  	[smem:$0x3FB5] =	sst s9;
	s0 =	simm.s32 @!p0 $0x0  }
0x12: {  	s1 =	sld [smem:$0x3F9B];
	s0 =	simm.s32 @p0 $0x1  }
0x13: {  	[smem:$0x3FB6] =	sst s0;
	s0 =	simm.s32 @!p1 $0x0  }
0x14: {  	s2 =	sld [smem:$0x3F9A];
	s0 =	simm.s32 @p1 $0x1  }
0x15: {  	[smem:$0x3FB7] =	sst s0;
	s0 =	simm.s32 @!p2 $0x0  }
0x16: {  	s3 =	sld [smem:$0x3FDB];
	s0 =	simm.s32 @p2 $0x1  }
0x17: {  	s4 =	simm.s32 $0x1BF5;
	[smem:$0x3FB9] =	sst s0  }
0x18: {  	s0 =	sld [smem:$0x3F9C];
	_ =	swait.ge [sflag:s4], $0x0  }
0x19: {  	s7 =	sld [smem:$0x3F9D]  }
0x1a: {  	s8 =	sadd.s32 $0xFFFFE003, lr  }
0x1b: {  	s9 =	sadd.s32 $0xFFFFFEF7, lr;
	s5 =	simm.s32 $0xFFFFFFFF;
	p2 =	slt.u32 s8, $0xFFFFF086  }
0x1c: {  	p1 =	slt.u32 s9, $0xF7A;
	s5 =	simm.s32 @!p2 $0x0  }
0x1d: {  	s5 =	simm.s32 @p1 $0x1;
	p0 =	seq.s32 s7, s2  }
0x1e: {  	s7 =	smul.u32 @!p0 $0xF7A, s2;
	p2 =	seq.s32 @!p0 s5, $0x0  }
0x1f: {  	s9 =	smul.u32 $0xF7A, s1;
	s8 =	simm.s32 @!p0 $0x1BF5;
	p2 =	por !p2, p0  }
0x20: {  	[sflag:s8] =	ssyncset.s32 @!p0 $0xFFFFF086;
	s6 =	sadd.s32 @!p0 s3, s7;
	s7 =	simm.s32 @!p0 $0x108  }
0x21: {  	s3 =	sadd.s32 s3, s9;
	s6 =	sadd.s32 @!p0 $0x88, s6;
	s7 =	simm.s32 @p2 $0x1082  }
0x22: {  	[simem:s7], [sflag:s8] =	dma.local @!p0 [hbm:s6], $0xF7A  }
0x23: {  	s9 =	sor.u32 $0xD0000000, s2;
	s6 =	simm.s32 $0x108;
	_ =	swait.ge @!p0 [sflag:s8], $0x0  }
0x24: {  	s3 =	sadd.s32 $0x88, s3;
	s6 =	simm.s32 @!p1 $0x1082;
	[sflag:s4] =	ssyncset.s32 $0xFFFFF086  }
0x25: {  	[simem:s6], [sflag:s4] =	dma.local [hbm:s3], $0xF7A  }
0x26: {  	[smem:$0x3F9D] =	sst s1;
	(tag) =	ssettag s2;
	_ =	strace s9  }
0x27: {  	s1 =	sld [smem:$0x3FAD]  }
0x28: {  	s2 =	sld [smem:$0x3FAE]  }
0x29: {  	s4 =	sld [smem:$0x3FB0]  }
0x2a: {  	p0 =	seq.s32 s5, $0x0;
	s5 =	sld [smem:$0x3FB1]  }
0x2b: {  	s6 =	sld [smem:$0x3FB2]  }
0x2c: {  	s7 =	sld [smem:$0x3FB3]  }
0x2d: {  	s3 =	simm.s32 $0x108;
	s8 =	sld [smem:$0x3FB4]  }
0x2e: {  	s3 =	simm.s32 @!p0 $0x1082;
	s9 =	sld [smem:$0x3FB5]  }
0x2f: {  	lr =	sadd.s32 s0, s3;
	s0 =	sld [smem:$0x3FAC]  }
0x30: {  	s3 =	sld [smem:$0x3FAF]  }
0x31: {  	[smem:$0x3FB8] =	sst s10  }
0x32: {  	s10 =	sld [smem:$0x3FB6];
	_ =	sdelay $0x3  }
0x33: {  	p0 =	seq.s32 s10, $0x1;
	s10 =	sld [smem:$0x3FB8];
	_ =	sdelay $0x3  }
0x34: {  	[smem:$0x3FB8] =	sst s10  }
0x35: {  	s10 =	sld [smem:$0x3FB7];
	_ =	sdelay $0x3  }
0x36: {  	p1 =	seq.s32 s10, $0x1;
	s10 =	sld [smem:$0x3FB8];
	_ =	sdelay $0x3  }
0x37: {  	[smem:$0x3FB8] =	sst s10  }
0x38: {  	s10 =	sld [smem:$0x3FB9]  }
0x39: {  	_ = 	snop;
	(pc) =	sbr.ind lr, $3  }
0x3a: {  	_ = 	snop  }
0x3b: {  	_ = 	snop  }
0x3c: {  	p2 =	seq.s32 s10, $0x1;
	s10 =	sld [smem:$0x3FB8]  }
0x3d: {  	_ =	shalt  }
0x3e: {  	_ =	shalt  }
0x3f: {  	_ =	shalt  }
0x40: {  	_ =	shalt  }
0x41: {  	_ =	shalt  }
0x42: {  	_ =	shalt  }
0x43: {  	_ =	shalt  }
0x44: {  	_ =	shalt  }
0x45: {  	_ =	shalt  }
0x46: {  	_ =	shalt  }
0x47: {  	_ =	shalt  }
0x48: {  	_ =	shalt  }
0x49: {  	_ =	shalt  }
0x4a: {  	_ =	shalt  }
0x4b: {  	_ =	shalt  }
0x4c: {  	_ =	shalt  }
0x4d: {  	_ =	shalt  }
0x4e: {  	_ =	shalt  }
0x4f: {  	_ =	shalt  }
0x50: {  	_ =	shalt  }
0x51: {  	_ =	shalt  }
0x52: {  	_ =	shalt  }
0x53: {  	_ =	shalt  }
0x54: {  	_ =	shalt  }
0x55: {  	_ =	shalt  }
0x56: {  	_ =	shalt  }
0x57: {  	_ =	shalt  }
0x58: {  	_ =	shalt  }
0x59: {  	_ =	shalt  }
0x5a: {  	_ =	shalt  }
0x5b: {  	_ =	shalt  }
0x5c: {  	_ =	shalt  }
0x5d: {  	_ =	shalt  }
0x5e: {  	_ =	shalt  }
0x5f: {  	_ =	shalt  }
0x60: {  	_ =	shalt  }
0x61: {  	_ =	shalt  }
0x62: {  	_ =	shalt  }
0x63: {  	_ =	shalt  }
0x64: {  	_ =	shalt  }
0x65: {  	_ =	shalt  }
0x66: {  	_ =	shalt  }
0x67: {  	_ =	shalt  }
0x68: {  	_ =	shalt  }
0x69: {  	_ =	shalt  }
0x6a: {  	_ =	shalt  }
0x6b: {  	_ =	shalt  }
0x6c: {  	_ =	shalt  }
0x6d: {  	_ =	shalt  }
0x6e: {  	_ =	shalt  }
0x6f: {  	_ =	shalt  }
0x70: {  	_ =	shalt  }
0x71: {  	_ =	shalt  }
0x72: {  	_ =	shalt  }
0x73: {  	_ =	shalt  }
0x74: {  	_ =	shalt  }
0x75: {  	_ =	shalt  }
0x76: {  	_ =	shalt  }
0x77: {  	_ =	shalt  }
0x78: {  	_ =	shalt  }
0x79: {  	_ =	shalt  }
0x7a: {  	_ =	shalt  }
0x7b: {  	_ =	shalt  }
0x7c: {  	_ =	shalt  }
0x7d: {  	_ =	shalt  }
0x7e: {  	_ =	shalt  }
0x7f: {  	_ =	shalt  }
0x80: {  	_ =	shalt  }
0x81: {  	_ =	shalt  }
0x82: {  	_ =	shalt  }
0x83: {  	_ =	shalt  }
0x84: {  	_ =	shalt  }
0x85: {  	_ =	shalt  }
0x86: {  	_ =	shalt  }
0x87: {  	_ =	shalt  }
.Lfunc_end0:
.L_simem_size_0:
called_computation.1_lowered:
.L_overlay_start_0:
0x88: {  	s2 =	sld [smem:$0x3FD9]  }
0x89: {  	s3 =	sld [smem:$0x3FFE];
	_ =	sdelay $0x1  }
0x8a: {  	s1 =	srdreg.scid  }
0x8b: {  	s0 =	sand.u32 $0x1, s1  }
0x8c: {  	s14 =	sshll.u32 s0, $0xA;
	s2 =	sadd.s32 s3, s2  }
0x8d: {  	s2 =	sadd.s32 s2, s14  }
0x8e: {  	[smem:$0x3FC4] =	sst s2  }
0x8f: {  	_ = 	snop  }
0x90: {  	s2 =	sld [smem:$0x3FD0];
	_ =	sdelay $0x2  }
0x91: {  	s15 =	simm.s32 $0xA;
	s4 =	simm.s32 $0x10  }
0x92: {  	[smem:s4], [sflag:s15] =	dma.local [hbm:s2], $0x1  }
0x93: {  	_ =	swait.eq [sflag:s15], $0x1  }
0x94: {  	[sflag:s15] =	ssyncset.done $0x0  }
0x95: {  	s16 =	sld [smem:$0x10];
	[sflag:s15] =	ssyncadd.s32 $0xFFFFFFFF  }
0x96: {  	s17 =	sld [smem:$0x11];
	(tm) =	ssettm $0x1  }
0x97: {  	s18 =	sld [smem:$0x3FFB];
	_ =	sdelay $0x3  }
0x98: {  	_ =	strace s18  }
0x99: {  	s4 =	sld [smem:$0x3FFC];
	_ =	sdelay $0x3  }
0x9a: {  	_ =	strace s4  }
0x9b: {  	s4 =	sld [smem:$0x3FFD];
	_ =	sdelay $0x3  }
0x9c: {  	_ =	strace s4  }
0x9d: {  	_ =	strace $0x8FFFFFFF  }
0x9e: {  	s19 =	sld [smem:$0x3FDB];
	_ =	sdelay $0x1  }
0x9f: {  	s5 =	simm.s32 $_scs_section_size  }
0xa0: {  	s6 =	simm.s32 $_size__tile_overlayer_lowered;
	s7 =	simm.s32 $_tile_overlayer_lowered  }
0xa1: {  	s22 =	simm.s32 $0x1BFF;
	s21 =	sshll.u32 s7, $0x1;
	s4 =	sadd.s32 s5, s19  }
0xa2: {  	s8 =	simm.s32 $0x0;
	s20 =	sshll.u32 s6, $0x1;
	s6 =	sadd.s32 s21, s4  }
0xa3: {  	[timem:s8], [sflag:s22] =	dma.local [hbm:s6], s20  }
0xa4: {  	_ =	swait.ge [sflag:s22], s20  }
0xa5: {  	s5 =	ssub.s32 $0x0, s20;
	[sflag:s22] =	ssyncset.done $0x0  }
0xa6: {  	[sflag:s22] =	ssyncadd.s32 s5;
	_ =	sdelay $0x1  }
0xa7: {  	s23 =	simm.s32 $0x1B8B  }
0xa8: {  	_ =	swait.ge [sflag:s23], $0x1  }
0xa9: {  	[sflag:s23] =	ssyncset.done $0x0  }
0xaa: {  	s25 =	simm.s32 $0x1B8E;
	s24 =	sld [smem:$0x3FFE];
	[sflag:s23] =	ssyncadd.s32 $0xFFFFFFFF  }
0xab: {  	s26 =	simm.s32 $execute0_lowered;
	[smem:$0x3FD2] =	sst s25  }
0xac: {  	s6 =	sshll.u32 s26, $0x1;
	_ =	strace $0x80000046;
	[dreg:$0x1] =	wrdreg $0xFFFFFFFF  }
0xad: {  	s28 =	simm.s32 $_size_execute0_lowered;
	s4 =	sadd.s32 s4, s6;
	[dreg:$0x0] =	wrdreg $0x0  }
0xae: {  	s6 =	sshll.u32 s28, $0x1;
	[dreg:$0x2] =	wrdreg s4  }
0xaf: {  	[dreg:$0x3] =	wrdreg s6  }
0xb0: {  	[dreg:$0x4] =	wrdreg $0xC0  }
0xb1: {  	_ =	task [dreg:s8], $0x5FFFF  }
0xb2: {  	[dreg:$0x1] =	wrdreg $0xFFFFFFFF  }
0xb3: {  	[dreg:$0x0] =	wrdreg $0x60  }
0xb4: {  	[dreg:$0x2] =	wrdreg s16  }
0xb5: {  	[dreg:$0x3] =	wrdreg s17  }
0xb6: {  	[dreg:$0x4] =	wrdreg s24  }
0xb7: {  	[dreg:$0x5] =	wrdreg $0x9  }
0xb8: {  	_ =	task.clear_ibuf [dreg:s8], $0x6FFFF;
	_ =	strace $0x90000046  }
0xb9: {  	s29 =	simm.s32 $0x9;
	_ =	strace $0x80000048  }
0xba: {  	_ =	swait.ge [sflag:s29], $0x1  }
0xbb: {  	[sflag:s29] =	ssyncadd.s32 $0xFFFFFFFF  }
0xbc: {  	_ =	strace $0x90000048  }
0xbd: {  	_ =	sfence  }
0xbe: {  	s30 =	sld [smem:$0x0];
	_ =	sdelay $0x2  }
0xbf: {  	s31 =	sshll.u32 s1, $0xD;
	s1 =	sshrl.u32 s1, $0x2  }
0xc0: {  	s3 =	sand.u32 $0x4000, s31;
	s1 =	sadd.s32 s1, s30  }
0xc1: {  	s0 =	sor.u32 s3, s0;
	s1 =	sshll.u32 s1, $0x11  }
0xc2: {  	s0 =	sor.u32 s1, s0  }
0xc3: {  	s0 =	sadd.s32 $0x8F2B, s0  }
0xc4: {  	[sflag:s0] =	ssyncadd.remote.s32 $0x1  }
0xc5: {  	_ =	sfence.sel $0xFFFF  }
0xc6: {  	[dreg:$0x0] =	wrdreg $0xFFFFFFFF;
	(pc) =	sbr.abs _section_cstart, $3  }
0xc7: {  	[dreg:$0x1] =	wrdreg $0xFFFFFFFF  }
0xc8: {  	_ =	task.clear_ibuf [dreg:s8], $0x2FFFF;
	_ =	strace $0x9FFFFFFF  }
0xc9: {  	(tm) =	ssettm $0x7FFFFFFF  }
tec
execute0_lowered:
.L_overlay_start_1:
0x0: {  	(tag) =	ssettag $0x1  }
0x1: {  	s0 =	srdreg.scid  }
0x2: {  	s1 =	rddreg [dreg:$0x0];
	s3 =	stileid.u32;
	s2 =	sand.u32 $0x1, s0  }
0x3: {  	s26 =	rddreg [dreg:$0x1];
	s3 =	sshll.u32 s3, $0x6;
	s4 =	sshll.u32 s2, $0x5  }
0x4: {  	s5 =	rddreg [dreg:$0x2];
	s4 =	sor.u32 s4, s3  }
0x5: {  	s5 =	sadd.s32 $0x1400, s5;
	s3 =	simm.s32 $0x0;
	s6 =	smul.u32 $0xB00, s4  }
0x6: {  	[smem:$0x7FF] =	sst s3;
	s7 =	smul.u32 $0x5800, s4;
	s0 =	sadd.s32 s26, s4  }
0x7: {  	_ =	strace $0x80000047;
	[dreg:$0x4] =	wrdreg s0;
	s6 =	sadd.s32 s5, s6  }
0x8: {  	s29 =	sshrl.u32 s7, $0x3;
	s28 =	sadd.s32 $0xB00, s6;
	[smem:$0x7F9] =	sst s6  }
0x9: {  	s6 =	sadd.s32 $0x1600, s6;
	s0 =	sadd.s32 s5, s29;
	[dreg:$0x5] =	wrdreg s28  }
0xa: {  	[dreg:$0x6] =	wrdreg s6;
	s4 =	sadd.s32 $0x2100, s0  }
0xb: {  	s30 =	sadd.s32 $0x2C00, s0;
	[dreg:$0x7] =	wrdreg s4  }
0xc: {  	s31 =	sadd.s32 $0x3700, s0;
	[dreg:$0x8] =	wrdreg s30  }
0xd: {  	s5 =	sadd.s32 $0x4200, s0;
	[dreg:$0x9] =	wrdreg s31  }
0xe: {  	s6 =	sadd.s32 $0x4D00, s0;
	[dreg:$0xa] =	wrdreg s5  }
0xf: {  	s7 =	sadd.s32 $0x5800, s0;
	[dreg:$0xb] =	wrdreg s6  }
0x10: {  	s8 =	sadd.s32 $0x6300, s0;
	[dreg:$0xc] =	wrdreg s7  }
0x11: {  	s9 =	sadd.s32 $0x6E00, s0;
	[dreg:$0xd] =	wrdreg s8  }
0x12: {  	s10 =	sadd.s32 $0x7900, s0;
	[dreg:$0xe] =	wrdreg s9  }
0x13: {  	s11 =	sadd.s32 $0x8400, s0;
	[dreg:$0xf] =	wrdreg s10  }
0x14: {  	s12 =	sadd.s32 $0x8F00, s0;
	[dreg:$0x10] =	wrdreg s11  }
0x15: {  	s13 =	sadd.s32 $0x9A00, s0;
	[dreg:$0x11] =	wrdreg s12  }
0x16: {  	s14 =	sadd.s32 $0xA500, s0;
	[dreg:$0x12] =	wrdreg s13  }
0x17: {  	s15 =	sadd.s32 $0xB000, s0;
	[dreg:$0x13] =	wrdreg s14  }
0x18: {  	s16 =	sadd.s32 $0xBB00, s0;
	[dreg:$0x14] =	wrdreg s15  }
0x19: {  	s17 =	sadd.s32 $0xC600, s0;
	[dreg:$0x15] =	wrdreg s16  }
0x1a: {  	s18 =	sadd.s32 $0xD100, s0;
	[dreg:$0x16] =	wrdreg s17  }
0x1b: {  	s19 =	sadd.s32 $0xDC00, s0;
	[dreg:$0x17] =	wrdreg s18  }
0x1c: {  	s2 =	ssub.s32 $0x2, s2;
	s20 =	sadd.s32 $0xE700, s0;
	[dreg:$0x18] =	wrdreg s19  }
0x1d: {  	s21 =	sshrl.u32 s2, $0x1;
	s22 =	sadd.s32 $0xF200, s0;
	[dreg:$0x19] =	wrdreg s20  }
0x1e: {  	s2 =	ssub.s32 s2, s21;
	s23 =	sadd.s32 $0xFD00, s0;
	[dreg:$0x1a] =	wrdreg s22  }
0x1f: {  	s21 =	simm.s32 $0x8;
	s24 =	sadd.s32 $0x10800, s0;
	[dreg:$0x1b] =	wrdreg s23  }
0x20: {  	s25 =	sadd.s32 $0x11300, s0;
	s26 =	sadd.s32 $0x11E00, s0;
	[dreg:$0x1c] =	wrdreg s24  }
0x21: {  	s28 =	sadd.s32 $0x12900, s0;
	s29 =	sadd.s32 $0x13400, s0;
	[dreg:$0x1d] =	wrdreg s25  }
0x22: {  	s5 =	sadd.s32 $0x100, s1;
	s6 =	sadd.s32 $0x200, s1;
	[dreg:$0x1e] =	wrdreg s26  }
0x23: {  	s7 =	sadd.s32 $0x300, s1;
	s8 =	sadd.s32 $0x400, s1;
	[dreg:$0x1f] =	wrdreg s28  }
0x24: {  	s9 =	sadd.s32 $0x500, s1;
	s10 =	sadd.s32 $0x600, s1;
	[smem:$0x7FA] =	sst s29  }
0x25: {  	s30 =	sadd.s32 $0x13F00, s0;
	s11 =	sadd.s32 $0x700, s1;
	s31 =	sadd.s32 $0x14A00, s0  }
0x26: {  	s12 =	sadd.s32 $0x800, s1;
	s0 =	sadd.s32 $0x15500, s0;
	s13 =	sadd.s32 $0x900, s1  }
0x27: {  	s14 =	sadd.s32 $0xA00, s1;
	s15 =	smax.u32 s2, $0x1;
	s26 =	simm.s32 $0x1  }
0x28: {  	v0 =	vlaneseq.u32;
	s2 =	simm.s32 $0x5;
	s4 =	simm.s32 $0x6;
	[smem:$0x7FB] =	sst s30  }
0x29: {  	v1 =	vshrl.u32 v0, $0x3;
	s18 =	simm.s32 $0x3;
	s19 =	simm.s32 $0x7;
	[smem:$0x7FC] =	sst s31  }
0x2a: {  	vm0 =	vmmov $0xffff;
	v0 =	vand.u32 $0x7, v0;
	v1 =	vmul.u32 $0x8, v1;
	s20 =	simm.s32 $0x4;
	[smem:$0x7FD] =	sst s0;
	s0 =	simm.s32 $0x2  }
.LBB2_1:
0x2b: {  	[smem:$0x7F8] =	sst s15  }
0x2c: {  	s23 =	rddreg [dreg:$0x4];
	s15 =	simm.s32 $0x9  }
0x2d: {  	[tilespmem:s3], [sflag:$0x9] =	stream.linear.gather [hbm4b:s23+s3], $0x100, $0x38;
	[tilespmem:$0x16100] =	vst v63  }
0x2e: {  	_ =	swait.ge [sflag:s15], $0x100  }
0x2f: {  	[sflag:s15] =	ssyncset.done $0x0  }
0x30: {  	[sflag:s15] =	ssyncadd.s32 $0xFFFFFF00  }
0x31: {  	v2 =	vld.msk [tilespmem:$0x0], $0xff;
	_ =	sdelay $0x4  }
0x32: {  	v3 =	vshrl.u32 v2, $0x3  }
0x33: {  	v3 =	vmul.u32 $0xB0, v3  }
0x34: {  	v2 =	vand.u32 $0x7, v2  }
0x35: {  	v2 =	vor.u32 v2, v3  }
0x36: {  	v2 =	vperm.xlane v2, v0;
	_ =	sdelay $0x1  }
0x37: {  	v2 =	vadd.s32 v1, v2;
	_ =	sdelay $0x3  }
0x38: {  	s16 =	simm.s32 $0x100  }
0x39: {  	[tilespmem:s16], [sflag:$0x1] =	stream.indirect_vreg.gather [hbm4b:s1+s3], $0x80, v2, vm0, $0xb8;
	[tilespmem:$0x16100] =	vst v63  }
0x3a: {  	s17 =	simm.s32 $0x900  }
0x3b: {  	[tilespmem:s17], [sflag:$0x1] =	stream.indirect_vreg.gather [hbm4b:s5+s3], $0x80, v2, vm0, $0xb8;
	[tilespmem:$0x16100] =	vst v63  }
0x3c: {  	s22 =	simm.s32 $0x1100  }
0x3d: {  	[tilespmem:s22], [sflag:$0x1] =	stream.indirect_vreg.gather [hbm4b:s6+s3], $0x80, v2, vm0, $0xb8;
	[tilespmem:$0x16100] =	vst v63  }
0x3e: {  	s23 =	simm.s32 $0x1900  }
0x3f: {  	[tilespmem:s23], [sflag:$0x1] =	stream.indirect_vreg.gather [hbm4b:s7+s3], $0x80, v2, vm0, $0xb8;
	[tilespmem:$0x16100] =	vst v63  }
0x40: {  	s24 =	simm.s32 $0x2100  }
0x41: {  	[tilespmem:s24], [sflag:$0x1] =	stream.indirect_vreg.gather [hbm4b:s8+s3], $0x80, v2, vm0, $0xb8;
	[tilespmem:$0x16100] =	vst v63  }
0x42: {  	s25 =	simm.s32 $0x2900  }
0x43: {  	[tilespmem:s25], [sflag:$0x1] =	stream.indirect_vreg.gather [hbm4b:s9+s3], $0x80, v2, vm0, $0xb8;
	[tilespmem:$0x16100] =	vst v63  }
0x44: {  	s28 =	simm.s32 $0x3100  }
0x45: {  	[tilespmem:s28], [sflag:$0x1] =	stream.indirect_vreg.gather [hbm4b:s10+s3], $0x80, v2, vm0, $0xb8;
	[tilespmem:$0x16100] =	vst v63  }
0x46: {  	s29 =	simm.s32 $0x3900  }
0x47: {  	[tilespmem:s29], [sflag:$0x1] =	stream.indirect_vreg.gather [hbm4b:s11+s3], $0x80, v2, vm0, $0xb8;
	[tilespmem:$0x16100] =	vst v63  }
0x48: {  	s30 =	simm.s32 $0x4100  }
0x49: {  	[tilespmem:s30], [sflag:$0x1] =	stream.indirect_vreg.gather [hbm4b:s12+s3], $0x80, v2, vm0, $0xb8;
	[tilespmem:$0x16100] =	vst v63  }
0x4a: {  	s31 =	simm.s32 $0x4900  }
0x4b: {  	[tilespmem:s31], [sflag:$0x1] =	stream.indirect_vreg.gather [hbm4b:s13+s3], $0x80, v2, vm0, $0xb8;
	[tilespmem:$0x16100] =	vst v63  }
0x4c: {  	s16 =	simm.s32 $0x5100  }
0x4d: {  	[tilespmem:s16], [sflag:$0x1] =	stream.indirect_vreg.gather [hbm4b:s14+s3], $0x80, v2, vm0, $0xb8;
	[tilespmem:$0x16100] =	vst v63  }
0x4e: {  	v2 =	vld.msk [tilespmem:$0x8], $0xff;
	_ =	sdelay $0x4  }
0x4f: {  	v3 =	vshrl.u32 v2, $0x3  }
0x50: {  	v3 =	vmul.u32 $0xB0, v3  }
0x51: {  	v2 =	vand.u32 $0x7, v2  }
0x52: {  	v2 =	vor.u32 v2, v3  }
0x53: {  	v2 =	vperm.xlane v2, v0;
	_ =	sdelay $0x1  }
0x54: {  	v2 =	vadd.s32 v1, v2;
	_ =	sdelay $0x3  }
0x55: {  	s23 =	simm.s32 $0x5900  }
0x56: {  	[tilespmem:s23], [sflag:$0x2] =	stream.indirect_vreg.gather [hbm4b:s1+s3], $0x80, v2, vm0, $0xb8;
	[tilespmem:$0x16100] =	vst v63  }
0x57: {  	s23 =	simm.s32 $0x6100  }
0x58: {  	[tilespmem:s23], [sflag:$0x2] =	stream.indirect_vreg.gather [hbm4b:s5+s3], $0x80, v2, vm0, $0xb8;
	[tilespmem:$0x16100] =	vst v63  }
0x59: {  	s23 =	simm.s32 $0x6900  }
0x5a: {  	[tilespmem:s23], [sflag:$0x2] =	stream.indirect_vreg.gather [hbm4b:s6+s3], $0x80, v2, vm0, $0xb8;
	[tilespmem:$0x16100] =	vst v63  }
0x5b: {  	s23 =	simm.s32 $0x7100  }
0x5c: {  	[tilespmem:s23], [sflag:$0x2] =	stream.indirect_vreg.gather [hbm4b:s7+s3], $0x80, v2, vm0, $0xb8;
	[tilespmem:$0x16100] =	vst v63  }
0x5d: {  	s23 =	simm.s32 $0x7900  }
0x5e: {  	[tilespmem:s23], [sflag:$0x2] =	stream.indirect_vreg.gather [hbm4b:s8+s3], $0x80, v2, vm0, $0xb8;
	[tilespmem:$0x16100] =	vst v63  }
0x5f: {  	s23 =	simm.s32 $0x8100  }
0x60: {  	[tilespmem:s23], [sflag:$0x2] =	stream.indirect_vreg.gather [hbm4b:s9+s3], $0x80, v2, vm0, $0xb8;
	[tilespmem:$0x16100] =	vst v63  }
0x61: {  	s23 =	simm.s32 $0x8900  }
0x62: {  	[tilespmem:s23], [sflag:$0x2] =	stream.indirect_vreg.gather [hbm4b:s10+s3], $0x80, v2, vm0, $0xb8;
	[tilespmem:$0x16100] =	vst v63  }
0x63: {  	s23 =	simm.s32 $0x9100  }
0x64: {  	[tilespmem:s23], [sflag:$0x2] =	stream.indirect_vreg.gather [hbm4b:s11+s3], $0x80, v2, vm0, $0xb8;
	[tilespmem:$0x16100] =	vst v63  }
0x65: {  	s23 =	simm.s32 $0x9900  }
0x66: {  	[tilespmem:s23], [sflag:$0x2] =	stream.indirect_vreg.gather [hbm4b:s12+s3], $0x80, v2, vm0, $0xb8;
	[tilespmem:$0x16100] =	vst v63  }
0x67: {  	s23 =	simm.s32 $0xA100  }
0x68: {  	[tilespmem:s23], [sflag:$0x2] =	stream.indirect_vreg.gather [hbm4b:s13+s3], $0x80, v2, vm0, $0xb8;
	[tilespmem:$0x16100] =	vst v63  }
0x69: {  	s23 =	simm.s32 $0xA900  }
0x6a: {  	[tilespmem:s23], [sflag:$0x2] =	stream.indirect_vreg.gather [hbm4b:s14+s3], $0x80, v2, vm0, $0xb8;
	[tilespmem:$0x16100] =	vst v63  }
0x6b: {  	v2 =	vld.msk [tilespmem:$0x10], $0xff;
	_ =	sdelay $0x4  }
0x6c: {  	v3 =	vshrl.u32 v2, $0x3  }
0x6d: {  	v3 =	vmul.u32 $0xB0, v3  }
0x6e: {  	v2 =	vand.u32 $0x7, v2  }
0x6f: {  	v2 =	vor.u32 v2, v3  }
0x70: {  	v2 =	vperm.xlane v2, v0;
	_ =	sdelay $0x1  }
0x71: {  	v2 =	vadd.s32 v1, v2;
	_ =	sdelay $0x3  }
0x72: {  	s23 =	simm.s32 $0xB100  }
0x73: {  	[tilespmem:s23], [sflag:$0x3] =	stream.indirect_vreg.gather [hbm4b:s1+s3], $0x80, v2, vm0, $0xb8;
	[tilespmem:$0x16100] =	vst v63  }
0x74: {  	s23 =	simm.s32 $0xB900  }
0x75: {  	[tilespmem:s23], [sflag:$0x3] =	stream.indirect_vreg.gather [hbm4b:s5+s3], $0x80, v2, vm0, $0xb8;
	[tilespmem:$0x16100] =	vst v63  }
0x76: {  	s23 =	simm.s32 $0xC100  }
0x77: {  	[tilespmem:s23], [sflag:$0x3] =	stream.indirect_vreg.gather [hbm4b:s6+s3], $0x80, v2, vm0, $0xb8;
	[tilespmem:$0x16100] =	vst v63  }
0x78: {  	s23 =	simm.s32 $0xC900  }
0x79: {  	[tilespmem:s23], [sflag:$0x3] =	stream.indirect_vreg.gather [hbm4b:s7+s3], $0x80, v2, vm0, $0xb8;
	[tilespmem:$0x16100] =	vst v63  }
0x7a: {  	s23 =	simm.s32 $0xD100  }
0x7b: {  	[tilespmem:s23], [sflag:$0x3] =	stream.indirect_vreg.gather [hbm4b:s8+s3], $0x80, v2, vm0, $0xb8;
	[tilespmem:$0x16100] =	vst v63  }
0x7c: {  	s23 =	simm.s32 $0xD900  }
0x7d: {  	[tilespmem:s23], [sflag:$0x3] =	stream.indirect_vreg.gather [hbm4b:s9+s3], $0x80, v2, vm0, $0xb8;
	[tilespmem:$0x16100] =	vst v63  }
0x7e: {  	s23 =	simm.s32 $0xE100  }
0x7f: {  	[tilespmem:s23], [sflag:$0x3] =	stream.indirect_vreg.gather [hbm4b:s10+s3], $0x80, v2, vm0, $0xb8;
	[tilespmem:$0x16100] =	vst v63  }
0x80: {  	s23 =	simm.s32 $0xE900  }
0x81: {  	[tilespmem:s23], [sflag:$0x3] =	stream.indirect_vreg.gather [hbm4b:s11+s3], $0x80, v2, vm0, $0xb8;
	[tilespmem:$0x16100] =	vst v63  }
0x82: {  	s23 =	simm.s32 $0xF100  }
0x83: {  	[tilespmem:s23], [sflag:$0x3] =	stream.indirect_vreg.gather [hbm4b:s12+s3], $0x80, v2, vm0, $0xb8;
	[tilespmem:$0x16100] =	vst v63  }
0x84: {  	s23 =	simm.s32 $0xF900  }
0x85: {  	[tilespmem:s23], [sflag:$0x3] =	stream.indirect_vreg.gather [hbm4b:s13+s3], $0x80, v2, vm0, $0xb8;
	[tilespmem:$0x16100] =	vst v63  }
0x86: {  	s23 =	simm.s32 $0x10100  }
0x87: {  	[tilespmem:s23], [sflag:$0x3] =	stream.indirect_vreg.gather [hbm4b:s14+s3], $0x80, v2, vm0, $0xb8;
	[tilespmem:$0x16100] =	vst v63  }
0x88: {  	v2 =	vld.msk [tilespmem:$0x18], $0xff;
	_ =	sdelay $0x4  }
0x89: {  	v3 =	vshrl.u32 v2, $0x3  }
0x8a: {  	v3 =	vmul.u32 $0xB0, v3  }
0x8b: {  	v2 =	vand.u32 $0x7, v2  }
0x8c: {  	v2 =	vor.u32 v2, v3  }
0x8d: {  	v2 =	vperm.xlane v2, v0;
	_ =	sdelay $0x1  }
0x8e: {  	v2 =	vadd.s32 v1, v2;
	_ =	sdelay $0x3  }
0x8f: {  	s23 =	simm.s32 $0x10900  }
0x90: {  	[tilespmem:s23], [sflag:$0x4] =	stream.indirect_vreg.gather [hbm4b:s1+s3], $0x80, v2, vm0, $0xb8;
	[tilespmem:$0x16100] =	vst v63  }
0x91: {  	s15 =	simm.s32 $0x11100  }
0x92: {  	[tilespmem:s15], [sflag:$0x4] =	stream.indirect_vreg.gather [hbm4b:s5+s3], $0x80, v2, vm0, $0xb8;
	[tilespmem:$0x16100] =	vst v63  }
0x93: {  	s15 =	simm.s32 $0x11900  }
0x94: {  	[tilespmem:s15], [sflag:$0x4] =	stream.indirect_vreg.gather [hbm4b:s6+s3], $0x80, v2, vm0, $0xb8;
	[tilespmem:$0x16100] =	vst v63  }
0x95: {  	s15 =	simm.s32 $0x12100  }
0x96: {  	[tilespmem:s15], [sflag:$0x4] =	stream.indirect_vreg.gather [hbm4b:s7+s3], $0x80, v2, vm0, $0xb8;
	[tilespmem:$0x16100] =	vst v63  }
0x97: {  	s15 =	simm.s32 $0x12900  }
0x98: {  	[tilespmem:s15], [sflag:$0x4] =	stream.indirect_vreg.gather [hbm4b:s8+s3], $0x80, v2, vm0, $0xb8;
	[tilespmem:$0x16100] =	vst v63  }
0x99: {  	s15 =	simm.s32 $0x13100  }
0x9a: {  	[tilespmem:s15], [sflag:$0x4] =	stream.indirect_vreg.gather [hbm4b:s9+s3], $0x80, v2, vm0, $0xb8;
	[tilespmem:$0x16100] =	vst v63  }
0x9b: {  	s15 =	simm.s32 $0x13900  }
0x9c: {  	[tilespmem:s15], [sflag:$0x4] =	stream.indirect_vreg.gather [hbm4b:s10+s3], $0x80, v2, vm0, $0xb8;
	[tilespmem:$0x16100] =	vst v63  }
0x9d: {  	s15 =	simm.s32 $0x14100  }
0x9e: {  	[tilespmem:s15], [sflag:$0x4] =	stream.indirect_vreg.gather [hbm4b:s11+s3], $0x80, v2, vm0, $0xb8;
	[tilespmem:$0x16100] =	vst v63  }
0x9f: {  	s15 =	simm.s32 $0x14900  }
0xa0: {  	[tilespmem:s15], [sflag:$0x4] =	stream.indirect_vreg.gather [hbm4b:s12+s3], $0x80, v2, vm0, $0xb8;
	[tilespmem:$0x16100] =	vst v63  }
0xa1: {  	s15 =	simm.s32 $0x15100  }
0xa2: {  	[tilespmem:s15], [sflag:$0x4] =	stream.indirect_vreg.gather [hbm4b:s13+s3], $0x80, v2, vm0, $0xb8;
	[tilespmem:$0x16100] =	vst v63  }
0xa3: {  	s15 =	simm.s32 $0x15900  }
0xa4: {  	[tilespmem:s15], [sflag:$0x4] =	stream.indirect_vreg.gather [hbm4b:s14+s3], $0x80, v2, vm0, $0xb8;
	[tilespmem:$0x16100] =	vst v63  }
0xa5: {  	_ =	swait.ge [sflag:s26], $0x5800  }
0xa6: {  	s23 =	sld [smem:$0x7F9]  }
0xa7: {  	[sflag:s26] =	ssyncset.done $0x0  }
0xa8: {  	s15 =	simm.s32 $0x100;
	[sflag:s26] =	ssyncadd.s32 $0xFFFFA800  }
0xa9: {  	[hbm4b:s23+s3] =	stream.linear.scatter [tilespmem:s15], [sflag:$0x5], $0x5800, $0x38;
	[tilespmem:$0x16100] =	vst v63  }
0xaa: {  	_ =	swait.ge [sflag:s2], $0x5800  }
0xab: {  	[sflag:s2] =	ssyncset.done $0x0  }
0xac: {  	[sflag:s2] =	ssyncadd.s32 $0xFFFFA800  }
0xad: {  	v2 =	vld.msk [tilespmem:$0x20], $0xff;
	_ =	sdelay $0x4  }
0xae: {  	v3 =	vshrl.u32 v2, $0x3  }
0xaf: {  	v3 =	vmul.u32 $0xB0, v3  }
0xb0: {  	v2 =	vand.u32 $0x7, v2  }
0xb1: {  	v2 =	vor.u32 v2, v3  }
0xb2: {  	v2 =	vperm.xlane v2, v0;
	_ =	sdelay $0x1  }
0xb3: {  	v2 =	vadd.s32 v1, v2;
	_ =	sdelay $0x4  }
0xb4: {  	[tilespmem:s15], [sflag:$0x1] =	stream.indirect_vreg.gather [hbm4b:s1+s3], $0x80, v2, vm0, $0xb8;
	[tilespmem:$0x16100] =	vst v63  }
0xb5: {  	s23 =	simm.s32 $0x900  }
0xb6: {  	[tilespmem:s23], [sflag:$0x1] =	stream.indirect_vreg.gather [hbm4b:s5+s3], $0x80, v2, vm0, $0xb8;
	[tilespmem:$0x16100] =	vst v63  }
0xb7: {  	s22 =	simm.s32 $0x1100  }
0xb8: {  	[tilespmem:s22], [sflag:$0x1] =	stream.indirect_vreg.gather [hbm4b:s6+s3], $0x80, v2, vm0, $0xb8;
	[tilespmem:$0x16100] =	vst v63  }
0xb9: {  	s17 =	simm.s32 $0x1900  }
0xba: {  	[tilespmem:s17], [sflag:$0x1] =	stream.indirect_vreg.gather [hbm4b:s7+s3], $0x80, v2, vm0, $0xb8;
	[tilespmem:$0x16100] =	vst v63  }
0xbb: {  	s24 =	simm.s32 $0x2100  }
0xbc: {  	[tilespmem:s24], [sflag:$0x1] =	stream.indirect_vreg.gather [hbm4b:s8+s3], $0x80, v2, vm0, $0xb8;
	[tilespmem:$0x16100] =	vst v63  }
0xbd: {  	s25 =	simm.s32 $0x2900  }
0xbe: {  	[tilespmem:s25], [sflag:$0x1] =	stream.indirect_vreg.gather [hbm4b:s9+s3], $0x80, v2, vm0, $0xb8;
	[tilespmem:$0x16100] =	vst v63  }
0xbf: {  	s28 =	simm.s32 $0x3100  }
0xc0: {  	[tilespmem:s28], [sflag:$0x1] =	stream.indirect_vreg.gather [hbm4b:s10+s3], $0x80, v2, vm0, $0xb8;
	[tilespmem:$0x16100] =	vst v63  }
0xc1: {  	s29 =	simm.s32 $0x3900  }
0xc2: {  	[tilespmem:s29], [sflag:$0x1] =	stream.indirect_vreg.gather [hbm4b:s11+s3], $0x80, v2, vm0, $0xb8;
	[tilespmem:$0x16100] =	vst v63  }
0xc3: {  	s30 =	simm.s32 $0x4100  }
0xc4: {  	[tilespmem:s30], [sflag:$0x1] =	stream.indirect_vreg.gather [hbm4b:s12+s3], $0x80, v2, vm0, $0xb8;
	[tilespmem:$0x16100] =	vst v63  }
0xc5: {  	s31 =	simm.s32 $0x4900  }
0xc6: {  	[tilespmem:s31], [sflag:$0x1] =	stream.indirect_vreg.gather [hbm4b:s13+s3], $0x80, v2, vm0, $0xb8;
	[tilespmem:$0x16100] =	vst v63  }
0xc7: {  	s16 =	simm.s32 $0x5100  }
0xc8: {  	[tilespmem:s16], [sflag:$0x1] =	stream.indirect_vreg.gather [hbm4b:s14+s3], $0x80, v2, vm0, $0xb8;
	[tilespmem:$0x16100] =	vst v63  }
0xc9: {  	_ =	swait.ge [sflag:s0], $0x5800  }
0xca: {  	[sflag:s0] =	ssyncset.done $0x0  }
0xcb: {  	s17 =	simm.s32 $0x5900;
	s16 =	rddreg [dreg:$0x5];
	[sflag:s0] =	ssyncadd.s32 $0xFFFFA800  }
0xcc: {  	[hbm4b:s16+s3] =	stream.linear.scatter [tilespmem:s17], [sflag:$0x6], $0x5800, $0x38;
	[tilespmem:$0x16100] =	vst v63  }
0xcd: {  	_ =	swait.ge [sflag:s4], $0x5800  }
0xce: {  	[sflag:s4] =	ssyncset.done $0x0  }
0xcf: {  	[sflag:s4] =	ssyncadd.s32 $0xFFFFA800  }
0xd0: {  	v2 =	vld.msk [tilespmem:$0x28], $0xff;
	_ =	sdelay $0x4  }
0xd1: {  	v3 =	vshrl.u32 v2, $0x3  }
0xd2: {  	v3 =	vmul.u32 $0xB0, v3  }
0xd3: {  	v2 =	vand.u32 $0x7, v2  }
0xd4: {  	v2 =	vor.u32 v2, v3  }
0xd5: {  	v2 =	vperm.xlane v2, v0;
	_ =	sdelay $0x1  }
0xd6: {  	v2 =	vadd.s32 v1, v2;
	_ =	sdelay $0x4  }
0xd7: {  	[tilespmem:s17], [sflag:$0x2] =	stream.indirect_vreg.gather [hbm4b:s1+s3], $0x80, v2, vm0, $0xb8;
	[tilespmem:$0x16100] =	vst v63  }
0xd8: {  	s24 =	simm.s32 $0x6100  }
0xd9: {  	[tilespmem:s24], [sflag:$0x2] =	stream.indirect_vreg.gather [hbm4b:s5+s3], $0x80, v2, vm0, $0xb8;
	[tilespmem:$0x16100] =	vst v63  }
0xda: {  	s25 =	simm.s32 $0x6900  }
0xdb: {  	[tilespmem:s25], [sflag:$0x2] =	stream.indirect_vreg.gather [hbm4b:s6+s3], $0x80, v2, vm0, $0xb8;
	[tilespmem:$0x16100] =	vst v63  }
0xdc: {  	s28 =	simm.s32 $0x7100  }
0xdd: {  	[tilespmem:s28], [sflag:$0x2] =	stream.indirect_vreg.gather [hbm4b:s7+s3], $0x80, v2, vm0, $0xb8;
	[tilespmem:$0x16100] =	vst v63  }
0xde: {  	s29 =	simm.s32 $0x7900  }
0xdf: {  	[tilespmem:s29], [sflag:$0x2] =	stream.indirect_vreg.gather [hbm4b:s8+s3], $0x80, v2, vm0, $0xb8;
	[tilespmem:$0x16100] =	vst v63  }
0xe0: {  	s30 =	simm.s32 $0x8100  }
0xe1: {  	[tilespmem:s30], [sflag:$0x2] =	stream.indirect_vreg.gather [hbm4b:s9+s3], $0x80, v2, vm0, $0xb8;
	[tilespmem:$0x16100] =	vst v63  }
0xe2: {  	s31 =	simm.s32 $0x8900  }
0xe3: {  	[tilespmem:s31], [sflag:$0x2] =	stream.indirect_vreg.gather [hbm4b:s10+s3], $0x80, v2, vm0, $0xb8;
	[tilespmem:$0x16100] =	vst v63  }
0xe4: {  	s17 =	simm.s32 $0x9100  }
0xe5: {  	[tilespmem:s17], [sflag:$0x2] =	stream.indirect_vreg.gather [hbm4b:s11+s3], $0x80, v2, vm0, $0xb8;
	[tilespmem:$0x16100] =	vst v63  }
0xe6: {  	s23 =	simm.s32 $0x9900  }
0xe7: {  	[tilespmem:s23], [sflag:$0x2] =	stream.indirect_vreg.gather [hbm4b:s12+s3], $0x80, v2, vm0, $0xb8;
	[tilespmem:$0x16100] =	vst v63  }
0xe8: {  	s24 =	simm.s32 $0xA100  }
0xe9: {  	[tilespmem:s24], [sflag:$0x2] =	stream.indirect_vreg.gather [hbm4b:s13+s3], $0x80, v2, vm0, $0xb8;
	[tilespmem:$0x16100] =	vst v63  }
0xea: {  	s25 =	simm.s32 $0xA900  }
0xeb: {  	[tilespmem:s25], [sflag:$0x2] =	stream.indirect_vreg.gather [hbm4b:s14+s3], $0x80, v2, vm0, $0xb8;
	[tilespmem:$0x16100] =	vst v63  }
0xec: {  	_ =	swait.ge [sflag:s18], $0x5800  }
0xed: {  	[sflag:s18] =	ssyncset.done $0x0  }
0xee: {  	s29 =	simm.s32 $0xB100;
	s28 =	rddreg [dreg:$0x6];
	[sflag:s18] =	ssyncadd.s32 $0xFFFFA800  }
0xef: {  	[hbm4b:s28+s3] =	stream.linear.scatter [tilespmem:s29], [sflag:$0x7], $0x5800, $0x38;
	[tilespmem:$0x16100] =	vst v63  }
0xf0: {  	_ =	swait.ge [sflag:s19], $0x5800  }
0xf1: {  	[sflag:s19] =	ssyncset.done $0x0  }
0xf2: {  	[sflag:s19] =	ssyncadd.s32 $0xFFFFA800  }
0xf3: {  	v2 =	vld.msk [tilespmem:$0x30], $0xff;
	_ =	sdelay $0x4  }
0xf4: {  	v3 =	vshrl.u32 v2, $0x3  }
0xf5: {  	v3 =	vmul.u32 $0xB0, v3  }
0xf6: {  	v2 =	vand.u32 $0x7, v2  }
0xf7: {  	v2 =	vor.u32 v2, v3  }
0xf8: {  	v2 =	vperm.xlane v2, v0;
	_ =	sdelay $0x1  }
0xf9: {  	v2 =	vadd.s32 v1, v2;
	_ =	sdelay $0x4  }
0xfa: {  	[tilespmem:s29], [sflag:$0x3] =	stream.indirect_vreg.gather [hbm4b:s1+s3], $0x80, v2, vm0, $0xb8;
	[tilespmem:$0x16100] =	vst v63  }
0xfb: {  	s15 =	simm.s32 $0xB900  }
0xfc: {  	[tilespmem:s15], [sflag:$0x3] =	stream.indirect_vreg.gather [hbm4b:s5+s3], $0x80, v2, vm0, $0xb8;
	[tilespmem:$0x16100] =	vst v63  }
0xfd: {  	s30 =	simm.s32 $0xC100  }
0xfe: {  	[tilespmem:s30], [sflag:$0x3] =	stream.indirect_vreg.gather [hbm4b:s6+s3], $0x80, v2, vm0, $0xb8;
	[tilespmem:$0x16100] =	vst v63  }
0xff: {  	s30 =	simm.s32 $0xC900  }
0x100: {  	[tilespmem:s30], [sflag:$0x3] =	stream.indirect_vreg.gather [hbm4b:s7+s3], $0x80, v2, vm0, $0xb8;
	[tilespmem:$0x16100] =	vst v63  }
0x101: {  	s28 =	simm.s32 $0xD100  }
0x102: {  	[tilespmem:s28], [sflag:$0x3] =	stream.indirect_vreg.gather [hbm4b:s8+s3], $0x80, v2, vm0, $0xb8;
	[tilespmem:$0x16100] =	vst v63  }
0x103: {  	s25 =	simm.s32 $0xD900  }
0x104: {  	[tilespmem:s25], [sflag:$0x3] =	stream.indirect_vreg.gather [hbm4b:s9+s3], $0x80, v2, vm0, $0xb8;
	[tilespmem:$0x16100] =	vst v63  }
0x105: {  	s24 =	simm.s32 $0xE100  }
0x106: {  	[tilespmem:s24], [sflag:$0x3] =	stream.indirect_vreg.gather [hbm4b:s10+s3], $0x80, v2, vm0, $0xb8;
	[tilespmem:$0x16100] =	vst v63  }
0x107: {  	s17 =	simm.s32 $0xE900  }
0x108: {  	[tilespmem:s17], [sflag:$0x3] =	stream.indirect_vreg.gather [hbm4b:s11+s3], $0x80, v2, vm0, $0xb8;
	[tilespmem:$0x16100] =	vst v63  }
0x109: {  	s31 =	simm.s32 $0xF100  }
0x10a: {  	[tilespmem:s31], [sflag:$0x3] =	stream.indirect_vreg.gather [hbm4b:s12+s3], $0x80, v2, vm0, $0xb8;
	[tilespmem:$0x16100] =	vst v63  }
0x10b: {  	s29 =	simm.s32 $0xF900  }
0x10c: {  	[tilespmem:s29], [sflag:$0x3] =	stream.indirect_vreg.gather [hbm4b:s13+s3], $0x80, v2, vm0, $0xb8;
	[tilespmem:$0x16100] =	vst v63  }
0x10d: {  	s29 =	simm.s32 $0x10100  }
0x10e: {  	[tilespmem:s29], [sflag:$0x3] =	stream.indirect_vreg.gather [hbm4b:s14+s3], $0x80, v2, vm0, $0xb8;
	[tilespmem:$0x16100] =	vst v63  }
0x10f: {  	_ =	swait.ge [sflag:s20], $0x5800  }
0x110: {  	[sflag:s20] =	ssyncset.done $0x0  }
0x111: {  	s31 =	simm.s32 $0x10900;
	s23 =	rddreg [dreg:$0x7];
	[sflag:s20] =	ssyncadd.s32 $0xFFFFA800  }
0x112: {  	[hbm4b:s23+s3] =	stream.linear.scatter [tilespmem:s31], [sflag:$0x8], $0x5800, $0x38;
	[tilespmem:$0x16100] =	vst v63  }
0x113: {  	_ =	swait.ge [sflag:s21], $0x5800  }
0x114: {  	[sflag:s21] =	ssyncset.done $0x0  }
0x115: {  	[sflag:s21] =	ssyncadd.s32 $0xFFFFA800  }
0x116: {  	v2 =	vld.msk [tilespmem:$0x38], $0xff;
	_ =	sdelay $0x4  }
0x117: {  	v3 =	vshrl.u32 v2, $0x3  }
0x118: {  	v3 =	vmul.u32 $0xB0, v3  }
0x119: {  	v2 =	vand.u32 $0x7, v2  }
0x11a: {  	v2 =	vor.u32 v2, v3  }
0x11b: {  	v2 =	vperm.xlane v2, v0;
	_ =	sdelay $0x1  }
0x11c: {  	v2 =	vadd.s32 v1, v2;
	_ =	sdelay $0x4  }
0x11d: {  	[tilespmem:s31], [sflag:$0x4] =	stream.indirect_vreg.gather [hbm4b:s1+s3], $0x80, v2, vm0, $0xb8;
	[tilespmem:$0x16100] =	vst v63  }
0x11e: {  	s31 =	simm.s32 $0x11100  }
0x11f: {  	[tilespmem:s31], [sflag:$0x4] =	stream.indirect_vreg.gather [hbm4b:s5+s3], $0x80, v2, vm0, $0xb8;
	[tilespmem:$0x16100] =	vst v63  }
0x120: {  	s31 =	simm.s32 $0x11900  }
0x121: {  	[tilespmem:s31], [sflag:$0x4] =	stream.indirect_vreg.gather [hbm4b:s6+s3], $0x80, v2, vm0, $0xb8;
	[tilespmem:$0x16100] =	vst v63  }
0x122: {  	s31 =	simm.s32 $0x12100  }
0x123: {  	[tilespmem:s31], [sflag:$0x4] =	stream.indirect_vreg.gather [hbm4b:s7+s3], $0x80, v2, vm0, $0xb8;
	[tilespmem:$0x16100] =	vst v63  }
0x124: {  	s31 =	simm.s32 $0x12900  }
0x125: {  	[tilespmem:s31], [sflag:$0x4] =	stream.indirect_vreg.gather [hbm4b:s8+s3], $0x80, v2, vm0, $0xb8;
	[tilespmem:$0x16100] =	vst v63  }
0x126: {  	s31 =	simm.s32 $0x13100  }
0x127: {  	[tilespmem:s31], [sflag:$0x4] =	stream.indirect_vreg.gather [hbm4b:s9+s3], $0x80, v2, vm0, $0xb8;
	[tilespmem:$0x16100] =	vst v63  }
0x128: {  	s31 =	simm.s32 $0x13900  }
0x129: {  	[tilespmem:s31], [sflag:$0x4] =	stream.indirect_vreg.gather [hbm4b:s10+s3], $0x80, v2, vm0, $0xb8;
	[tilespmem:$0x16100] =	vst v63  }
0x12a: {  	s31 =	simm.s32 $0x14100  }
0x12b: {  	[tilespmem:s31], [sflag:$0x4] =	stream.indirect_vreg.gather [hbm4b:s11+s3], $0x80, v2, vm0, $0xb8;
	[tilespmem:$0x16100] =	vst v63  }
0x12c: {  	s31 =	simm.s32 $0x14900  }
0x12d: {  	[tilespmem:s31], [sflag:$0x4] =	stream.indirect_vreg.gather [hbm4b:s12+s3], $0x80, v2, vm0, $0xb8;
	[tilespmem:$0x16100] =	vst v63  }
0x12e: {  	s31 =	simm.s32 $0x15100  }
0x12f: {  	[tilespmem:s31], [sflag:$0x4] =	stream.indirect_vreg.gather [hbm4b:s13+s3], $0x80, v2, vm0, $0xb8;
	[tilespmem:$0x16100] =	vst v63  }
0x130: {  	s31 =	simm.s32 $0x15900  }
0x131: {  	[tilespmem:s31], [sflag:$0x4] =	stream.indirect_vreg.gather [hbm4b:s14+s3], $0x80, v2, vm0, $0xb8;
	[tilespmem:$0x16100] =	vst v63  }
0x132: {  	_ =	swait.ge [sflag:s26], $0x5800  }
0x133: {  	[sflag:s26] =	ssyncset.done $0x0  }
0x134: {  	s31 =	simm.s32 $0x100;
	s23 =	rddreg [dreg:$0x8];
	[sflag:s26] =	ssyncadd.s32 $0xFFFFA800  }
0x135: {  	[hbm4b:s23+s3] =	stream.linear.scatter [tilespmem:s31], [sflag:$0x5], $0x5800, $0x38;
	[tilespmem:$0x16100] =	vst v63  }
0x136: {  	_ =	swait.ge [sflag:s2], $0x5800  }
0x137: {  	[sflag:s2] =	ssyncset.done $0x0  }
0x138: {  	[sflag:s2] =	ssyncadd.s32 $0xFFFFA800  }
0x139: {  	v2 =	vld.msk [tilespmem:$0x40], $0xff;
	_ =	sdelay $0x4  }
0x13a: {  	v3 =	vshrl.u32 v2, $0x3  }
0x13b: {  	v3 =	vmul.u32 $0xB0, v3  }
0x13c: {  	v2 =	vand.u32 $0x7, v2  }
0x13d: {  	v2 =	vor.u32 v2, v3  }
0x13e: {  	v2 =	vperm.xlane v2, v0;
	_ =	sdelay $0x1  }
0x13f: {  	v2 =	vadd.s32 v1, v2;
	_ =	sdelay $0x4  }
0x140: {  	[tilespmem:s31], [sflag:$0x1] =	stream.indirect_vreg.gather [hbm4b:s1+s3], $0x80, v2, vm0, $0xb8;
	[tilespmem:$0x16100] =	vst v63  }
0x141: {  	s31 =	simm.s32 $0x900  }
0x142: {  	[tilespmem:s31], [sflag:$0x1] =	stream.indirect_vreg.gather [hbm4b:s5+s3], $0x80, v2, vm0, $0xb8;
	[tilespmem:$0x16100] =	vst v63  }
0x143: {  	s22 =	simm.s32 $0x1100  }
0x144: {  	[tilespmem:s22], [sflag:$0x1] =	stream.indirect_vreg.gather [hbm4b:s6+s3], $0x80, v2, vm0, $0xb8;
	[tilespmem:$0x16100] =	vst v63  }
0x145: {  	s23 =	simm.s32 $0x1900  }
0x146: {  	[tilespmem:s23], [sflag:$0x1] =	stream.indirect_vreg.gather [hbm4b:s7+s3], $0x80, v2, vm0, $0xb8;
	[tilespmem:$0x16100] =	vst v63  }
0x147: {  	s31 =	simm.s32 $0x2100  }
0x148: {  	[tilespmem:s31], [sflag:$0x1] =	stream.indirect_vreg.gather [hbm4b:s8+s3], $0x80, v2, vm0, $0xb8;
	[tilespmem:$0x16100] =	vst v63  }
0x149: {  	s23 =	simm.s32 $0x2900  }
0x14a: {  	[tilespmem:s23], [sflag:$0x1] =	stream.indirect_vreg.gather [hbm4b:s9+s3], $0x80, v2, vm0, $0xb8;
	[tilespmem:$0x16100] =	vst v63  }
0x14b: {  	s31 =	simm.s32 $0x3100  }
0x14c: {  	[tilespmem:s31], [sflag:$0x1] =	stream.indirect_vreg.gather [hbm4b:s10+s3], $0x80, v2, vm0, $0xb8;
	[tilespmem:$0x16100] =	vst v63  }
0x14d: {  	s23 =	simm.s32 $0x3900  }
0x14e: {  	[tilespmem:s23], [sflag:$0x1] =	stream.indirect_vreg.gather [hbm4b:s11+s3], $0x80, v2, vm0, $0xb8;
	[tilespmem:$0x16100] =	vst v63  }
0x14f: {  	s31 =	simm.s32 $0x4100  }
0x150: {  	[tilespmem:s31], [sflag:$0x1] =	stream.indirect_vreg.gather [hbm4b:s12+s3], $0x80, v2, vm0, $0xb8;
	[tilespmem:$0x16100] =	vst v63  }
0x151: {  	s23 =	simm.s32 $0x4900  }
0x152: {  	[tilespmem:s23], [sflag:$0x1] =	stream.indirect_vreg.gather [hbm4b:s13+s3], $0x80, v2, vm0, $0xb8;
	[tilespmem:$0x16100] =	vst v63  }
0x153: {  	s31 =	simm.s32 $0x5100  }
0x154: {  	[tilespmem:s31], [sflag:$0x1] =	stream.indirect_vreg.gather [hbm4b:s14+s3], $0x80, v2, vm0, $0xb8;
	[tilespmem:$0x16100] =	vst v63  }
0x155: {  	_ =	swait.ge [sflag:s0], $0x5800  }
0x156: {  	[sflag:s0] =	ssyncset.done $0x0  }
0x157: {  	s22 =	simm.s32 $0x5900;
	s23 =	rddreg [dreg:$0x9];
	[sflag:s0] =	ssyncadd.s32 $0xFFFFA800  }
0x158: {  	[hbm4b:s23+s3] =	stream.linear.scatter [tilespmem:s22], [sflag:$0x6], $0x5800, $0x38;
	[tilespmem:$0x16100] =	vst v63  }
0x159: {  	_ =	swait.ge [sflag:s4], $0x5800  }
0x15a: {  	[sflag:s4] =	ssyncset.done $0x0  }
0x15b: {  	[sflag:s4] =	ssyncadd.s32 $0xFFFFA800  }
0x15c: {  	v2 =	vld.msk [tilespmem:$0x48], $0xff;
	_ =	sdelay $0x4  }
0x15d: {  	v3 =	vshrl.u32 v2, $0x3  }
0x15e: {  	v3 =	vmul.u32 $0xB0, v3  }
0x15f: {  	v2 =	vand.u32 $0x7, v2  }
0x160: {  	v2 =	vor.u32 v2, v3  }
0x161: {  	v2 =	vperm.xlane v2, v0;
	_ =	sdelay $0x1  }
0x162: {  	v2 =	vadd.s32 v1, v2;
	_ =	sdelay $0x4  }
0x163: {  	[tilespmem:s22], [sflag:$0x2] =	stream.indirect_vreg.gather [hbm4b:s1+s3], $0x80, v2, vm0, $0xb8;
	[tilespmem:$0x16100] =	vst v63  }
0x164: {  	s16 =	simm.s32 $0x6100  }
0x165: {  	[tilespmem:s16], [sflag:$0x2] =	stream.indirect_vreg.gather [hbm4b:s5+s3], $0x80, v2, vm0, $0xb8;
	[tilespmem:$0x16100] =	vst v63  }
0x166: {  	s22 =	simm.s32 $0x6900  }
0x167: {  	[tilespmem:s22], [sflag:$0x2] =	stream.indirect_vreg.gather [hbm4b:s6+s3], $0x80, v2, vm0, $0xb8;
	[tilespmem:$0x16100] =	vst v63  }
0x168: {  	s31 =	simm.s32 $0x7100  }
0x169: {  	[tilespmem:s31], [sflag:$0x2] =	stream.indirect_vreg.gather [hbm4b:s7+s3], $0x80, v2, vm0, $0xb8;
	[tilespmem:$0x16100] =	vst v63  }
0x16a: {  	s23 =	simm.s32 $0x7900  }
0x16b: {  	[tilespmem:s23], [sflag:$0x2] =	stream.indirect_vreg.gather [hbm4b:s8+s3], $0x80, v2, vm0, $0xb8;
	[tilespmem:$0x16100] =	vst v63  }
0x16c: {  	s31 =	simm.s32 $0x8100  }
0x16d: {  	[tilespmem:s31], [sflag:$0x2] =	stream.indirect_vreg.gather [hbm4b:s9+s3], $0x80, v2, vm0, $0xb8;
	[tilespmem:$0x16100] =	vst v63  }
0x16e: {  	s23 =	simm.s32 $0x8900  }
0x16f: {  	[tilespmem:s23], [sflag:$0x2] =	stream.indirect_vreg.gather [hbm4b:s10+s3], $0x80, v2, vm0, $0xb8;
	[tilespmem:$0x16100] =	vst v63  }
0x170: {  	s31 =	simm.s32 $0x9100  }
0x171: {  	[tilespmem:s31], [sflag:$0x2] =	stream.indirect_vreg.gather [hbm4b:s11+s3], $0x80, v2, vm0, $0xb8;
	[tilespmem:$0x16100] =	vst v63  }
0x172: {  	s23 =	simm.s32 $0x9900  }
0x173: {  	[tilespmem:s23], [sflag:$0x2] =	stream.indirect_vreg.gather [hbm4b:s12+s3], $0x80, v2, vm0, $0xb8;
	[tilespmem:$0x16100] =	vst v63  }
0x174: {  	s31 =	simm.s32 $0xA100  }
0x175: {  	[tilespmem:s31], [sflag:$0x2] =	stream.indirect_vreg.gather [hbm4b:s13+s3], $0x80, v2, vm0, $0xb8;
	[tilespmem:$0x16100] =	vst v63  }
0x176: {  	s31 =	simm.s32 $0xA900  }
0x177: {  	[tilespmem:s31], [sflag:$0x2] =	stream.indirect_vreg.gather [hbm4b:s14+s3], $0x80, v2, vm0, $0xb8;
	[tilespmem:$0x16100] =	vst v63  }
0x178: {  	_ =	swait.ge [sflag:s18], $0x5800  }
0x179: {  	[sflag:s18] =	ssyncset.done $0x0  }
0x17a: {  	s16 =	simm.s32 $0xB100;
	s23 =	rddreg [dreg:$0xa];
	[sflag:s18] =	ssyncadd.s32 $0xFFFFA800  }
0x17b: {  	[hbm4b:s23+s3] =	stream.linear.scatter [tilespmem:s16], [sflag:$0x7], $0x5800, $0x38;
	[tilespmem:$0x16100] =	vst v63  }
0x17c: {  	_ =	swait.ge [sflag:s19], $0x5800  }
0x17d: {  	[sflag:s19] =	ssyncset.done $0x0  }
0x17e: {  	[sflag:s19] =	ssyncadd.s32 $0xFFFFA800  }
0x17f: {  	v2 =	vld.msk [tilespmem:$0x50], $0xff;
	_ =	sdelay $0x4  }
0x180: {  	v3 =	vshrl.u32 v2, $0x3  }
0x181: {  	v3 =	vmul.u32 $0xB0, v3  }
0x182: {  	v2 =	vand.u32 $0x7, v2  }
0x183: {  	v2 =	vor.u32 v2, v3  }
0x184: {  	v2 =	vperm.xlane v2, v0;
	_ =	sdelay $0x1  }
0x185: {  	v2 =	vadd.s32 v1, v2;
	_ =	sdelay $0x4  }
0x186: {  	[tilespmem:s16], [sflag:$0x3] =	stream.indirect_vreg.gather [hbm4b:s1+s3], $0x80, v2, vm0, $0xb8;
	[tilespmem:$0x16100] =	vst v63  }
0x187: {  	_ = 	snop  }
0x188: {  	[tilespmem:s15], [sflag:$0x3] =	stream.indirect_vreg.gather [hbm4b:s5+s3], $0x80, v2, vm0, $0xb8;
	[tilespmem:$0x16100] =	vst v63  }
0x189: {  	s16 =	simm.s32 $0xC100  }
0x18a: {  	[tilespmem:s16], [sflag:$0x3] =	stream.indirect_vreg.gather [hbm4b:s6+s3], $0x80, v2, vm0, $0xb8;
	[tilespmem:$0x16100] =	vst v63  }
0x18b: {  	_ = 	snop  }
0x18c: {  	[tilespmem:s30], [sflag:$0x3] =	stream.indirect_vreg.gather [hbm4b:s7+s3], $0x80, v2, vm0, $0xb8;
	[tilespmem:$0x16100] =	vst v63  }
0x18d: {  	_ = 	snop  }
0x18e: {  	[tilespmem:s28], [sflag:$0x3] =	stream.indirect_vreg.gather [hbm4b:s8+s3], $0x80, v2, vm0, $0xb8;
	[tilespmem:$0x16100] =	vst v63  }
0x18f: {  	_ = 	snop  }
0x190: {  	[tilespmem:s25], [sflag:$0x3] =	stream.indirect_vreg.gather [hbm4b:s9+s3], $0x80, v2, vm0, $0xb8;
	[tilespmem:$0x16100] =	vst v63  }
0x191: {  	_ = 	snop  }
0x192: {  	[tilespmem:s24], [sflag:$0x3] =	stream.indirect_vreg.gather [hbm4b:s10+s3], $0x80, v2, vm0, $0xb8;
	[tilespmem:$0x16100] =	vst v63  }
0x193: {  	_ = 	snop  }
0x194: {  	[tilespmem:s17], [sflag:$0x3] =	stream.indirect_vreg.gather [hbm4b:s11+s3], $0x80, v2, vm0, $0xb8;
	[tilespmem:$0x16100] =	vst v63  }
0x195: {  	s23 =	simm.s32 $0xF100  }
0x196: {  	[tilespmem:s23], [sflag:$0x3] =	stream.indirect_vreg.gather [hbm4b:s12+s3], $0x80, v2, vm0, $0xb8;
	[tilespmem:$0x16100] =	vst v63  }
0x197: {  	s24 =	simm.s32 $0xF900  }
0x198: {  	[tilespmem:s24], [sflag:$0x3] =	stream.indirect_vreg.gather [hbm4b:s13+s3], $0x80, v2, vm0, $0xb8;
	[tilespmem:$0x16100] =	vst v63  }
0x199: {  	_ = 	snop  }
0x19a: {  	[tilespmem:s29], [sflag:$0x3] =	stream.indirect_vreg.gather [hbm4b:s14+s3], $0x80, v2, vm0, $0xb8;
	[tilespmem:$0x16100] =	vst v63  }
0x19b: {  	_ =	swait.ge [sflag:s20], $0x5800  }
0x19c: {  	[sflag:s20] =	ssyncset.done $0x0  }
0x19d: {  	s28 =	simm.s32 $0x10900;
	s25 =	rddreg [dreg:$0xb];
	[sflag:s20] =	ssyncadd.s32 $0xFFFFA800  }
0x19e: {  	[hbm4b:s25+s3] =	stream.linear.scatter [tilespmem:s28], [sflag:$0x8], $0x5800, $0x38;
	[tilespmem:$0x16100] =	vst v63  }
0x19f: {  	_ =	swait.ge [sflag:s21], $0x5800  }
0x1a0: {  	[sflag:s21] =	ssyncset.done $0x0  }
0x1a1: {  	[sflag:s21] =	ssyncadd.s32 $0xFFFFA800  }
0x1a2: {  	v2 =	vld.msk [tilespmem:$0x58], $0xff;
	_ =	sdelay $0x4  }
0x1a3: {  	v3 =	vshrl.u32 v2, $0x3  }
0x1a4: {  	v3 =	vmul.u32 $0xB0, v3  }
0x1a5: {  	v2 =	vand.u32 $0x7, v2  }
0x1a6: {  	v2 =	vor.u32 v2, v3  }
0x1a7: {  	v2 =	vperm.xlane v2, v0;
	_ =	sdelay $0x1  }
0x1a8: {  	v2 =	vadd.s32 v1, v2;
	_ =	sdelay $0x4  }
0x1a9: {  	[tilespmem:s28], [sflag:$0x4] =	stream.indirect_vreg.gather [hbm4b:s1+s3], $0x80, v2, vm0, $0xb8;
	[tilespmem:$0x16100] =	vst v63  }
0x1aa: {  	s15 =	simm.s32 $0x11100  }
0x1ab: {  	[tilespmem:s15], [sflag:$0x4] =	stream.indirect_vreg.gather [hbm4b:s5+s3], $0x80, v2, vm0, $0xb8;
	[tilespmem:$0x16100] =	vst v63  }
0x1ac: {  	s16 =	simm.s32 $0x11900  }
0x1ad: {  	[tilespmem:s16], [sflag:$0x4] =	stream.indirect_vreg.gather [hbm4b:s6+s3], $0x80, v2, vm0, $0xb8;
	[tilespmem:$0x16100] =	vst v63  }
0x1ae: {  	s29 =	simm.s32 $0x12100  }
0x1af: {  	[tilespmem:s29], [sflag:$0x4] =	stream.indirect_vreg.gather [hbm4b:s7+s3], $0x80, v2, vm0, $0xb8;
	[tilespmem:$0x16100] =	vst v63  }
0x1b0: {  	s30 =	simm.s32 $0x12900  }
0x1b1: {  	[tilespmem:s30], [sflag:$0x4] =	stream.indirect_vreg.gather [hbm4b:s8+s3], $0x80, v2, vm0, $0xb8;
	[tilespmem:$0x16100] =	vst v63  }
0x1b2: {  	s24 =	simm.s32 $0x13100  }
0x1b3: {  	[tilespmem:s24], [sflag:$0x4] =	stream.indirect_vreg.gather [hbm4b:s9+s3], $0x80, v2, vm0, $0xb8;
	[tilespmem:$0x16100] =	vst v63  }
0x1b4: {  	s25 =	simm.s32 $0x13900  }
0x1b5: {  	[tilespmem:s25], [sflag:$0x4] =	stream.indirect_vreg.gather [hbm4b:s10+s3], $0x80, v2, vm0, $0xb8;
	[tilespmem:$0x16100] =	vst v63  }
0x1b6: {  	s28 =	simm.s32 $0x14100  }
0x1b7: {  	[tilespmem:s28], [sflag:$0x4] =	stream.indirect_vreg.gather [hbm4b:s11+s3], $0x80, v2, vm0, $0xb8;
	[tilespmem:$0x16100] =	vst v63  }
0x1b8: {  	s29 =	simm.s32 $0x14900  }
0x1b9: {  	[tilespmem:s29], [sflag:$0x4] =	stream.indirect_vreg.gather [hbm4b:s12+s3], $0x80, v2, vm0, $0xb8;
	[tilespmem:$0x16100] =	vst v63  }
0x1ba: {  	s30 =	simm.s32 $0x15100  }
0x1bb: {  	[tilespmem:s30], [sflag:$0x4] =	stream.indirect_vreg.gather [hbm4b:s13+s3], $0x80, v2, vm0, $0xb8;
	[tilespmem:$0x16100] =	vst v63  }
0x1bc: {  	s23 =	simm.s32 $0x15900  }
0x1bd: {  	[tilespmem:s23], [sflag:$0x4] =	stream.indirect_vreg.gather [hbm4b:s14+s3], $0x80, v2, vm0, $0xb8;
	[tilespmem:$0x16100] =	vst v63  }
0x1be: {  	_ =	swait.ge [sflag:s26], $0x5800  }
0x1bf: {  	[sflag:s26] =	ssyncset.done $0x0  }
0x1c0: {  	s17 =	simm.s32 $0x100;
	s23 =	rddreg [dreg:$0xc];
	[sflag:s26] =	ssyncadd.s32 $0xFFFFA800  }
0x1c1: {  	[hbm4b:s23+s3] =	stream.linear.scatter [tilespmem:s17], [sflag:$0x5], $0x5800, $0x38;
	[tilespmem:$0x16100] =	vst v63  }
0x1c2: {  	_ =	swait.ge [sflag:s2], $0x5800  }
0x1c3: {  	[sflag:s2] =	ssyncset.done $0x0  }
0x1c4: {  	[sflag:s2] =	ssyncadd.s32 $0xFFFFA800  }
0x1c5: {  	v2 =	vld.msk [tilespmem:$0x60], $0xff;
	_ =	sdelay $0x4  }
0x1c6: {  	v3 =	vshrl.u32 v2, $0x3  }
0x1c7: {  	v3 =	vmul.u32 $0xB0, v3  }
0x1c8: {  	v2 =	vand.u32 $0x7, v2  }
0x1c9: {  	v2 =	vor.u32 v2, v3  }
0x1ca: {  	v2 =	vperm.xlane v2, v0;
	_ =	sdelay $0x1  }
0x1cb: {  	v2 =	vadd.s32 v1, v2;
	_ =	sdelay $0x4  }
0x1cc: {  	[tilespmem:s17], [sflag:$0x1] =	stream.indirect_vreg.gather [hbm4b:s1+s3], $0x80, v2, vm0, $0xb8;
	[tilespmem:$0x16100] =	vst v63  }
0x1cd: {  	s23 =	simm.s32 $0x900  }
0x1ce: {  	[tilespmem:s23], [sflag:$0x1] =	stream.indirect_vreg.gather [hbm4b:s5+s3], $0x80, v2, vm0, $0xb8;
	[tilespmem:$0x16100] =	vst v63  }
0x1cf: {  	s23 =	simm.s32 $0x1100  }
0x1d0: {  	[tilespmem:s23], [sflag:$0x1] =	stream.indirect_vreg.gather [hbm4b:s6+s3], $0x80, v2, vm0, $0xb8;
	[tilespmem:$0x16100] =	vst v63  }
0x1d1: {  	s23 =	simm.s32 $0x1900  }
0x1d2: {  	[tilespmem:s23], [sflag:$0x1] =	stream.indirect_vreg.gather [hbm4b:s7+s3], $0x80, v2, vm0, $0xb8;
	[tilespmem:$0x16100] =	vst v63  }
0x1d3: {  	s23 =	simm.s32 $0x2100  }
0x1d4: {  	[tilespmem:s23], [sflag:$0x1] =	stream.indirect_vreg.gather [hbm4b:s8+s3], $0x80, v2, vm0, $0xb8;
	[tilespmem:$0x16100] =	vst v63  }
0x1d5: {  	s23 =	simm.s32 $0x2900  }
0x1d6: {  	[tilespmem:s23], [sflag:$0x1] =	stream.indirect_vreg.gather [hbm4b:s9+s3], $0x80, v2, vm0, $0xb8;
	[tilespmem:$0x16100] =	vst v63  }
0x1d7: {  	s23 =	simm.s32 $0x3100  }
0x1d8: {  	[tilespmem:s23], [sflag:$0x1] =	stream.indirect_vreg.gather [hbm4b:s10+s3], $0x80, v2, vm0, $0xb8;
	[tilespmem:$0x16100] =	vst v63  }
0x1d9: {  	s23 =	simm.s32 $0x3900  }
0x1da: {  	[tilespmem:s23], [sflag:$0x1] =	stream.indirect_vreg.gather [hbm4b:s11+s3], $0x80, v2, vm0, $0xb8;
	[tilespmem:$0x16100] =	vst v63  }
0x1db: {  	s23 =	simm.s32 $0x4100  }
0x1dc: {  	[tilespmem:s23], [sflag:$0x1] =	stream.indirect_vreg.gather [hbm4b:s12+s3], $0x80, v2, vm0, $0xb8;
	[tilespmem:$0x16100] =	vst v63  }
0x1dd: {  	s23 =	simm.s32 $0x4900  }
0x1de: {  	[tilespmem:s23], [sflag:$0x1] =	stream.indirect_vreg.gather [hbm4b:s13+s3], $0x80, v2, vm0, $0xb8;
	[tilespmem:$0x16100] =	vst v63  }
0x1df: {  	s23 =	simm.s32 $0x5100  }
0x1e0: {  	[tilespmem:s23], [sflag:$0x1] =	stream.indirect_vreg.gather [hbm4b:s14+s3], $0x80, v2, vm0, $0xb8;
	[tilespmem:$0x16100] =	vst v63  }
0x1e1: {  	_ =	swait.ge [sflag:s0], $0x5800  }
0x1e2: {  	[sflag:s0] =	ssyncset.done $0x0  }
0x1e3: {  	s17 =	simm.s32 $0x5900;
	s23 =	rddreg [dreg:$0xd];
	[sflag:s0] =	ssyncadd.s32 $0xFFFFA800  }
0x1e4: {  	[hbm4b:s23+s3] =	stream.linear.scatter [tilespmem:s17], [sflag:$0x6], $0x5800, $0x38;
	[tilespmem:$0x16100] =	vst v63  }
0x1e5: {  	_ =	swait.ge [sflag:s4], $0x5800  }
0x1e6: {  	[sflag:s4] =	ssyncset.done $0x0  }
0x1e7: {  	[sflag:s4] =	ssyncadd.s32 $0xFFFFA800  }
0x1e8: {  	v2 =	vld.msk [tilespmem:$0x68], $0xff;
	_ =	sdelay $0x4  }
0x1e9: {  	v3 =	vshrl.u32 v2, $0x3  }
0x1ea: {  	v3 =	vmul.u32 $0xB0, v3  }
0x1eb: {  	v2 =	vand.u32 $0x7, v2  }
0x1ec: {  	v2 =	vor.u32 v2, v3  }
0x1ed: {  	v2 =	vperm.xlane v2, v0;
	_ =	sdelay $0x1  }
0x1ee: {  	v2 =	vadd.s32 v1, v2;
	_ =	sdelay $0x4  }
0x1ef: {  	[tilespmem:s17], [sflag:$0x2] =	stream.indirect_vreg.gather [hbm4b:s1+s3], $0x80, v2, vm0, $0xb8;
	[tilespmem:$0x16100] =	vst v63  }
0x1f0: {  	s23 =	simm.s32 $0x6100  }
0x1f1: {  	[tilespmem:s23], [sflag:$0x2] =	stream.indirect_vreg.gather [hbm4b:s5+s3], $0x80, v2, vm0, $0xb8;
	[tilespmem:$0x16100] =	vst v63  }
0x1f2: {  	_ = 	snop  }
0x1f3: {  	[tilespmem:s22], [sflag:$0x2] =	stream.indirect_vreg.gather [hbm4b:s6+s3], $0x80, v2, vm0, $0xb8;
	[tilespmem:$0x16100] =	vst v63  }
0x1f4: {  	s23 =	simm.s32 $0x7100  }
0x1f5: {  	[tilespmem:s23], [sflag:$0x2] =	stream.indirect_vreg.gather [hbm4b:s7+s3], $0x80, v2, vm0, $0xb8;
	[tilespmem:$0x16100] =	vst v63  }
0x1f6: {  	s22 =	simm.s32 $0x7900  }
0x1f7: {  	[tilespmem:s22], [sflag:$0x2] =	stream.indirect_vreg.gather [hbm4b:s8+s3], $0x80, v2, vm0, $0xb8;
	[tilespmem:$0x16100] =	vst v63  }
0x1f8: {  	s23 =	simm.s32 $0x8100  }
0x1f9: {  	[tilespmem:s23], [sflag:$0x2] =	stream.indirect_vreg.gather [hbm4b:s9+s3], $0x80, v2, vm0, $0xb8;
	[tilespmem:$0x16100] =	vst v63  }
0x1fa: {  	s22 =	simm.s32 $0x8900  }
0x1fb: {  	[tilespmem:s22], [sflag:$0x2] =	stream.indirect_vreg.gather [hbm4b:s10+s3], $0x80, v2, vm0, $0xb8;
	[tilespmem:$0x16100] =	vst v63  }
0x1fc: {  	s23 =	simm.s32 $0x9100  }
0x1fd: {  	[tilespmem:s23], [sflag:$0x2] =	stream.indirect_vreg.gather [hbm4b:s11+s3], $0x80, v2, vm0, $0xb8;
	[tilespmem:$0x16100] =	vst v63  }
0x1fe: {  	s22 =	simm.s32 $0x9900  }
0x1ff: {  	[tilespmem:s22], [sflag:$0x2] =	stream.indirect_vreg.gather [hbm4b:s12+s3], $0x80, v2, vm0, $0xb8;
	[tilespmem:$0x16100] =	vst v63  }
0x200: {  	s23 =	simm.s32 $0xA100  }
0x201: {  	[tilespmem:s23], [sflag:$0x2] =	stream.indirect_vreg.gather [hbm4b:s13+s3], $0x80, v2, vm0, $0xb8;
	[tilespmem:$0x16100] =	vst v63  }
0x202: {  	_ = 	snop  }
0x203: {  	[tilespmem:s31], [sflag:$0x2] =	stream.indirect_vreg.gather [hbm4b:s14+s3], $0x80, v2, vm0, $0xb8;
	[tilespmem:$0x16100] =	vst v63  }
0x204: {  	_ =	swait.ge [sflag:s18], $0x5800  }
0x205: {  	[sflag:s18] =	ssyncset.done $0x0  }
0x206: {  	s31 =	simm.s32 $0xB100;
	s17 =	rddreg [dreg:$0xe];
	[sflag:s18] =	ssyncadd.s32 $0xFFFFA800  }
0x207: {  	[hbm4b:s17+s3] =	stream.linear.scatter [tilespmem:s31], [sflag:$0x7], $0x5800, $0x38;
	[tilespmem:$0x16100] =	vst v63  }
0x208: {  	_ =	swait.ge [sflag:s19], $0x5800  }
0x209: {  	[sflag:s19] =	ssyncset.done $0x0  }
0x20a: {  	[sflag:s19] =	ssyncadd.s32 $0xFFFFA800  }
0x20b: {  	v2 =	vld.msk [tilespmem:$0x70], $0xff;
	_ =	sdelay $0x4  }
0x20c: {  	v3 =	vshrl.u32 v2, $0x3  }
0x20d: {  	v3 =	vmul.u32 $0xB0, v3  }
0x20e: {  	v2 =	vand.u32 $0x7, v2  }
0x20f: {  	v2 =	vor.u32 v2, v3  }
0x210: {  	v2 =	vperm.xlane v2, v0;
	_ =	sdelay $0x1  }
0x211: {  	v2 =	vadd.s32 v1, v2;
	_ =	sdelay $0x4  }
0x212: {  	[tilespmem:s31], [sflag:$0x3] =	stream.indirect_vreg.gather [hbm4b:s1+s3], $0x80, v2, vm0, $0xb8;
	[tilespmem:$0x16100] =	vst v63  }
0x213: {  	s23 =	simm.s32 $0xB900  }
0x214: {  	[tilespmem:s23], [sflag:$0x3] =	stream.indirect_vreg.gather [hbm4b:s5+s3], $0x80, v2, vm0, $0xb8;
	[tilespmem:$0x16100] =	vst v63  }
0x215: {  	s31 =	simm.s32 $0xC100  }
0x216: {  	[tilespmem:s31], [sflag:$0x3] =	stream.indirect_vreg.gather [hbm4b:s6+s3], $0x80, v2, vm0, $0xb8;
	[tilespmem:$0x16100] =	vst v63  }
0x217: {  	s23 =	simm.s32 $0xC900  }
0x218: {  	[tilespmem:s23], [sflag:$0x3] =	stream.indirect_vreg.gather [hbm4b:s7+s3], $0x80, v2, vm0, $0xb8;
	[tilespmem:$0x16100] =	vst v63  }
0x219: {  	s31 =	simm.s32 $0xD100  }
0x21a: {  	[tilespmem:s31], [sflag:$0x3] =	stream.indirect_vreg.gather [hbm4b:s8+s3], $0x80, v2, vm0, $0xb8;
	[tilespmem:$0x16100] =	vst v63  }
0x21b: {  	s23 =	simm.s32 $0xD900  }
0x21c: {  	[tilespmem:s23], [sflag:$0x3] =	stream.indirect_vreg.gather [hbm4b:s9+s3], $0x80, v2, vm0, $0xb8;
	[tilespmem:$0x16100] =	vst v63  }
0x21d: {  	s31 =	simm.s32 $0xE100  }
0x21e: {  	[tilespmem:s31], [sflag:$0x3] =	stream.indirect_vreg.gather [hbm4b:s10+s3], $0x80, v2, vm0, $0xb8;
	[tilespmem:$0x16100] =	vst v63  }
0x21f: {  	s23 =	simm.s32 $0xE900  }
0x220: {  	[tilespmem:s23], [sflag:$0x3] =	stream.indirect_vreg.gather [hbm4b:s11+s3], $0x80, v2, vm0, $0xb8;
	[tilespmem:$0x16100] =	vst v63  }
0x221: {  	s31 =	simm.s32 $0xF100  }
0x222: {  	[tilespmem:s31], [sflag:$0x3] =	stream.indirect_vreg.gather [hbm4b:s12+s3], $0x80, v2, vm0, $0xb8;
	[tilespmem:$0x16100] =	vst v63  }
0x223: {  	s23 =	simm.s32 $0xF900  }
0x224: {  	[tilespmem:s23], [sflag:$0x3] =	stream.indirect_vreg.gather [hbm4b:s13+s3], $0x80, v2, vm0, $0xb8;
	[tilespmem:$0x16100] =	vst v63  }
0x225: {  	s31 =	simm.s32 $0x10100  }
0x226: {  	[tilespmem:s31], [sflag:$0x3] =	stream.indirect_vreg.gather [hbm4b:s14+s3], $0x80, v2, vm0, $0xb8;
	[tilespmem:$0x16100] =	vst v63  }
0x227: {  	_ =	swait.ge [sflag:s20], $0x5800  }
0x228: {  	[sflag:s20] =	ssyncset.done $0x0  }
0x229: {  	s31 =	simm.s32 $0x10900;
	s17 =	rddreg [dreg:$0xf];
	[sflag:s20] =	ssyncadd.s32 $0xFFFFA800  }
0x22a: {  	[hbm4b:s17+s3] =	stream.linear.scatter [tilespmem:s31], [sflag:$0x8], $0x5800, $0x38;
	[tilespmem:$0x16100] =	vst v63  }
0x22b: {  	_ =	swait.ge [sflag:s21], $0x5800  }
0x22c: {  	[sflag:s21] =	ssyncset.done $0x0  }
0x22d: {  	[sflag:s21] =	ssyncadd.s32 $0xFFFFA800  }
0x22e: {  	v2 =	vld.msk [tilespmem:$0x78], $0xff;
	_ =	sdelay $0x4  }
0x22f: {  	v3 =	vshrl.u32 v2, $0x3  }
0x230: {  	v3 =	vmul.u32 $0xB0, v3  }
0x231: {  	v2 =	vand.u32 $0x7, v2  }
0x232: {  	v2 =	vor.u32 v2, v3  }
0x233: {  	v2 =	vperm.xlane v2, v0;
	_ =	sdelay $0x1  }
0x234: {  	v2 =	vadd.s32 v1, v2;
	_ =	sdelay $0x4  }
0x235: {  	[tilespmem:s31], [sflag:$0x4] =	stream.indirect_vreg.gather [hbm4b:s1+s3], $0x80, v2, vm0, $0xb8;
	[tilespmem:$0x16100] =	vst v63  }
0x236: {  	_ = 	snop  }
0x237: {  	[tilespmem:s15], [sflag:$0x4] =	stream.indirect_vreg.gather [hbm4b:s5+s3], $0x80, v2, vm0, $0xb8;
	[tilespmem:$0x16100] =	vst v63  }
0x238: {  	_ = 	snop  }
0x239: {  	[tilespmem:s16], [sflag:$0x4] =	stream.indirect_vreg.gather [hbm4b:s6+s3], $0x80, v2, vm0, $0xb8;
	[tilespmem:$0x16100] =	vst v63  }
0x23a: {  	s17 =	simm.s32 $0x12100  }
0x23b: {  	[tilespmem:s17], [sflag:$0x4] =	stream.indirect_vreg.gather [hbm4b:s7+s3], $0x80, v2, vm0, $0xb8;
	[tilespmem:$0x16100] =	vst v63  }
0x23c: {  	s23 =	simm.s32 $0x12900  }
0x23d: {  	[tilespmem:s23], [sflag:$0x4] =	stream.indirect_vreg.gather [hbm4b:s8+s3], $0x80, v2, vm0, $0xb8;
	[tilespmem:$0x16100] =	vst v63  }
0x23e: {  	_ = 	snop  }
0x23f: {  	[tilespmem:s24], [sflag:$0x4] =	stream.indirect_vreg.gather [hbm4b:s9+s3], $0x80, v2, vm0, $0xb8;
	[tilespmem:$0x16100] =	vst v63  }
0x240: {  	_ = 	snop  }
0x241: {  	[tilespmem:s25], [sflag:$0x4] =	stream.indirect_vreg.gather [hbm4b:s10+s3], $0x80, v2, vm0, $0xb8;
	[tilespmem:$0x16100] =	vst v63  }
0x242: {  	_ = 	snop  }
0x243: {  	[tilespmem:s28], [sflag:$0x4] =	stream.indirect_vreg.gather [hbm4b:s11+s3], $0x80, v2, vm0, $0xb8;
	[tilespmem:$0x16100] =	vst v63  }
0x244: {  	_ = 	snop  }
0x245: {  	[tilespmem:s29], [sflag:$0x4] =	stream.indirect_vreg.gather [hbm4b:s12+s3], $0x80, v2, vm0, $0xb8;
	[tilespmem:$0x16100] =	vst v63  }
0x246: {  	_ = 	snop  }
0x247: {  	[tilespmem:s30], [sflag:$0x4] =	stream.indirect_vreg.gather [hbm4b:s13+s3], $0x80, v2, vm0, $0xb8;
	[tilespmem:$0x16100] =	vst v63  }
0x248: {  	s31 =	simm.s32 $0x15900  }
0x249: {  	[tilespmem:s31], [sflag:$0x4] =	stream.indirect_vreg.gather [hbm4b:s14+s3], $0x80, v2, vm0, $0xb8;
	[tilespmem:$0x16100] =	vst v63  }
0x24a: {  	_ =	swait.ge [sflag:s26], $0x5800  }
0x24b: {  	[sflag:s26] =	ssyncset.done $0x0  }
0x24c: {  	s16 =	simm.s32 $0x100;
	s15 =	rddreg [dreg:$0x10];
	[sflag:s26] =	ssyncadd.s32 $0xFFFFA800  }
0x24d: {  	[hbm4b:s15+s3] =	stream.linear.scatter [tilespmem:s16], [sflag:$0x5], $0x5800, $0x38;
	[tilespmem:$0x16100] =	vst v63  }
0x24e: {  	_ =	swait.ge [sflag:s2], $0x5800  }
0x24f: {  	[sflag:s2] =	ssyncset.done $0x0  }
0x250: {  	[sflag:s2] =	ssyncadd.s32 $0xFFFFA800  }
0x251: {  	v2 =	vld.msk [tilespmem:$0x80], $0xff;
	_ =	sdelay $0x4  }
0x252: {  	v3 =	vshrl.u32 v2, $0x3  }
0x253: {  	v3 =	vmul.u32 $0xB0, v3  }
0x254: {  	v2 =	vand.u32 $0x7, v2  }
0x255: {  	v2 =	vor.u32 v2, v3  }
0x256: {  	v2 =	vperm.xlane v2, v0;
	_ =	sdelay $0x1  }
0x257: {  	v2 =	vadd.s32 v1, v2;
	_ =	sdelay $0x4  }
0x258: {  	[tilespmem:s16], [sflag:$0x1] =	stream.indirect_vreg.gather [hbm4b:s1+s3], $0x80, v2, vm0, $0xb8;
	[tilespmem:$0x16100] =	vst v63  }
0x259: {  	s17 =	simm.s32 $0x900  }
0x25a: {  	[tilespmem:s17], [sflag:$0x1] =	stream.indirect_vreg.gather [hbm4b:s5+s3], $0x80, v2, vm0, $0xb8;
	[tilespmem:$0x16100] =	vst v63  }
0x25b: {  	s23 =	simm.s32 $0x1100  }
0x25c: {  	[tilespmem:s23], [sflag:$0x1] =	stream.indirect_vreg.gather [hbm4b:s6+s3], $0x80, v2, vm0, $0xb8;
	[tilespmem:$0x16100] =	vst v63  }
0x25d: {  	s24 =	simm.s32 $0x1900  }
0x25e: {  	[tilespmem:s24], [sflag:$0x1] =	stream.indirect_vreg.gather [hbm4b:s7+s3], $0x80, v2, vm0, $0xb8;
	[tilespmem:$0x16100] =	vst v63  }
0x25f: {  	s28 =	simm.s32 $0x2100  }
0x260: {  	[tilespmem:s28], [sflag:$0x1] =	stream.indirect_vreg.gather [hbm4b:s8+s3], $0x80, v2, vm0, $0xb8;
	[tilespmem:$0x16100] =	vst v63  }
0x261: {  	s29 =	simm.s32 $0x2900  }
0x262: {  	[tilespmem:s29], [sflag:$0x1] =	stream.indirect_vreg.gather [hbm4b:s9+s3], $0x80, v2, vm0, $0xb8;
	[tilespmem:$0x16100] =	vst v63  }
0x263: {  	s30 =	simm.s32 $0x3100  }
0x264: {  	[tilespmem:s30], [sflag:$0x1] =	stream.indirect_vreg.gather [hbm4b:s10+s3], $0x80, v2, vm0, $0xb8;
	[tilespmem:$0x16100] =	vst v63  }
0x265: {  	s31 =	simm.s32 $0x3900  }
0x266: {  	[tilespmem:s31], [sflag:$0x1] =	stream.indirect_vreg.gather [hbm4b:s11+s3], $0x80, v2, vm0, $0xb8;
	[tilespmem:$0x16100] =	vst v63  }
0x267: {  	s16 =	simm.s32 $0x4100  }
0x268: {  	[tilespmem:s16], [sflag:$0x1] =	stream.indirect_vreg.gather [hbm4b:s12+s3], $0x80, v2, vm0, $0xb8;
	[tilespmem:$0x16100] =	vst v63  }
0x269: {  	s17 =	simm.s32 $0x4900  }
0x26a: {  	[tilespmem:s17], [sflag:$0x1] =	stream.indirect_vreg.gather [hbm4b:s13+s3], $0x80, v2, vm0, $0xb8;
	[tilespmem:$0x16100] =	vst v63  }
0x26b: {  	s23 =	simm.s32 $0x5100  }
0x26c: {  	[tilespmem:s23], [sflag:$0x1] =	stream.indirect_vreg.gather [hbm4b:s14+s3], $0x80, v2, vm0, $0xb8;
	[tilespmem:$0x16100] =	vst v63  }
0x26d: {  	_ =	swait.ge [sflag:s0], $0x5800  }
0x26e: {  	[sflag:s0] =	ssyncset.done $0x0  }
0x26f: {  	s28 =	simm.s32 $0x5900;
	s24 =	rddreg [dreg:$0x11];
	[sflag:s0] =	ssyncadd.s32 $0xFFFFA800  }
0x270: {  	[hbm4b:s24+s3] =	stream.linear.scatter [tilespmem:s28], [sflag:$0x6], $0x5800, $0x38;
	[tilespmem:$0x16100] =	vst v63  }
0x271: {  	_ =	swait.ge [sflag:s4], $0x5800  }
0x272: {  	[sflag:s4] =	ssyncset.done $0x0  }
0x273: {  	[sflag:s4] =	ssyncadd.s32 $0xFFFFA800  }
0x274: {  	v2 =	vld.msk [tilespmem:$0x88], $0xff;
	_ =	sdelay $0x4  }
0x275: {  	v3 =	vshrl.u32 v2, $0x3  }
0x276: {  	v3 =	vmul.u32 $0xB0, v3  }
0x277: {  	v2 =	vand.u32 $0x7, v2  }
0x278: {  	v2 =	vor.u32 v2, v3  }
0x279: {  	v2 =	vperm.xlane v2, v0;
	_ =	sdelay $0x1  }
0x27a: {  	v2 =	vadd.s32 v1, v2;
	_ =	sdelay $0x4  }
0x27b: {  	[tilespmem:s28], [sflag:$0x2] =	stream.indirect_vreg.gather [hbm4b:s1+s3], $0x80, v2, vm0, $0xb8;
	[tilespmem:$0x16100] =	vst v63  }
0x27c: {  	s29 =	simm.s32 $0x6100  }
0x27d: {  	[tilespmem:s29], [sflag:$0x2] =	stream.indirect_vreg.gather [hbm4b:s5+s3], $0x80, v2, vm0, $0xb8;
	[tilespmem:$0x16100] =	vst v63  }
0x27e: {  	s30 =	simm.s32 $0x6900  }
0x27f: {  	[tilespmem:s30], [sflag:$0x2] =	stream.indirect_vreg.gather [hbm4b:s6+s3], $0x80, v2, vm0, $0xb8;
	[tilespmem:$0x16100] =	vst v63  }
0x280: {  	s31 =	simm.s32 $0x7100  }
0x281: {  	[tilespmem:s31], [sflag:$0x2] =	stream.indirect_vreg.gather [hbm4b:s7+s3], $0x80, v2, vm0, $0xb8;
	[tilespmem:$0x16100] =	vst v63  }
0x282: {  	s16 =	simm.s32 $0x7900  }
0x283: {  	[tilespmem:s16], [sflag:$0x2] =	stream.indirect_vreg.gather [hbm4b:s8+s3], $0x80, v2, vm0, $0xb8;
	[tilespmem:$0x16100] =	vst v63  }
0x284: {  	s17 =	simm.s32 $0x8100  }
0x285: {  	[tilespmem:s17], [sflag:$0x2] =	stream.indirect_vreg.gather [hbm4b:s9+s3], $0x80, v2, vm0, $0xb8;
	[tilespmem:$0x16100] =	vst v63  }
0x286: {  	s23 =	simm.s32 $0x8900  }
0x287: {  	[tilespmem:s23], [sflag:$0x2] =	stream.indirect_vreg.gather [hbm4b:s10+s3], $0x80, v2, vm0, $0xb8;
	[tilespmem:$0x16100] =	vst v63  }
0x288: {  	s24 =	simm.s32 $0x9100  }
0x289: {  	[tilespmem:s24], [sflag:$0x2] =	stream.indirect_vreg.gather [hbm4b:s11+s3], $0x80, v2, vm0, $0xb8;
	[tilespmem:$0x16100] =	vst v63  }
0x28a: {  	s28 =	simm.s32 $0x9900  }
0x28b: {  	[tilespmem:s28], [sflag:$0x2] =	stream.indirect_vreg.gather [hbm4b:s12+s3], $0x80, v2, vm0, $0xb8;
	[tilespmem:$0x16100] =	vst v63  }
0x28c: {  	s29 =	simm.s32 $0xA100  }
0x28d: {  	[tilespmem:s29], [sflag:$0x2] =	stream.indirect_vreg.gather [hbm4b:s13+s3], $0x80, v2, vm0, $0xb8;
	[tilespmem:$0x16100] =	vst v63  }
0x28e: {  	s22 =	simm.s32 $0xA900  }
0x28f: {  	[tilespmem:s22], [sflag:$0x2] =	stream.indirect_vreg.gather [hbm4b:s14+s3], $0x80, v2, vm0, $0xb8;
	[tilespmem:$0x16100] =	vst v63  }
0x290: {  	_ =	swait.ge [sflag:s18], $0x5800  }
0x291: {  	[sflag:s18] =	ssyncset.done $0x0  }
0x292: {  	s31 =	simm.s32 $0xB100;
	s30 =	rddreg [dreg:$0x12];
	[sflag:s18] =	ssyncadd.s32 $0xFFFFA800  }
0x293: {  	[hbm4b:s30+s3] =	stream.linear.scatter [tilespmem:s31], [sflag:$0x7], $0x5800, $0x38;
	[tilespmem:$0x16100] =	vst v63  }
0x294: {  	_ =	swait.ge [sflag:s19], $0x5800  }
0x295: {  	[sflag:s19] =	ssyncset.done $0x0  }
0x296: {  	[sflag:s19] =	ssyncadd.s32 $0xFFFFA800  }
0x297: {  	v2 =	vld.msk [tilespmem:$0x90], $0xff;
	_ =	sdelay $0x4  }
0x298: {  	v3 =	vshrl.u32 v2, $0x3  }
0x299: {  	v3 =	vmul.u32 $0xB0, v3  }
0x29a: {  	v2 =	vand.u32 $0x7, v2  }
0x29b: {  	v2 =	vor.u32 v2, v3  }
0x29c: {  	v2 =	vperm.xlane v2, v0;
	_ =	sdelay $0x1  }
0x29d: {  	v2 =	vadd.s32 v1, v2;
	_ =	sdelay $0x4  }
0x29e: {  	[tilespmem:s31], [sflag:$0x3] =	stream.indirect_vreg.gather [hbm4b:s1+s3], $0x80, v2, vm0, $0xb8;
	[tilespmem:$0x16100] =	vst v63  }
0x29f: {  	s16 =	simm.s32 $0xB900  }
0x2a0: {  	[tilespmem:s16], [sflag:$0x3] =	stream.indirect_vreg.gather [hbm4b:s5+s3], $0x80, v2, vm0, $0xb8;
	[tilespmem:$0x16100] =	vst v63  }
0x2a1: {  	s17 =	simm.s32 $0xC100  }
0x2a2: {  	[tilespmem:s17], [sflag:$0x3] =	stream.indirect_vreg.gather [hbm4b:s6+s3], $0x80, v2, vm0, $0xb8;
	[tilespmem:$0x16100] =	vst v63  }
0x2a3: {  	s22 =	simm.s32 $0xC900  }
0x2a4: {  	[tilespmem:s22], [sflag:$0x3] =	stream.indirect_vreg.gather [hbm4b:s7+s3], $0x80, v2, vm0, $0xb8;
	[tilespmem:$0x16100] =	vst v63  }
0x2a5: {  	s23 =	simm.s32 $0xD100  }
0x2a6: {  	[tilespmem:s23], [sflag:$0x3] =	stream.indirect_vreg.gather [hbm4b:s8+s3], $0x80, v2, vm0, $0xb8;
	[tilespmem:$0x16100] =	vst v63  }
0x2a7: {  	s28 =	simm.s32 $0xD900  }
0x2a8: {  	[tilespmem:s28], [sflag:$0x3] =	stream.indirect_vreg.gather [hbm4b:s9+s3], $0x80, v2, vm0, $0xb8;
	[tilespmem:$0x16100] =	vst v63  }
0x2a9: {  	s29 =	simm.s32 $0xE100  }
0x2aa: {  	[tilespmem:s29], [sflag:$0x3] =	stream.indirect_vreg.gather [hbm4b:s10+s3], $0x80, v2, vm0, $0xb8;
	[tilespmem:$0x16100] =	vst v63  }
0x2ab: {  	s30 =	simm.s32 $0xE900  }
0x2ac: {  	[tilespmem:s30], [sflag:$0x3] =	stream.indirect_vreg.gather [hbm4b:s11+s3], $0x80, v2, vm0, $0xb8;
	[tilespmem:$0x16100] =	vst v63  }
0x2ad: {  	s31 =	simm.s32 $0xF100  }
0x2ae: {  	[tilespmem:s31], [sflag:$0x3] =	stream.indirect_vreg.gather [hbm4b:s12+s3], $0x80, v2, vm0, $0xb8;
	[tilespmem:$0x16100] =	vst v63  }
0x2af: {  	s17 =	simm.s32 $0xF900  }
0x2b0: {  	[tilespmem:s17], [sflag:$0x3] =	stream.indirect_vreg.gather [hbm4b:s13+s3], $0x80, v2, vm0, $0xb8;
	[tilespmem:$0x16100] =	vst v63  }
0x2b1: {  	s24 =	simm.s32 $0x10100  }
0x2b2: {  	[tilespmem:s24], [sflag:$0x3] =	stream.indirect_vreg.gather [hbm4b:s14+s3], $0x80, v2, vm0, $0xb8;
	[tilespmem:$0x16100] =	vst v63  }
0x2b3: {  	_ =	swait.ge [sflag:s20], $0x5800  }
0x2b4: {  	[sflag:s20] =	ssyncset.done $0x0  }
0x2b5: {  	s16 =	simm.s32 $0x10900;
	s15 =	rddreg [dreg:$0x13];
	[sflag:s20] =	ssyncadd.s32 $0xFFFFA800  }
0x2b6: {  	[hbm4b:s15+s3] =	stream.linear.scatter [tilespmem:s16], [sflag:$0x8], $0x5800, $0x38;
	[tilespmem:$0x16100] =	vst v63  }
0x2b7: {  	_ =	swait.ge [sflag:s21], $0x5800  }
0x2b8: {  	[sflag:s21] =	ssyncset.done $0x0  }
0x2b9: {  	[sflag:s21] =	ssyncadd.s32 $0xFFFFA800  }
0x2ba: {  	v2 =	vld.msk [tilespmem:$0x98], $0xff;
	_ =	sdelay $0x4  }
0x2bb: {  	v3 =	vshrl.u32 v2, $0x3  }
0x2bc: {  	v3 =	vmul.u32 $0xB0, v3  }
0x2bd: {  	v2 =	vand.u32 $0x7, v2  }
0x2be: {  	v2 =	vor.u32 v2, v3  }
0x2bf: {  	v2 =	vperm.xlane v2, v0;
	_ =	sdelay $0x1  }
0x2c0: {  	v2 =	vadd.s32 v1, v2;
	_ =	sdelay $0x4  }
0x2c1: {  	[tilespmem:s16], [sflag:$0x4] =	stream.indirect_vreg.gather [hbm4b:s1+s3], $0x80, v2, vm0, $0xb8;
	[tilespmem:$0x16100] =	vst v63  }
0x2c2: {  	s15 =	simm.s32 $0x11100  }
0x2c3: {  	[tilespmem:s15], [sflag:$0x4] =	stream.indirect_vreg.gather [hbm4b:s5+s3], $0x80, v2, vm0, $0xb8;
	[tilespmem:$0x16100] =	vst v63  }
0x2c4: {  	s22 =	simm.s32 $0x11900  }
0x2c5: {  	[tilespmem:s22], [sflag:$0x4] =	stream.indirect_vreg.gather [hbm4b:s6+s3], $0x80, v2, vm0, $0xb8;
	[tilespmem:$0x16100] =	vst v63  }
0x2c6: {  	s23 =	simm.s32 $0x12100  }
0x2c7: {  	[tilespmem:s23], [sflag:$0x4] =	stream.indirect_vreg.gather [hbm4b:s7+s3], $0x80, v2, vm0, $0xb8;
	[tilespmem:$0x16100] =	vst v63  }
0x2c8: {  	s24 =	simm.s32 $0x12900  }
0x2c9: {  	[tilespmem:s24], [sflag:$0x4] =	stream.indirect_vreg.gather [hbm4b:s8+s3], $0x80, v2, vm0, $0xb8;
	[tilespmem:$0x16100] =	vst v63  }
0x2ca: {  	s22 =	simm.s32 $0x13100  }
0x2cb: {  	[tilespmem:s22], [sflag:$0x4] =	stream.indirect_vreg.gather [hbm4b:s9+s3], $0x80, v2, vm0, $0xb8;
	[tilespmem:$0x16100] =	vst v63  }
0x2cc: {  	s23 =	simm.s32 $0x13900  }
0x2cd: {  	[tilespmem:s23], [sflag:$0x4] =	stream.indirect_vreg.gather [hbm4b:s10+s3], $0x80, v2, vm0, $0xb8;
	[tilespmem:$0x16100] =	vst v63  }
0x2ce: {  	s24 =	simm.s32 $0x14100  }
0x2cf: {  	[tilespmem:s24], [sflag:$0x4] =	stream.indirect_vreg.gather [hbm4b:s11+s3], $0x80, v2, vm0, $0xb8;
	[tilespmem:$0x16100] =	vst v63  }
0x2d0: {  	s22 =	simm.s32 $0x14900  }
0x2d1: {  	[tilespmem:s22], [sflag:$0x4] =	stream.indirect_vreg.gather [hbm4b:s12+s3], $0x80, v2, vm0, $0xb8;
	[tilespmem:$0x16100] =	vst v63  }
0x2d2: {  	s23 =	simm.s32 $0x15100  }
0x2d3: {  	[tilespmem:s23], [sflag:$0x4] =	stream.indirect_vreg.gather [hbm4b:s13+s3], $0x80, v2, vm0, $0xb8;
	[tilespmem:$0x16100] =	vst v63  }
0x2d4: {  	s24 =	simm.s32 $0x15900  }
0x2d5: {  	[tilespmem:s24], [sflag:$0x4] =	stream.indirect_vreg.gather [hbm4b:s14+s3], $0x80, v2, vm0, $0xb8;
	[tilespmem:$0x16100] =	vst v63  }
0x2d6: {  	_ =	swait.ge [sflag:s26], $0x5800  }
0x2d7: {  	[sflag:s26] =	ssyncset.done $0x0  }
0x2d8: {  	s24 =	simm.s32 $0x100;
	s22 =	rddreg [dreg:$0x14];
	[sflag:s26] =	ssyncadd.s32 $0xFFFFA800  }
0x2d9: {  	[hbm4b:s22+s3] =	stream.linear.scatter [tilespmem:s24], [sflag:$0x5], $0x5800, $0x38;
	[tilespmem:$0x16100] =	vst v63  }
0x2da: {  	_ =	swait.ge [sflag:s2], $0x5800  }
0x2db: {  	[sflag:s2] =	ssyncset.done $0x0  }
0x2dc: {  	[sflag:s2] =	ssyncadd.s32 $0xFFFFA800  }
0x2dd: {  	v2 =	vld.msk [tilespmem:$0xA0], $0xff;
	_ =	sdelay $0x4  }
0x2de: {  	v3 =	vshrl.u32 v2, $0x3  }
0x2df: {  	v3 =	vmul.u32 $0xB0, v3  }
0x2e0: {  	v2 =	vand.u32 $0x7, v2  }
0x2e1: {  	v2 =	vor.u32 v2, v3  }
0x2e2: {  	v2 =	vperm.xlane v2, v0;
	_ =	sdelay $0x1  }
0x2e3: {  	v2 =	vadd.s32 v1, v2;
	_ =	sdelay $0x4  }
0x2e4: {  	[tilespmem:s24], [sflag:$0x1] =	stream.indirect_vreg.gather [hbm4b:s1+s3], $0x80, v2, vm0, $0xb8;
	[tilespmem:$0x16100] =	vst v63  }
0x2e5: {  	s25 =	simm.s32 $0x900  }
0x2e6: {  	[tilespmem:s25], [sflag:$0x1] =	stream.indirect_vreg.gather [hbm4b:s5+s3], $0x80, v2, vm0, $0xb8;
	[tilespmem:$0x16100] =	vst v63  }
0x2e7: {  	s22 =	simm.s32 $0x1100  }
0x2e8: {  	[tilespmem:s22], [sflag:$0x1] =	stream.indirect_vreg.gather [hbm4b:s6+s3], $0x80, v2, vm0, $0xb8;
	[tilespmem:$0x16100] =	vst v63  }
0x2e9: {  	s25 =	simm.s32 $0x1900  }
0x2ea: {  	[tilespmem:s25], [sflag:$0x1] =	stream.indirect_vreg.gather [hbm4b:s7+s3], $0x80, v2, vm0, $0xb8;
	[tilespmem:$0x16100] =	vst v63  }
0x2eb: {  	s23 =	simm.s32 $0x2100  }
0x2ec: {  	[tilespmem:s23], [sflag:$0x1] =	stream.indirect_vreg.gather [hbm4b:s8+s3], $0x80, v2, vm0, $0xb8;
	[tilespmem:$0x16100] =	vst v63  }
0x2ed: {  	s24 =	simm.s32 $0x2900  }
0x2ee: {  	[tilespmem:s24], [sflag:$0x1] =	stream.indirect_vreg.gather [hbm4b:s9+s3], $0x80, v2, vm0, $0xb8;
	[tilespmem:$0x16100] =	vst v63  }
0x2ef: {  	s25 =	simm.s32 $0x3100  }
0x2f0: {  	[tilespmem:s25], [sflag:$0x1] =	stream.indirect_vreg.gather [hbm4b:s10+s3], $0x80, v2, vm0, $0xb8;
	[tilespmem:$0x16100] =	vst v63  }
0x2f1: {  	s23 =	simm.s32 $0x3900  }
0x2f2: {  	[tilespmem:s23], [sflag:$0x1] =	stream.indirect_vreg.gather [hbm4b:s11+s3], $0x80, v2, vm0, $0xb8;
	[tilespmem:$0x16100] =	vst v63  }
0x2f3: {  	s24 =	simm.s32 $0x4100  }
0x2f4: {  	[tilespmem:s24], [sflag:$0x1] =	stream.indirect_vreg.gather [hbm4b:s12+s3], $0x80, v2, vm0, $0xb8;
	[tilespmem:$0x16100] =	vst v63  }
0x2f5: {  	s25 =	simm.s32 $0x4900  }
0x2f6: {  	[tilespmem:s25], [sflag:$0x1] =	stream.indirect_vreg.gather [hbm4b:s13+s3], $0x80, v2, vm0, $0xb8;
	[tilespmem:$0x16100] =	vst v63  }
0x2f7: {  	s23 =	simm.s32 $0x5100  }
0x2f8: {  	[tilespmem:s23], [sflag:$0x1] =	stream.indirect_vreg.gather [hbm4b:s14+s3], $0x80, v2, vm0, $0xb8;
	[tilespmem:$0x16100] =	vst v63  }
0x2f9: {  	_ =	swait.ge [sflag:s0], $0x5800  }
0x2fa: {  	[sflag:s0] =	ssyncset.done $0x0  }
0x2fb: {  	s25 =	simm.s32 $0x5900;
	s24 =	rddreg [dreg:$0x15];
	[sflag:s0] =	ssyncadd.s32 $0xFFFFA800  }
0x2fc: {  	[hbm4b:s24+s3] =	stream.linear.scatter [tilespmem:s25], [sflag:$0x6], $0x5800, $0x38;
	[tilespmem:$0x16100] =	vst v63  }
0x2fd: {  	_ =	swait.ge [sflag:s4], $0x5800  }
0x2fe: {  	[sflag:s4] =	ssyncset.done $0x0  }
0x2ff: {  	[sflag:s4] =	ssyncadd.s32 $0xFFFFA800  }
0x300: {  	v2 =	vld.msk [tilespmem:$0xA8], $0xff;
	_ =	sdelay $0x4  }
0x301: {  	v3 =	vshrl.u32 v2, $0x3  }
0x302: {  	v3 =	vmul.u32 $0xB0, v3  }
0x303: {  	v2 =	vand.u32 $0x7, v2  }
0x304: {  	v2 =	vor.u32 v2, v3  }
0x305: {  	v2 =	vperm.xlane v2, v0;
	_ =	sdelay $0x1  }
0x306: {  	v2 =	vadd.s32 v1, v2;
	_ =	sdelay $0x4  }
0x307: {  	[tilespmem:s25], [sflag:$0x2] =	stream.indirect_vreg.gather [hbm4b:s1+s3], $0x80, v2, vm0, $0xb8;
	[tilespmem:$0x16100] =	vst v63  }
0x308: {  	s23 =	simm.s32 $0x6100  }
0x309: {  	[tilespmem:s23], [sflag:$0x2] =	stream.indirect_vreg.gather [hbm4b:s5+s3], $0x80, v2, vm0, $0xb8;
	[tilespmem:$0x16100] =	vst v63  }
0x30a: {  	s16 =	simm.s32 $0x6900  }
0x30b: {  	[tilespmem:s16], [sflag:$0x2] =	stream.indirect_vreg.gather [hbm4b:s6+s3], $0x80, v2, vm0, $0xb8;
	[tilespmem:$0x16100] =	vst v63  }
0x30c: {  	s24 =	simm.s32 $0x7100  }
0x30d: {  	[tilespmem:s24], [sflag:$0x2] =	stream.indirect_vreg.gather [hbm4b:s7+s3], $0x80, v2, vm0, $0xb8;
	[tilespmem:$0x16100] =	vst v63  }
0x30e: {  	s25 =	simm.s32 $0x7900  }
0x30f: {  	[tilespmem:s25], [sflag:$0x2] =	stream.indirect_vreg.gather [hbm4b:s8+s3], $0x80, v2, vm0, $0xb8;
	[tilespmem:$0x16100] =	vst v63  }
0x310: {  	s24 =	simm.s32 $0x8100  }
0x311: {  	[tilespmem:s24], [sflag:$0x2] =	stream.indirect_vreg.gather [hbm4b:s9+s3], $0x80, v2, vm0, $0xb8;
	[tilespmem:$0x16100] =	vst v63  }
0x312: {  	s25 =	simm.s32 $0x8900  }
0x313: {  	[tilespmem:s25], [sflag:$0x2] =	stream.indirect_vreg.gather [hbm4b:s10+s3], $0x80, v2, vm0, $0xb8;
	[tilespmem:$0x16100] =	vst v63  }
0x314: {  	s24 =	simm.s32 $0x9100  }
0x315: {  	[tilespmem:s24], [sflag:$0x2] =	stream.indirect_vreg.gather [hbm4b:s11+s3], $0x80, v2, vm0, $0xb8;
	[tilespmem:$0x16100] =	vst v63  }
0x316: {  	s25 =	simm.s32 $0x9900  }
0x317: {  	[tilespmem:s25], [sflag:$0x2] =	stream.indirect_vreg.gather [hbm4b:s12+s3], $0x80, v2, vm0, $0xb8;
	[tilespmem:$0x16100] =	vst v63  }
0x318: {  	s24 =	simm.s32 $0xA100  }
0x319: {  	[tilespmem:s24], [sflag:$0x2] =	stream.indirect_vreg.gather [hbm4b:s13+s3], $0x80, v2, vm0, $0xb8;
	[tilespmem:$0x16100] =	vst v63  }
0x31a: {  	s24 =	simm.s32 $0xA900  }
0x31b: {  	[tilespmem:s24], [sflag:$0x2] =	stream.indirect_vreg.gather [hbm4b:s14+s3], $0x80, v2, vm0, $0xb8;
	[tilespmem:$0x16100] =	vst v63  }
0x31c: {  	_ =	swait.ge [sflag:s18], $0x5800  }
0x31d: {  	[sflag:s18] =	ssyncset.done $0x0  }
0x31e: {  	s25 =	simm.s32 $0xB100;
	s23 =	rddreg [dreg:$0x16];
	[sflag:s18] =	ssyncadd.s32 $0xFFFFA800  }
0x31f: {  	[hbm4b:s23+s3] =	stream.linear.scatter [tilespmem:s25], [sflag:$0x7], $0x5800, $0x38;
	[tilespmem:$0x16100] =	vst v63  }
0x320: {  	_ =	swait.ge [sflag:s19], $0x5800  }
0x321: {  	[sflag:s19] =	ssyncset.done $0x0  }
0x322: {  	[sflag:s19] =	ssyncadd.s32 $0xFFFFA800  }
0x323: {  	v2 =	vld.msk [tilespmem:$0xB0], $0xff;
	_ =	sdelay $0x4  }
0x324: {  	v3 =	vshrl.u32 v2, $0x3  }
0x325: {  	v3 =	vmul.u32 $0xB0, v3  }
0x326: {  	v2 =	vand.u32 $0x7, v2  }
0x327: {  	v2 =	vor.u32 v2, v3  }
0x328: {  	v2 =	vperm.xlane v2, v0;
	_ =	sdelay $0x1  }
0x329: {  	v2 =	vadd.s32 v1, v2;
	_ =	sdelay $0x4  }
0x32a: {  	[tilespmem:s25], [sflag:$0x3] =	stream.indirect_vreg.gather [hbm4b:s1+s3], $0x80, v2, vm0, $0xb8;
	[tilespmem:$0x16100] =	vst v63  }
0x32b: {  	s25 =	simm.s32 $0xB900  }
0x32c: {  	[tilespmem:s25], [sflag:$0x3] =	stream.indirect_vreg.gather [hbm4b:s5+s3], $0x80, v2, vm0, $0xb8;
	[tilespmem:$0x16100] =	vst v63  }
0x32d: {  	s25 =	simm.s32 $0xC100  }
0x32e: {  	[tilespmem:s25], [sflag:$0x3] =	stream.indirect_vreg.gather [hbm4b:s6+s3], $0x80, v2, vm0, $0xb8;
	[tilespmem:$0x16100] =	vst v63  }
0x32f: {  	s25 =	simm.s32 $0xC900  }
0x330: {  	[tilespmem:s25], [sflag:$0x3] =	stream.indirect_vreg.gather [hbm4b:s7+s3], $0x80, v2, vm0, $0xb8;
	[tilespmem:$0x16100] =	vst v63  }
0x331: {  	s25 =	simm.s32 $0xD100  }
0x332: {  	[tilespmem:s25], [sflag:$0x3] =	stream.indirect_vreg.gather [hbm4b:s8+s3], $0x80, v2, vm0, $0xb8;
	[tilespmem:$0x16100] =	vst v63  }
0x333: {  	_ = 	snop  }
0x334: {  	[tilespmem:s28], [sflag:$0x3] =	stream.indirect_vreg.gather [hbm4b:s9+s3], $0x80, v2, vm0, $0xb8;
	[tilespmem:$0x16100] =	vst v63  }
0x335: {  	_ = 	snop  }
0x336: {  	[tilespmem:s29], [sflag:$0x3] =	stream.indirect_vreg.gather [hbm4b:s10+s3], $0x80, v2, vm0, $0xb8;
	[tilespmem:$0x16100] =	vst v63  }
0x337: {  	_ = 	snop  }
0x338: {  	[tilespmem:s30], [sflag:$0x3] =	stream.indirect_vreg.gather [hbm4b:s11+s3], $0x80, v2, vm0, $0xb8;
	[tilespmem:$0x16100] =	vst v63  }
0x339: {  	_ = 	snop  }
0x33a: {  	[tilespmem:s31], [sflag:$0x3] =	stream.indirect_vreg.gather [hbm4b:s12+s3], $0x80, v2, vm0, $0xb8;
	[tilespmem:$0x16100] =	vst v63  }
0x33b: {  	_ = 	snop  }
0x33c: {  	[tilespmem:s17], [sflag:$0x3] =	stream.indirect_vreg.gather [hbm4b:s13+s3], $0x80, v2, vm0, $0xb8;
	[tilespmem:$0x16100] =	vst v63  }
0x33d: {  	s23 =	simm.s32 $0x10100  }
0x33e: {  	[tilespmem:s23], [sflag:$0x3] =	stream.indirect_vreg.gather [hbm4b:s14+s3], $0x80, v2, vm0, $0xb8;
	[tilespmem:$0x16100] =	vst v63  }
0x33f: {  	_ =	swait.ge [sflag:s20], $0x5800  }
0x340: {  	[sflag:s20] =	ssyncset.done $0x0  }
0x341: {  	s28 =	simm.s32 $0x10900;
	s25 =	rddreg [dreg:$0x17];
	[sflag:s20] =	ssyncadd.s32 $0xFFFFA800  }
0x342: {  	[hbm4b:s25+s3] =	stream.linear.scatter [tilespmem:s28], [sflag:$0x8], $0x5800, $0x38;
	[tilespmem:$0x16100] =	vst v63  }
0x343: {  	_ =	swait.ge [sflag:s21], $0x5800  }
0x344: {  	[sflag:s21] =	ssyncset.done $0x0  }
0x345: {  	[sflag:s21] =	ssyncadd.s32 $0xFFFFA800  }
0x346: {  	v2 =	vld.msk [tilespmem:$0xB8], $0xff;
	_ =	sdelay $0x4  }
0x347: {  	v3 =	vshrl.u32 v2, $0x3  }
0x348: {  	v3 =	vmul.u32 $0xB0, v3  }
0x349: {  	v2 =	vand.u32 $0x7, v2  }
0x34a: {  	v2 =	vor.u32 v2, v3  }
0x34b: {  	v2 =	vperm.xlane v2, v0;
	_ =	sdelay $0x1  }
0x34c: {  	v2 =	vadd.s32 v1, v2;
	_ =	sdelay $0x4  }
0x34d: {  	[tilespmem:s28], [sflag:$0x4] =	stream.indirect_vreg.gather [hbm4b:s1+s3], $0x80, v2, vm0, $0xb8;
	[tilespmem:$0x16100] =	vst v63  }
0x34e: {  	_ = 	snop  }
0x34f: {  	[tilespmem:s15], [sflag:$0x4] =	stream.indirect_vreg.gather [hbm4b:s5+s3], $0x80, v2, vm0, $0xb8;
	[tilespmem:$0x16100] =	vst v63  }
0x350: {  	s29 =	simm.s32 $0x11900  }
0x351: {  	[tilespmem:s29], [sflag:$0x4] =	stream.indirect_vreg.gather [hbm4b:s6+s3], $0x80, v2, vm0, $0xb8;
	[tilespmem:$0x16100] =	vst v63  }
0x352: {  	s30 =	simm.s32 $0x12100  }
0x353: {  	[tilespmem:s30], [sflag:$0x4] =	stream.indirect_vreg.gather [hbm4b:s7+s3], $0x80, v2, vm0, $0xb8;
	[tilespmem:$0x16100] =	vst v63  }
0x354: {  	s31 =	simm.s32 $0x12900  }
0x355: {  	[tilespmem:s31], [sflag:$0x4] =	stream.indirect_vreg.gather [hbm4b:s8+s3], $0x80, v2, vm0, $0xb8;
	[tilespmem:$0x16100] =	vst v63  }
0x356: {  	s17 =	simm.s32 $0x13100  }
0x357: {  	[tilespmem:s17], [sflag:$0x4] =	stream.indirect_vreg.gather [hbm4b:s9+s3], $0x80, v2, vm0, $0xb8;
	[tilespmem:$0x16100] =	vst v63  }
0x358: {  	s23 =	simm.s32 $0x13900  }
0x359: {  	[tilespmem:s23], [sflag:$0x4] =	stream.indirect_vreg.gather [hbm4b:s10+s3], $0x80, v2, vm0, $0xb8;
	[tilespmem:$0x16100] =	vst v63  }
0x35a: {  	s28 =	simm.s32 $0x14100  }
0x35b: {  	[tilespmem:s28], [sflag:$0x4] =	stream.indirect_vreg.gather [hbm4b:s11+s3], $0x80, v2, vm0, $0xb8;
	[tilespmem:$0x16100] =	vst v63  }
0x35c: {  	s29 =	simm.s32 $0x14900  }
0x35d: {  	[tilespmem:s29], [sflag:$0x4] =	stream.indirect_vreg.gather [hbm4b:s12+s3], $0x80, v2, vm0, $0xb8;
	[tilespmem:$0x16100] =	vst v63  }
0x35e: {  	s30 =	simm.s32 $0x15100  }
0x35f: {  	[tilespmem:s30], [sflag:$0x4] =	stream.indirect_vreg.gather [hbm4b:s13+s3], $0x80, v2, vm0, $0xb8;
	[tilespmem:$0x16100] =	vst v63  }
0x360: {  	s31 =	simm.s32 $0x15900  }
0x361: {  	[tilespmem:s31], [sflag:$0x4] =	stream.indirect_vreg.gather [hbm4b:s14+s3], $0x80, v2, vm0, $0xb8;
	[tilespmem:$0x16100] =	vst v63  }
0x362: {  	_ =	swait.ge [sflag:s26], $0x5800  }
0x363: {  	[sflag:s26] =	ssyncset.done $0x0  }
0x364: {  	s17 =	simm.s32 $0x100;
	s15 =	rddreg [dreg:$0x18];
	[sflag:s26] =	ssyncadd.s32 $0xFFFFA800  }
0x365: {  	[hbm4b:s15+s3] =	stream.linear.scatter [tilespmem:s17], [sflag:$0x5], $0x5800, $0x38;
	[tilespmem:$0x16100] =	vst v63  }
0x366: {  	_ =	swait.ge [sflag:s2], $0x5800  }
0x367: {  	[sflag:s2] =	ssyncset.done $0x0  }
0x368: {  	[sflag:s2] =	ssyncadd.s32 $0xFFFFA800  }
0x369: {  	v2 =	vld.msk [tilespmem:$0xC0], $0xff;
	_ =	sdelay $0x4  }
0x36a: {  	v3 =	vshrl.u32 v2, $0x3  }
0x36b: {  	v3 =	vmul.u32 $0xB0, v3  }
0x36c: {  	v2 =	vand.u32 $0x7, v2  }
0x36d: {  	v2 =	vor.u32 v2, v3  }
0x36e: {  	v2 =	vperm.xlane v2, v0;
	_ =	sdelay $0x1  }
0x36f: {  	v2 =	vadd.s32 v1, v2;
	_ =	sdelay $0x4  }
0x370: {  	[tilespmem:s17], [sflag:$0x1] =	stream.indirect_vreg.gather [hbm4b:s1+s3], $0x80, v2, vm0, $0xb8;
	[tilespmem:$0x16100] =	vst v63  }
0x371: {  	s23 =	simm.s32 $0x900  }
0x372: {  	[tilespmem:s23], [sflag:$0x1] =	stream.indirect_vreg.gather [hbm4b:s5+s3], $0x80, v2, vm0, $0xb8;
	[tilespmem:$0x16100] =	vst v63  }
0x373: {  	_ = 	snop  }
0x374: {  	[tilespmem:s22], [sflag:$0x1] =	stream.indirect_vreg.gather [hbm4b:s6+s3], $0x80, v2, vm0, $0xb8;
	[tilespmem:$0x16100] =	vst v63  }
0x375: {  	s29 =	simm.s32 $0x1900  }
0x376: {  	[tilespmem:s29], [sflag:$0x1] =	stream.indirect_vreg.gather [hbm4b:s7+s3], $0x80, v2, vm0, $0xb8;
	[tilespmem:$0x16100] =	vst v63  }
0x377: {  	s30 =	simm.s32 $0x2100  }
0x378: {  	[tilespmem:s30], [sflag:$0x1] =	stream.indirect_vreg.gather [hbm4b:s8+s3], $0x80, v2, vm0, $0xb8;
	[tilespmem:$0x16100] =	vst v63  }
0x379: {  	s31 =	simm.s32 $0x2900  }
0x37a: {  	[tilespmem:s31], [sflag:$0x1] =	stream.indirect_vreg.gather [hbm4b:s9+s3], $0x80, v2, vm0, $0xb8;
	[tilespmem:$0x16100] =	vst v63  }
0x37b: {  	s17 =	simm.s32 $0x3100  }
0x37c: {  	[tilespmem:s17], [sflag:$0x1] =	stream.indirect_vreg.gather [hbm4b:s10+s3], $0x80, v2, vm0, $0xb8;
	[tilespmem:$0x16100] =	vst v63  }
0x37d: {  	s22 =	simm.s32 $0x3900  }
0x37e: {  	[tilespmem:s22], [sflag:$0x1] =	stream.indirect_vreg.gather [hbm4b:s11+s3], $0x80, v2, vm0, $0xb8;
	[tilespmem:$0x16100] =	vst v63  }
0x37f: {  	s23 =	simm.s32 $0x4100  }
0x380: {  	[tilespmem:s23], [sflag:$0x1] =	stream.indirect_vreg.gather [hbm4b:s12+s3], $0x80, v2, vm0, $0xb8;
	[tilespmem:$0x16100] =	vst v63  }
0x381: {  	s29 =	simm.s32 $0x4900  }
0x382: {  	[tilespmem:s29], [sflag:$0x1] =	stream.indirect_vreg.gather [hbm4b:s13+s3], $0x80, v2, vm0, $0xb8;
	[tilespmem:$0x16100] =	vst v63  }
0x383: {  	s30 =	simm.s32 $0x5100  }
0x384: {  	[tilespmem:s30], [sflag:$0x1] =	stream.indirect_vreg.gather [hbm4b:s14+s3], $0x80, v2, vm0, $0xb8;
	[tilespmem:$0x16100] =	vst v63  }
0x385: {  	_ =	swait.ge [sflag:s0], $0x5800  }
0x386: {  	[sflag:s0] =	ssyncset.done $0x0  }
0x387: {  	s15 =	simm.s32 $0x5900;
	s31 =	rddreg [dreg:$0x19];
	[sflag:s0] =	ssyncadd.s32 $0xFFFFA800  }
0x388: {  	[hbm4b:s31+s3] =	stream.linear.scatter [tilespmem:s15], [sflag:$0x6], $0x5800, $0x38;
	[tilespmem:$0x16100] =	vst v63  }
0x389: {  	_ =	swait.ge [sflag:s4], $0x5800  }
0x38a: {  	[sflag:s4] =	ssyncset.done $0x0  }
0x38b: {  	[sflag:s4] =	ssyncadd.s32 $0xFFFFA800  }
0x38c: {  	v2 =	vld.msk [tilespmem:$0xC8], $0xff;
	_ =	sdelay $0x4  }
0x38d: {  	v3 =	vshrl.u32 v2, $0x3  }
0x38e: {  	v3 =	vmul.u32 $0xB0, v3  }
0x38f: {  	v2 =	vand.u32 $0x7, v2  }
0x390: {  	v2 =	vor.u32 v2, v3  }
0x391: {  	v2 =	vperm.xlane v2, v0;
	_ =	sdelay $0x1  }
0x392: {  	v2 =	vadd.s32 v1, v2;
	_ =	sdelay $0x4  }
0x393: {  	[tilespmem:s15], [sflag:$0x2] =	stream.indirect_vreg.gather [hbm4b:s1+s3], $0x80, v2, vm0, $0xb8;
	[tilespmem:$0x16100] =	vst v63  }
0x394: {  	s17 =	simm.s32 $0x6100  }
0x395: {  	[tilespmem:s17], [sflag:$0x2] =	stream.indirect_vreg.gather [hbm4b:s5+s3], $0x80, v2, vm0, $0xb8;
	[tilespmem:$0x16100] =	vst v63  }
0x396: {  	_ = 	snop  }
0x397: {  	[tilespmem:s16], [sflag:$0x2] =	stream.indirect_vreg.gather [hbm4b:s6+s3], $0x80, v2, vm0, $0xb8;
	[tilespmem:$0x16100] =	vst v63  }
0x398: {  	s16 =	simm.s32 $0x7100  }
0x399: {  	[tilespmem:s16], [sflag:$0x2] =	stream.indirect_vreg.gather [hbm4b:s7+s3], $0x80, v2, vm0, $0xb8;
	[tilespmem:$0x16100] =	vst v63  }
0x39a: {  	s23 =	simm.s32 $0x7900  }
0x39b: {  	[tilespmem:s23], [sflag:$0x2] =	stream.indirect_vreg.gather [hbm4b:s8+s3], $0x80, v2, vm0, $0xb8;
	[tilespmem:$0x16100] =	vst v63  }
0x39c: {  	s29 =	simm.s32 $0x8100  }
0x39d: {  	[tilespmem:s29], [sflag:$0x2] =	stream.indirect_vreg.gather [hbm4b:s9+s3], $0x80, v2, vm0, $0xb8;
	[tilespmem:$0x16100] =	vst v63  }
0x39e: {  	s30 =	simm.s32 $0x8900  }
0x39f: {  	[tilespmem:s30], [sflag:$0x2] =	stream.indirect_vreg.gather [hbm4b:s10+s3], $0x80, v2, vm0, $0xb8;
	[tilespmem:$0x16100] =	vst v63  }
0x3a0: {  	s31 =	simm.s32 $0x9100  }
0x3a1: {  	[tilespmem:s31], [sflag:$0x2] =	stream.indirect_vreg.gather [hbm4b:s11+s3], $0x80, v2, vm0, $0xb8;
	[tilespmem:$0x16100] =	vst v63  }
0x3a2: {  	s16 =	simm.s32 $0x9900  }
0x3a3: {  	[tilespmem:s16], [sflag:$0x2] =	stream.indirect_vreg.gather [hbm4b:s12+s3], $0x80, v2, vm0, $0xb8;
	[tilespmem:$0x16100] =	vst v63  }
0x3a4: {  	s23 =	simm.s32 $0xA100  }
0x3a5: {  	[tilespmem:s23], [sflag:$0x2] =	stream.indirect_vreg.gather [hbm4b:s13+s3], $0x80, v2, vm0, $0xb8;
	[tilespmem:$0x16100] =	vst v63  }
0x3a6: {  	_ = 	snop  }
0x3a7: {  	[tilespmem:s24], [sflag:$0x2] =	stream.indirect_vreg.gather [hbm4b:s14+s3], $0x80, v2, vm0, $0xb8;
	[tilespmem:$0x16100] =	vst v63  }
0x3a8: {  	_ =	swait.ge [sflag:s18], $0x5800  }
0x3a9: {  	[sflag:s18] =	ssyncset.done $0x0  }
0x3aa: {  	s15 =	simm.s32 $0xB100;
	s16 =	rddreg [dreg:$0x1a];
	[sflag:s18] =	ssyncadd.s32 $0xFFFFA800  }
0x3ab: {  	[hbm4b:s16+s3] =	stream.linear.scatter [tilespmem:s15], [sflag:$0x7], $0x5800, $0x38;
	[tilespmem:$0x16100] =	vst v63  }
0x3ac: {  	_ =	swait.ge [sflag:s19], $0x5800  }
0x3ad: {  	[sflag:s19] =	ssyncset.done $0x0  }
0x3ae: {  	[sflag:s19] =	ssyncadd.s32 $0xFFFFA800  }
0x3af: {  	v2 =	vld.msk [tilespmem:$0xD0], $0xff;
	_ =	sdelay $0x4  }
0x3b0: {  	v3 =	vshrl.u32 v2, $0x3  }
0x3b1: {  	v3 =	vmul.u32 $0xB0, v3  }
0x3b2: {  	v2 =	vand.u32 $0x7, v2  }
0x3b3: {  	v2 =	vor.u32 v2, v3  }
0x3b4: {  	v2 =	vperm.xlane v2, v0;
	_ =	sdelay $0x1  }
0x3b5: {  	v2 =	vadd.s32 v1, v2;
	_ =	sdelay $0x4  }
0x3b6: {  	[tilespmem:s15], [sflag:$0x3] =	stream.indirect_vreg.gather [hbm4b:s1+s3], $0x80, v2, vm0, $0xb8;
	[tilespmem:$0x16100] =	vst v63  }
0x3b7: {  	s15 =	simm.s32 $0xB900  }
0x3b8: {  	[tilespmem:s15], [sflag:$0x3] =	stream.indirect_vreg.gather [hbm4b:s5+s3], $0x80, v2, vm0, $0xb8;
	[tilespmem:$0x16100] =	vst v63  }
0x3b9: {  	s23 =	simm.s32 $0xC100  }
0x3ba: {  	[tilespmem:s23], [sflag:$0x3] =	stream.indirect_vreg.gather [hbm4b:s6+s3], $0x80, v2, vm0, $0xb8;
	[tilespmem:$0x16100] =	vst v63  }
0x3bb: {  	s23 =	simm.s32 $0xC900  }
0x3bc: {  	[tilespmem:s23], [sflag:$0x3] =	stream.indirect_vreg.gather [hbm4b:s7+s3], $0x80, v2, vm0, $0xb8;
	[tilespmem:$0x16100] =	vst v63  }
0x3bd: {  	s23 =	simm.s32 $0xD100  }
0x3be: {  	[tilespmem:s23], [sflag:$0x3] =	stream.indirect_vreg.gather [hbm4b:s8+s3], $0x80, v2, vm0, $0xb8;
	[tilespmem:$0x16100] =	vst v63  }
0x3bf: {  	s23 =	simm.s32 $0xD900  }
0x3c0: {  	[tilespmem:s23], [sflag:$0x3] =	stream.indirect_vreg.gather [hbm4b:s9+s3], $0x80, v2, vm0, $0xb8;
	[tilespmem:$0x16100] =	vst v63  }
0x3c1: {  	s23 =	simm.s32 $0xE100  }
0x3c2: {  	[tilespmem:s23], [sflag:$0x3] =	stream.indirect_vreg.gather [hbm4b:s10+s3], $0x80, v2, vm0, $0xb8;
	[tilespmem:$0x16100] =	vst v63  }
0x3c3: {  	s23 =	simm.s32 $0xE900  }
0x3c4: {  	[tilespmem:s23], [sflag:$0x3] =	stream.indirect_vreg.gather [hbm4b:s11+s3], $0x80, v2, vm0, $0xb8;
	[tilespmem:$0x16100] =	vst v63  }
0x3c5: {  	s23 =	simm.s32 $0xF100  }
0x3c6: {  	[tilespmem:s23], [sflag:$0x3] =	stream.indirect_vreg.gather [hbm4b:s12+s3], $0x80, v2, vm0, $0xb8;
	[tilespmem:$0x16100] =	vst v63  }
0x3c7: {  	s23 =	simm.s32 $0xF900  }
0x3c8: {  	[tilespmem:s23], [sflag:$0x3] =	stream.indirect_vreg.gather [hbm4b:s13+s3], $0x80, v2, vm0, $0xb8;
	[tilespmem:$0x16100] =	vst v63  }
0x3c9: {  	s23 =	simm.s32 $0x10100  }
0x3ca: {  	[tilespmem:s23], [sflag:$0x3] =	stream.indirect_vreg.gather [hbm4b:s14+s3], $0x80, v2, vm0, $0xb8;
	[tilespmem:$0x16100] =	vst v63  }
0x3cb: {  	_ =	swait.ge [sflag:s20], $0x5800  }
0x3cc: {  	[sflag:s20] =	ssyncset.done $0x0  }
0x3cd: {  	s25 =	simm.s32 $0x10900;
	s23 =	rddreg [dreg:$0x1b];
	[sflag:s20] =	ssyncadd.s32 $0xFFFFA800  }
0x3ce: {  	[hbm4b:s23+s3] =	stream.linear.scatter [tilespmem:s25], [sflag:$0x8], $0x5800, $0x38;
	[tilespmem:$0x16100] =	vst v63  }
0x3cf: {  	_ =	swait.ge [sflag:s21], $0x5800  }
0x3d0: {  	[sflag:s21] =	ssyncset.done $0x0  }
0x3d1: {  	[sflag:s21] =	ssyncadd.s32 $0xFFFFA800  }
0x3d2: {  	v2 =	vld.msk [tilespmem:$0xD8], $0xff;
	_ =	sdelay $0x4  }
0x3d3: {  	v3 =	vshrl.u32 v2, $0x3  }
0x3d4: {  	v3 =	vmul.u32 $0xB0, v3  }
0x3d5: {  	v2 =	vand.u32 $0x7, v2  }
0x3d6: {  	v2 =	vor.u32 v2, v3  }
0x3d7: {  	v2 =	vperm.xlane v2, v0;
	_ =	sdelay $0x1  }
0x3d8: {  	v2 =	vadd.s32 v1, v2;
	_ =	sdelay $0x4  }
0x3d9: {  	[tilespmem:s25], [sflag:$0x4] =	stream.indirect_vreg.gather [hbm4b:s1+s3], $0x80, v2, vm0, $0xb8;
	[tilespmem:$0x16100] =	vst v63  }
0x3da: {  	s23 =	simm.s32 $0x11100  }
0x3db: {  	[tilespmem:s23], [sflag:$0x4] =	stream.indirect_vreg.gather [hbm4b:s5+s3], $0x80, v2, vm0, $0xb8;
	[tilespmem:$0x16100] =	vst v63  }
0x3dc: {  	s23 =	simm.s32 $0x11900  }
0x3dd: {  	[tilespmem:s23], [sflag:$0x4] =	stream.indirect_vreg.gather [hbm4b:s6+s3], $0x80, v2, vm0, $0xb8;
	[tilespmem:$0x16100] =	vst v63  }
0x3de: {  	s23 =	simm.s32 $0x12100  }
0x3df: {  	[tilespmem:s23], [sflag:$0x4] =	stream.indirect_vreg.gather [hbm4b:s7+s3], $0x80, v2, vm0, $0xb8;
	[tilespmem:$0x16100] =	vst v63  }
0x3e0: {  	s23 =	simm.s32 $0x12900  }
0x3e1: {  	[tilespmem:s23], [sflag:$0x4] =	stream.indirect_vreg.gather [hbm4b:s8+s3], $0x80, v2, vm0, $0xb8;
	[tilespmem:$0x16100] =	vst v63  }
0x3e2: {  	s23 =	simm.s32 $0x13100  }
0x3e3: {  	[tilespmem:s23], [sflag:$0x4] =	stream.indirect_vreg.gather [hbm4b:s9+s3], $0x80, v2, vm0, $0xb8;
	[tilespmem:$0x16100] =	vst v63  }
0x3e4: {  	s23 =	simm.s32 $0x13900  }
0x3e5: {  	[tilespmem:s23], [sflag:$0x4] =	stream.indirect_vreg.gather [hbm4b:s10+s3], $0x80, v2, vm0, $0xb8;
	[tilespmem:$0x16100] =	vst v63  }
0x3e6: {  	s23 =	simm.s32 $0x14100  }
0x3e7: {  	[tilespmem:s23], [sflag:$0x4] =	stream.indirect_vreg.gather [hbm4b:s11+s3], $0x80, v2, vm0, $0xb8;
	[tilespmem:$0x16100] =	vst v63  }
0x3e8: {  	s23 =	simm.s32 $0x14900  }
0x3e9: {  	[tilespmem:s23], [sflag:$0x4] =	stream.indirect_vreg.gather [hbm4b:s12+s3], $0x80, v2, vm0, $0xb8;
	[tilespmem:$0x16100] =	vst v63  }
0x3ea: {  	s23 =	simm.s32 $0x15100  }
0x3eb: {  	[tilespmem:s23], [sflag:$0x4] =	stream.indirect_vreg.gather [hbm4b:s13+s3], $0x80, v2, vm0, $0xb8;
	[tilespmem:$0x16100] =	vst v63  }
0x3ec: {  	s23 =	simm.s32 $0x15900  }
0x3ed: {  	[tilespmem:s23], [sflag:$0x4] =	stream.indirect_vreg.gather [hbm4b:s14+s3], $0x80, v2, vm0, $0xb8;
	[tilespmem:$0x16100] =	vst v63  }
0x3ee: {  	_ =	swait.ge [sflag:s26], $0x5800  }
0x3ef: {  	[sflag:s26] =	ssyncset.done $0x0  }
0x3f0: {  	s28 =	simm.s32 $0x100;
	s23 =	rddreg [dreg:$0x1c];
	[sflag:s26] =	ssyncadd.s32 $0xFFFFA800  }
0x3f1: {  	[hbm4b:s23+s3] =	stream.linear.scatter [tilespmem:s28], [sflag:$0x5], $0x5800, $0x38;
	[tilespmem:$0x16100] =	vst v63  }
0x3f2: {  	_ =	swait.ge [sflag:s2], $0x5800  }
0x3f3: {  	[sflag:s2] =	ssyncset.done $0x0  }
0x3f4: {  	[sflag:s2] =	ssyncadd.s32 $0xFFFFA800  }
0x3f5: {  	v2 =	vld.msk [tilespmem:$0xE0], $0xff;
	_ =	sdelay $0x4  }
0x3f6: {  	v3 =	vshrl.u32 v2, $0x3  }
0x3f7: {  	v3 =	vmul.u32 $0xB0, v3  }
0x3f8: {  	v2 =	vand.u32 $0x7, v2  }
0x3f9: {  	v2 =	vor.u32 v2, v3  }
0x3fa: {  	v2 =	vperm.xlane v2, v0;
	_ =	sdelay $0x1  }
0x3fb: {  	v2 =	vadd.s32 v1, v2;
	_ =	sdelay $0x4  }
0x3fc: {  	[tilespmem:s28], [sflag:$0x1] =	stream.indirect_vreg.gather [hbm4b:s1+s3], $0x80, v2, vm0, $0xb8;
	[tilespmem:$0x16100] =	vst v63  }
0x3fd: {  	s23 =	simm.s32 $0x900  }
0x3fe: {  	[tilespmem:s23], [sflag:$0x1] =	stream.indirect_vreg.gather [hbm4b:s5+s3], $0x80, v2, vm0, $0xb8;
	[tilespmem:$0x16100] =	vst v63  }
0x3ff: {  	s23 =	simm.s32 $0x1100  }
0x400: {  	[tilespmem:s23], [sflag:$0x1] =	stream.indirect_vreg.gather [hbm4b:s6+s3], $0x80, v2, vm0, $0xb8;
	[tilespmem:$0x16100] =	vst v63  }
0x401: {  	s23 =	simm.s32 $0x1900  }
0x402: {  	[tilespmem:s23], [sflag:$0x1] =	stream.indirect_vreg.gather [hbm4b:s7+s3], $0x80, v2, vm0, $0xb8;
	[tilespmem:$0x16100] =	vst v63  }
0x403: {  	s23 =	simm.s32 $0x2100  }
0x404: {  	[tilespmem:s23], [sflag:$0x1] =	stream.indirect_vreg.gather [hbm4b:s8+s3], $0x80, v2, vm0, $0xb8;
	[tilespmem:$0x16100] =	vst v63  }
0x405: {  	s23 =	simm.s32 $0x2900  }
0x406: {  	[tilespmem:s23], [sflag:$0x1] =	stream.indirect_vreg.gather [hbm4b:s9+s3], $0x80, v2, vm0, $0xb8;
	[tilespmem:$0x16100] =	vst v63  }
0x407: {  	s23 =	simm.s32 $0x3100  }
0x408: {  	[tilespmem:s23], [sflag:$0x1] =	stream.indirect_vreg.gather [hbm4b:s10+s3], $0x80, v2, vm0, $0xb8;
	[tilespmem:$0x16100] =	vst v63  }
0x409: {  	s23 =	simm.s32 $0x3900  }
0x40a: {  	[tilespmem:s23], [sflag:$0x1] =	stream.indirect_vreg.gather [hbm4b:s11+s3], $0x80, v2, vm0, $0xb8;
	[tilespmem:$0x16100] =	vst v63  }
0x40b: {  	s23 =	simm.s32 $0x4100  }
0x40c: {  	[tilespmem:s23], [sflag:$0x1] =	stream.indirect_vreg.gather [hbm4b:s12+s3], $0x80, v2, vm0, $0xb8;
	[tilespmem:$0x16100] =	vst v63  }
0x40d: {  	s23 =	simm.s32 $0x4900  }
0x40e: {  	[tilespmem:s23], [sflag:$0x1] =	stream.indirect_vreg.gather [hbm4b:s13+s3], $0x80, v2, vm0, $0xb8;
	[tilespmem:$0x16100] =	vst v63  }
0x40f: {  	s23 =	simm.s32 $0x5100  }
0x410: {  	[tilespmem:s23], [sflag:$0x1] =	stream.indirect_vreg.gather [hbm4b:s14+s3], $0x80, v2, vm0, $0xb8;
	[tilespmem:$0x16100] =	vst v63  }
0x411: {  	_ =	swait.ge [sflag:s0], $0x5800  }
0x412: {  	[sflag:s0] =	ssyncset.done $0x0  }
0x413: {  	s22 =	simm.s32 $0x5900;
	s23 =	rddreg [dreg:$0x1d];
	[sflag:s0] =	ssyncadd.s32 $0xFFFFA800  }
0x414: {  	[hbm4b:s23+s3] =	stream.linear.scatter [tilespmem:s22], [sflag:$0x6], $0x5800, $0x38;
	[tilespmem:$0x16100] =	vst v63  }
0x415: {  	_ =	swait.ge [sflag:s4], $0x5800  }
0x416: {  	[sflag:s4] =	ssyncset.done $0x0  }
0x417: {  	[sflag:s4] =	ssyncadd.s32 $0xFFFFA800  }
0x418: {  	v2 =	vld.msk [tilespmem:$0xE8], $0xff;
	_ =	sdelay $0x4  }
0x419: {  	v3 =	vshrl.u32 v2, $0x3  }
0x41a: {  	v3 =	vmul.u32 $0xB0, v3  }
0x41b: {  	v2 =	vand.u32 $0x7, v2  }
0x41c: {  	v2 =	vor.u32 v2, v3  }
0x41d: {  	v2 =	vperm.xlane v2, v0;
	_ =	sdelay $0x1  }
0x41e: {  	v2 =	vadd.s32 v1, v2;
	_ =	sdelay $0x4  }
0x41f: {  	[tilespmem:s22], [sflag:$0x2] =	stream.indirect_vreg.gather [hbm4b:s1+s3], $0x80, v2, vm0, $0xb8;
	[tilespmem:$0x16100] =	vst v63  }
0x420: {  	_ = 	snop  }
0x421: {  	[tilespmem:s17], [sflag:$0x2] =	stream.indirect_vreg.gather [hbm4b:s5+s3], $0x80, v2, vm0, $0xb8;
	[tilespmem:$0x16100] =	vst v63  }
0x422: {  	s23 =	simm.s32 $0x6900  }
0x423: {  	[tilespmem:s23], [sflag:$0x2] =	stream.indirect_vreg.gather [hbm4b:s6+s3], $0x80, v2, vm0, $0xb8;
	[tilespmem:$0x16100] =	vst v63  }
0x424: {  	s23 =	simm.s32 $0x7100  }
0x425: {  	[tilespmem:s23], [sflag:$0x2] =	stream.indirect_vreg.gather [hbm4b:s7+s3], $0x80, v2, vm0, $0xb8;
	[tilespmem:$0x16100] =	vst v63  }
0x426: {  	s23 =	simm.s32 $0x7900  }
0x427: {  	[tilespmem:s23], [sflag:$0x2] =	stream.indirect_vreg.gather [hbm4b:s8+s3], $0x80, v2, vm0, $0xb8;
	[tilespmem:$0x16100] =	vst v63  }
0x428: {  	s23 =	simm.s32 $0x8100  }
0x429: {  	[tilespmem:s23], [sflag:$0x2] =	stream.indirect_vreg.gather [hbm4b:s9+s3], $0x80, v2, vm0, $0xb8;
	[tilespmem:$0x16100] =	vst v63  }
0x42a: {  	s29 =	simm.s32 $0x8900  }
0x42b: {  	[tilespmem:s29], [sflag:$0x2] =	stream.indirect_vreg.gather [hbm4b:s10+s3], $0x80, v2, vm0, $0xb8;
	[tilespmem:$0x16100] =	vst v63  }
0x42c: {  	s30 =	simm.s32 $0x9100  }
0x42d: {  	[tilespmem:s30], [sflag:$0x2] =	stream.indirect_vreg.gather [hbm4b:s11+s3], $0x80, v2, vm0, $0xb8;
	[tilespmem:$0x16100] =	vst v63  }
0x42e: {  	s31 =	simm.s32 $0x9900  }
0x42f: {  	[tilespmem:s31], [sflag:$0x2] =	stream.indirect_vreg.gather [hbm4b:s12+s3], $0x80, v2, vm0, $0xb8;
	[tilespmem:$0x16100] =	vst v63  }
0x430: {  	s23 =	simm.s32 $0xA100  }
0x431: {  	[tilespmem:s23], [sflag:$0x2] =	stream.indirect_vreg.gather [hbm4b:s13+s3], $0x80, v2, vm0, $0xb8;
	[tilespmem:$0x16100] =	vst v63  }
0x432: {  	s24 =	simm.s32 $0xA900  }
0x433: {  	[tilespmem:s24], [sflag:$0x2] =	stream.indirect_vreg.gather [hbm4b:s14+s3], $0x80, v2, vm0, $0xb8;
	[tilespmem:$0x16100] =	vst v63  }
0x434: {  	_ =	swait.ge [sflag:s18], $0x5800  }
0x435: {  	[sflag:s18] =	ssyncset.done $0x0  }
0x436: {  	s16 =	simm.s32 $0xB100;
	s24 =	rddreg [dreg:$0x1e];
	[sflag:s18] =	ssyncadd.s32 $0xFFFFA800  }
0x437: {  	[hbm4b:s24+s3] =	stream.linear.scatter [tilespmem:s16], [sflag:$0x7], $0x5800, $0x38;
	[tilespmem:$0x16100] =	vst v63  }
0x438: {  	_ =	swait.ge [sflag:s19], $0x5800  }
0x439: {  	[sflag:s19] =	ssyncset.done $0x0  }
0x43a: {  	[sflag:s19] =	ssyncadd.s32 $0xFFFFA800  }
0x43b: {  	v2 =	vld.msk [tilespmem:$0xF0], $0xff;
	_ =	sdelay $0x4  }
0x43c: {  	v3 =	vshrl.u32 v2, $0x3  }
0x43d: {  	v3 =	vmul.u32 $0xB0, v3  }
0x43e: {  	v2 =	vand.u32 $0x7, v2  }
0x43f: {  	v2 =	vor.u32 v2, v3  }
0x440: {  	v2 =	vperm.xlane v2, v0;
	_ =	sdelay $0x1  }
0x441: {  	v2 =	vadd.s32 v1, v2;
	_ =	sdelay $0x4  }
0x442: {  	[tilespmem:s16], [sflag:$0x3] =	stream.indirect_vreg.gather [hbm4b:s1+s3], $0x80, v2, vm0, $0xb8;
	[tilespmem:$0x16100] =	vst v63  }
0x443: {  	_ = 	snop  }
0x444: {  	[tilespmem:s15], [sflag:$0x3] =	stream.indirect_vreg.gather [hbm4b:s5+s3], $0x80, v2, vm0, $0xb8;
	[tilespmem:$0x16100] =	vst v63  }
0x445: {  	s29 =	simm.s32 $0xC100  }
0x446: {  	[tilespmem:s29], [sflag:$0x3] =	stream.indirect_vreg.gather [hbm4b:s6+s3], $0x80, v2, vm0, $0xb8;
	[tilespmem:$0x16100] =	vst v63  }
0x447: {  	s30 =	simm.s32 $0xC900  }
0x448: {  	[tilespmem:s30], [sflag:$0x3] =	stream.indirect_vreg.gather [hbm4b:s7+s3], $0x80, v2, vm0, $0xb8;
	[tilespmem:$0x16100] =	vst v63  }
0x449: {  	s31 =	simm.s32 $0xD100  }
0x44a: {  	[tilespmem:s31], [sflag:$0x3] =	stream.indirect_vreg.gather [hbm4b:s8+s3], $0x80, v2, vm0, $0xb8;
	[tilespmem:$0x16100] =	vst v63  }
0x44b: {  	s17 =	simm.s32 $0xD900  }
0x44c: {  	[tilespmem:s17], [sflag:$0x3] =	stream.indirect_vreg.gather [hbm4b:s9+s3], $0x80, v2, vm0, $0xb8;
	[tilespmem:$0x16100] =	vst v63  }
0x44d: {  	s23 =	simm.s32 $0xE100  }
0x44e: {  	[tilespmem:s23], [sflag:$0x3] =	stream.indirect_vreg.gather [hbm4b:s10+s3], $0x80, v2, vm0, $0xb8;
	[tilespmem:$0x16100] =	vst v63  }
0x44f: {  	s24 =	simm.s32 $0xE900  }
0x450: {  	[tilespmem:s24], [sflag:$0x3] =	stream.indirect_vreg.gather [hbm4b:s11+s3], $0x80, v2, vm0, $0xb8;
	[tilespmem:$0x16100] =	vst v63  }
0x451: {  	s29 =	simm.s32 $0xF100  }
0x452: {  	[tilespmem:s29], [sflag:$0x3] =	stream.indirect_vreg.gather [hbm4b:s12+s3], $0x80, v2, vm0, $0xb8;
	[tilespmem:$0x16100] =	vst v63  }
0x453: {  	s30 =	simm.s32 $0xF900  }
0x454: {  	[tilespmem:s30], [sflag:$0x3] =	stream.indirect_vreg.gather [hbm4b:s13+s3], $0x80, v2, vm0, $0xb8;
	[tilespmem:$0x16100] =	vst v63  }
0x455: {  	s31 =	simm.s32 $0x10100  }
0x456: {  	[tilespmem:s31], [sflag:$0x3] =	stream.indirect_vreg.gather [hbm4b:s14+s3], $0x80, v2, vm0, $0xb8;
	[tilespmem:$0x16100] =	vst v63  }
0x457: {  	_ =	swait.ge [sflag:s20], $0x5800  }
0x458: {  	[sflag:s20] =	ssyncset.done $0x0  }
0x459: {  	s17 =	rddreg [dreg:$0x1f];
	[sflag:s20] =	ssyncadd.s32 $0xFFFFA800  }
0x45a: {  	[hbm4b:s17+s3] =	stream.linear.scatter [tilespmem:s25], [sflag:$0x8], $0x5800, $0x38;
	[tilespmem:$0x16100] =	vst v63  }
0x45b: {  	_ =	swait.ge [sflag:s21], $0x5800  }
0x45c: {  	[sflag:s21] =	ssyncset.done $0x0  }
0x45d: {  	[sflag:s21] =	ssyncadd.s32 $0xFFFFA800  }
0x45e: {  	v2 =	vld.msk [tilespmem:$0xF8], $0xff;
	_ =	sdelay $0x4  }
0x45f: {  	v3 =	vshrl.u32 v2, $0x3  }
0x460: {  	v3 =	vmul.u32 $0xB0, v3  }
0x461: {  	v2 =	vand.u32 $0x7, v2  }
0x462: {  	v2 =	vor.u32 v2, v3  }
0x463: {  	v2 =	vperm.xlane v2, v0;
	_ =	sdelay $0x1  }
0x464: {  	v2 =	vadd.s32 v1, v2;
	_ =	sdelay $0x4  }
0x465: {  	[tilespmem:s25], [sflag:$0x4] =	stream.indirect_vreg.gather [hbm4b:s1+s3], $0x80, v2, vm0, $0xb8;
	[tilespmem:$0x16100] =	vst v63  }
0x466: {  	s24 =	simm.s32 $0x11100  }
0x467: {  	[tilespmem:s24], [sflag:$0x4] =	stream.indirect_vreg.gather [hbm4b:s5+s3], $0x80, v2, vm0, $0xb8;
	[tilespmem:$0x16100] =	vst v63  }
0x468: {  	s29 =	simm.s32 $0x11900  }
0x469: {  	[tilespmem:s29], [sflag:$0x4] =	stream.indirect_vreg.gather [hbm4b:s6+s3], $0x80, v2, vm0, $0xb8;
	[tilespmem:$0x16100] =	vst v63  }
0x46a: {  	s30 =	simm.s32 $0x12100  }
0x46b: {  	[tilespmem:s30], [sflag:$0x4] =	stream.indirect_vreg.gather [hbm4b:s7+s3], $0x80, v2, vm0, $0xb8;
	[tilespmem:$0x16100] =	vst v63  }
0x46c: {  	s31 =	simm.s32 $0x12900  }
0x46d: {  	[tilespmem:s31], [sflag:$0x4] =	stream.indirect_vreg.gather [hbm4b:s8+s3], $0x80, v2, vm0, $0xb8;
	[tilespmem:$0x16100] =	vst v63  }
0x46e: {  	s23 =	simm.s32 $0x13100  }
0x46f: {  	[tilespmem:s23], [sflag:$0x4] =	stream.indirect_vreg.gather [hbm4b:s9+s3], $0x80, v2, vm0, $0xb8;
	[tilespmem:$0x16100] =	vst v63  }
0x470: {  	s24 =	simm.s32 $0x13900  }
0x471: {  	[tilespmem:s24], [sflag:$0x4] =	stream.indirect_vreg.gather [hbm4b:s10+s3], $0x80, v2, vm0, $0xb8;
	[tilespmem:$0x16100] =	vst v63  }
0x472: {  	s29 =	simm.s32 $0x14100  }
0x473: {  	[tilespmem:s29], [sflag:$0x4] =	stream.indirect_vreg.gather [hbm4b:s11+s3], $0x80, v2, vm0, $0xb8;
	[tilespmem:$0x16100] =	vst v63  }
0x474: {  	s30 =	simm.s32 $0x14900  }
0x475: {  	[tilespmem:s30], [sflag:$0x4] =	stream.indirect_vreg.gather [hbm4b:s12+s3], $0x80, v2, vm0, $0xb8;
	[tilespmem:$0x16100] =	vst v63  }
0x476: {  	s31 =	simm.s32 $0x15100  }
0x477: {  	[tilespmem:s31], [sflag:$0x4] =	stream.indirect_vreg.gather [hbm4b:s13+s3], $0x80, v2, vm0, $0xb8;
	[tilespmem:$0x16100] =	vst v63  }
0x478: {  	s23 =	simm.s32 $0x15900  }
0x479: {  	[tilespmem:s23], [sflag:$0x4] =	stream.indirect_vreg.gather [hbm4b:s14+s3], $0x80, v2, vm0, $0xb8;
	[tilespmem:$0x16100] =	vst v63  }
0x47a: {  	s15 =	sld [smem:$0x7F8];
	_ =	swait.ge [sflag:s26], $0x5800  }
0x47b: {  	s24 =	sld [smem:$0x7FA]  }
0x47c: {  	[sflag:s26] =	ssyncset.done $0x0  }
0x47d: {  	[sflag:s26] =	ssyncadd.s32 $0xFFFFA800  }
0x47e: {  	[hbm4b:s24+s3] =	stream.linear.scatter [tilespmem:s28], [sflag:$0x5], $0x5800, $0x38;
	[tilespmem:$0x16100] =	vst v63  }
0x47f: {  	_ =	swait.ge [sflag:s0], $0x5800  }
0x480: {  	s29 =	sld [smem:$0x7FB]  }
0x481: {  	[sflag:s0] =	ssyncset.done $0x0  }
0x482: {  	[sflag:s0] =	ssyncadd.s32 $0xFFFFA800  }
0x483: {  	[hbm4b:s29+s3] =	stream.linear.scatter [tilespmem:s22], [sflag:$0x6], $0x5800, $0x38;
	[tilespmem:$0x16100] =	vst v63  }
0x484: {  	_ =	swait.ge [sflag:s18], $0x5800  }
0x485: {  	s30 =	sld [smem:$0x7FC]  }
0x486: {  	[sflag:s18] =	ssyncset.done $0x0  }
0x487: {  	[sflag:s18] =	ssyncadd.s32 $0xFFFFA800  }
0x488: {  	[hbm4b:s30+s3] =	stream.linear.scatter [tilespmem:s16], [sflag:$0x7], $0x5800, $0x38;
	[tilespmem:$0x16100] =	vst v63  }
0x489: {  	_ =	swait.ge [sflag:s20], $0x5800  }
0x48a: {  	s31 =	sld [smem:$0x7FD]  }
0x48b: {  	[sflag:s20] =	ssyncset.done $0x0  }
0x48c: {  	[sflag:s20] =	ssyncadd.s32 $0xFFFFA800  }
0x48d: {  	[hbm4b:s31+s3] =	stream.linear.scatter [tilespmem:s25], [sflag:$0x8], $0x5800, $0x38;
	[tilespmem:$0x16100] =	vst v63  }
0x48e: {  	_ =	swait.ge [sflag:s2], $0x5800  }
0x48f: {  	[sflag:s2] =	ssyncset.done $0x0  }
0x490: {  	[sflag:s2] =	ssyncadd.s32 $0xFFFFA800  }
0x491: {  	_ =	swait.ge [sflag:s4], $0x5800  }
0x492: {  	[sflag:s4] =	ssyncset.done $0x0  }
0x493: {  	[sflag:s4] =	ssyncadd.s32 $0xFFFFA800  }
0x494: {  	p0 =	sne.s32 s15, $0x1;
	_ =	swait.ge [sflag:s19], $0x5800  }
.Ltmp0:
0x495: {  	[sflag:s19] =	ssyncset.done $0x0;
	(pc) =	sbr.rel @p0 .LBB2_1-.Ltmp0, $4  }
0x496: {  	[sflag:s19] =	ssyncadd.s32 $0xFFFFA800  }
0x497: {  	_ =	swait.ge [sflag:s21], $0x5800  }
0x498: {  	[sflag:s21] =	ssyncset.done $0x0  }
0x499: {  	s15 =	sadd.s32 $0xFFFFFFFF, s15;
	[sflag:s21] =	ssyncadd.s32 $0xFFFFA800  }
0x49a: {  	_ =	sfence.sel $0x180000  }
0x49b: {  	[bflag:$0x0] =	sbarrier.arrive $0xFFFF  }
0x49c: {  	_ =	strace $0x90000047  }
0x49d: {  	s0 =	stileid.u32;
	[bflag:$0x2] =	sbarrier.arrive $0xFFFF  }
0x49e: {  	p0 =	sne.s32 s0, $0x0;
	s0 =	rddreg [dreg:$0x3]  }
0x49f: {  	s0 =	sadd.s32 @!p0 $0x100000, s0  }
0x4a0: {  	[sflag:s0] =	ssyncadd.tile.s32 @!p0 $0x1;
	_ =	shalt  }
.Lfunc_end2:
_tile_overlayer_lowered:
.L_overlay_start_2:
0x4a1: {  	(tag) =	ssettag $0x2  }
0x4a2: {  	s0 =	rddreg [dreg:$0x0];
	s2 =	stileid.u32  }
0x4a3: {  	s1 =	rddreg [dreg:$0x1];
	p0 =	sne.s32 s2, $0x0  }
0x4a4: {  	s3 =	rddreg [dreg:$0x2];
	[bflag:$0x3] =	sbarrier.arrive $0xFFFF;
	s2 =	simm.s32 @!p0 $0x1C09  }
0x4a5: {  	[timem:s3], [sflag:s2] =	dma.local @!p0 [hbm:s0], s1  }
0x4a6: {  	s0 =	simm.s32 @!p0 $0x9  }
0x4a7: {  	_ =	swait.ge @!p0 [sflag:s0], s1  }
0x4a8: {  	s1 =	ssub.s32 @!p0 $0x0, s1;
	[sflag:s0] =	ssyncset.done @!p0 $0x0  }
0x4a9: {  	[sflag:s0] =	ssyncadd.s32 @!p0 s1  }
0x4aa: {  	[bflag:$0x3] =	sbarrier.arrive $0xFFFF  }
0x4ab: {  	_ =	shalt  }

// kernel: sparse-core-data-format-call.cloned.1.call-start
scs
called_computation_lowered:
.L_overlay_start_0:
0x0: {  	s2 =	sld [smem:$0x3FD9]  }
0x1: {  	s3 =	sld [smem:$0x3FFE];
	_ =	sdelay $0x1  }
0x2: {  	s1 =	srdreg.scid  }
0x3: {  	s0 =	sand.u32 $0x1, s1  }
0x4: {  	s15 =	sshll.u32 s0, $0xA;
	s2 =	sadd.s32 s3, s2  }
0x5: {  	s2 =	sadd.s32 s2, s15  }
0x6: {  	[smem:$0x3FC4] =	sst s2  }
0x7: {  	_ = 	snop  }
0x8: {  	s2 =	sld [smem:$0x3FD0];
	_ =	sdelay $0x2  }
0x9: {  	s16 =	simm.s32 $0xA;
	s4 =	simm.s32 $0x10  }
0xa: {  	[smem:s4], [sflag:s16] =	dma.local [hbm:s2], $0x1  }
0xb: {  	_ =	swait.eq [sflag:s16], $0x1  }
0xc: {  	[sflag:s16] =	ssyncset.done $0x0  }
0xd: {  	[sflag:s16] =	ssyncadd.s32 $0xFFFFFFFF  }
0xe: {  	s17 =	sld [smem:$0x10];
	(tm) =	ssettm $0x1  }
0xf: {  	s18 =	sld [smem:$0x3FFB];
	_ =	sdelay $0x3  }
0x10: {  	_ =	strace s18  }
0x11: {  	s3 =	sld [smem:$0x3FFC];
	_ =	sdelay $0x3  }
0x12: {  	_ =	strace s3  }
0x13: {  	s3 =	sld [smem:$0x3FFD];
	_ =	sdelay $0x3  }
0x14: {  	_ =	strace s3  }
0x15: {  	_ =	strace $0x8FFFFFFF  }
0x16: {  	s19 =	sld [smem:$0x3FDB];
	_ =	sdelay $0x1  }
0x17: {  	s20 =	simm.s32 $_scs_section_size  }
0x18: {  	s5 =	simm.s32 $_size__tile_overlayer_lowered;
	s6 =	simm.s32 $_tile_overlayer_lowered  }
0x19: {  	s23 =	simm.s32 $0x1BFF;
	s22 =	sshll.u32 s6, $0x1;
	s3 =	sadd.s32 s20, s19  }
0x1a: {  	s7 =	simm.s32 $0x0;
	s21 =	sshll.u32 s5, $0x1;
	s5 =	sadd.s32 s22, s3  }
0x1b: {  	[timem:s7], [sflag:s23] =	dma.local [hbm:s5], s21  }
0x1c: {  	_ =	swait.ge [sflag:s23], s21  }
0x1d: {  	s4 =	ssub.s32 $0x0, s21;
	[sflag:s23] =	ssyncset.done $0x0  }
0x1e: {  	[sflag:s23] =	ssyncadd.s32 s4;
	_ =	sdelay $0x1  }
0x1f: {  	s24 =	simm.s32 $0x1B8B  }
0x20: {  	_ =	swait.ge [sflag:s24], $0x1  }
0x21: {  	[sflag:s24] =	ssyncset.done $0x0  }
0x22: {  	s26 =	simm.s32 $0x1B8E;
	s25 =	sld [smem:$0x3FFE];
	[sflag:s24] =	ssyncadd.s32 $0xFFFFFFFF  }
0x23: {  	s27 =	simm.s32 $execute0_lowered;
	[smem:$0x3FD2] =	sst s26  }
0x24: {  	s5 =	sshll.u32 s27, $0x1;
	_ =	strace $0x80000049;
	[dreg:$0x1] =	wrdreg $0xFFFFFFFF  }
0x25: {  	s28 =	simm.s32 $_size_execute0_lowered;
	s3 =	sadd.s32 s3, s5;
	[dreg:$0x0] =	wrdreg $0x0  }
0x26: {  	s5 =	sshll.u32 s28, $0x1;
	[dreg:$0x2] =	wrdreg s3  }
0x27: {  	[dreg:$0x3] =	wrdreg s5  }
0x28: {  	[dreg:$0x4] =	wrdreg $0xC0  }
0x29: {  	_ =	task [dreg:s7], $0x5FFFF  }
0x2a: {  	[dreg:$0x1] =	wrdreg $0xFFFFFFFF  }
0x2b: {  	[dreg:$0x0] =	wrdreg $0x60  }
0x2c: {  	[dreg:$0x2] =	wrdreg s25  }
0x2d: {  	[dreg:$0x3] =	wrdreg s17  }
0x2e: {  	[dreg:$0x4] =	wrdreg $0x9  }
0x2f: {  	_ =	task.clear_ibuf [dreg:s7], $0x5FFFF;
	_ =	strace $0x90000049  }
0x30: {  	s29 =	simm.s32 $0x9;
	_ =	strace $0x8000004B  }
0x31: {  	_ =	swait.ge [sflag:s29], $0x1  }
0x32: {  	[sflag:s29] =	ssyncadd.s32 $0xFFFFFFFF  }
0x33: {  	_ =	strace $0x9000004B  }
0x34: {  	_ =	sfence  }
0x35: {  	s30 =	sld [smem:$0x0];
	_ =	sdelay $0x2  }
0x36: {  	s31 =	sshll.u32 s1, $0xD;
	s1 =	sshrl.u32 s1, $0x2  }
0x37: {  	s3 =	sand.u32 $0x4000, s31;
	s1 =	sadd.s32 s1, s30  }
0x38: {  	s0 =	sor.u32 s3, s0;
	s1 =	sshll.u32 s1, $0x11  }
0x39: {  	s0 =	sor.u32 s1, s0  }
0x3a: {  	s0 =	sadd.s32 $0x8F2B, s0  }
0x3b: {  	[sflag:s0] =	ssyncadd.remote.s32 $0x1  }
0x3c: {  	_ =	sfence.sel $0xFFFF  }
0x3d: {  	[dreg:$0x0] =	wrdreg $0xFFFFFFFF;
	(pc) =	sbr.abs _section_cstart, $3  }
0x3e: {  	[dreg:$0x1] =	wrdreg $0xFFFFFFFF  }
0x3f: {  	_ =	task.clear_ibuf [dreg:s7], $0x2FFFF;
	_ =	strace $0x9FFFFFFF  }
0x40: {  	(tm) =	ssettm $0x7FFFFFFF  }
0x41: {  	_ =	shalt  }
tec
execute0_lowered:
.L_overlay_start_1:
0x0: {  	(tag) =	ssettag $0x1  }
0x1: {  	s1 =	rddreg [dreg:$0x0]  }
0x2: {  	s2 =	rddreg [dreg:$0x1]  }
0x3: {  	s0 =	rddreg [dreg:$0x2]  }
0x4: {  	s4 =	srdreg.scid;
	_ =	strace $0x8000004A;
	s6 =	simm.s32 $0x2  }
0x5: {  	s15 =	simm.s32 $0x0;
	p0 =	por $0x0, $0x0;
	s14 =	simm.s32 $0x0  }
0x6: {  	s16 =	simm.s32 $0x0;
	s7 =	simm.s32 $0x0;
	s9 =	simm.s32 $0x0  }
.Ltmp0:
0x7: {  	s10 =	simm.s32 $0x0;
	s11 =	simm.s32 $0x0;
	(pc) =	sbr.rel .LBB1_1-.Ltmp0, $4  }
0x8: {  	s12 =	simm.s32 $0x0;
	s3 =	sadd.s32 $0x1400, s1;
	s4 =	sshll.u32 s4, $0x4  }
0x9: {  	s1 =	stileid.u32;
	s5 =	sand.u32 $0x10, s4;
	s4 =	simm.s32 $0x1  }
0xa: {  	s8 =	simm.s32 $0x0;
	s5 =	sor.u32 s1, s5;
	[sflag:s4] =	ssyncpa.u1 $0x0  }
0xb: {  	[sflag:s6] =	ssyncpa.u1 $0x0;
	s6 =	simm.s32 $0x2000;
	s13 =	smov.u32 s5  }
.LBB1_5:
0xc: {  	p1 =	slt.u32 s8, $0x2;
	s17 =	smov.u32 s16;
	s19 =	smov.u32 s15  }
0xd: {  	p2 =	sgt.s32 @!p1 s15, $0xA0C;
	p3 =	sgt.s32 @!p1 s16, $0x3F;
	s18 =	sshra.s32 @!p1 s16, $0x1F  }
0xe: {  	p3 =	por !p3, p1;
	s16 =	sand.u32 @!p1 s18, s16;
	s18 =	sshra.s32 @!p1 s15, $0x1F  }
0xf: {  	p2 =	por !p2, p1;
	s17 =	simm.s32 @p3 $0x3F;
	s15 =	sand.u32 @!p1 s18, s15  }
0x10: {  	s19 =	simm.s32 @p2 $0xA0C;
	s18 =	ssub.s32 @!p1 $0x0, s14;
	s16 =	ssub.s32 @!p1 s17, s16  }
0x11: {  	s15 =	ssub.s32 @!p1 s19, s15;
	s14 =	smin.u32 @!p1 s14, s18;
	s17 =	sadd.s32 @!p1 $0xFFFFFFC1, s16  }
0x12: {  	s18 =	smov.u32 s12;
	s16 =	ssub.s32 @!p1 $0x40, s16;
	p2 =	sgt.s32 @!p1 s17, $0x0  }
0x13: {  	p3 =	sgt.s32 @!p1 s14, $0x7F;
	s14 =	ssub.s32 @!p1 $0x80, s14;
	p2 =	por !p2, p1  }
0x14: {  	s17 =	sadd.s32 @!p1 $0xFFFFF5F4, s15;
	s16 =	simm.s32 @!p2 $0x0;
	p2 =	por !p3, p1  }
0x15: {  	s15 =	ssub.s32 @!p1 $0xA8C, s15;
	p3 =	sgt.s32 @!p1 s17, $0x7F;
	s14 =	simm.s32 @!p2 $0x0  }
0x16: {  	s17 =	sadd.s32 $0x80, s11;
	p2 =	por !p3, p1;
	s14 =	smul.u32 @!p1 s16, s14  }
0x17: {  	s15 =	simm.s32 @!p2 $0x0;
	p2 =	sgt.s32 s17, $0xA8B;
	s16 =	sadd.s32 $0x80, s12  }
0x18: {  	s19 =	smov.u32 s13;
	s18 =	smov.u32 @p2 s16  }
0x19: {  	s14 =	smul.u32 @!p1 s15, s14;
	p3 =	sgt.s32 s18, $0x7F;
	s15 =	sadd.s32 $0x20, s13  }
0x1a: {  	s8 =	sadd.s32 $0x1, s8;
	p0 =	por !p0, !p0;
	s19 =	smov.u32 @p3 s15  }
0x1b: {  	s20 =	simm.s32 @!p1 $0x2;
	s17 =	simm.s32 @p2 $0x0;
	p2 =	sgt.s32 s19, $0x3F  }
0x1c: {  	s16 =	smov.u32 s10;
	s19 =	smov.u32 @p2 s5;
	p2 =	sne.s32 s8, $0x2E  }
.Ltmp1:
0x1d: {  	s10 =	smov.u32 s13;
	s18 =	simm.s32 @p3 $0x0;
	(pc) =	sbr.rel @!p2 .LBB1_6-.Ltmp1, $4  }
0x1e: {  	s15 =	smov.u32 s7;
	s7 =	smov.u32 s11;
	s14 =	sand.u32 @!p1 $0x3FFFFFFF, s14  }
0x1f: {  	s11 =	smov.u32 s17;
	_ =	swait.ge @!p1 [sflag:s20], s14;
	s21 =	ssub.s32 @!p1 $0x0, s14  }
0x20: {  	s14 =	smov.u32 s9;
	s9 =	smov.u32 s12;
	[sflag:s20] =	ssyncset.done @!p1 $0x0  }
0x21: {  	s12 =	smov.u32 s18;
	s13 =	smov.u32 s19;
	[sflag:s20] =	ssyncadd.s32 @!p1 s21  }
.LBB1_1:
0x22: {  	p1 =	sgt.u32 s8, $0x2B  }
0x23: {  	s17 =	sshrl.u32 @!p1 s12, $0x3  }
0x24: {  	s18 =	sshll.u32 @!p1 s11, $0x3;
	s17 =	smul.u32 @!p1 $0x5800, s17  }
0x25: {  	s19 =	sshll.u32 @!p1 s12, $0x7;
	s18 =	sand.u32 @!p1 $0xFFFFFC00, s18  }
0x26: {  	s17 =	sadd.s32 @!p1 s17, s18;
	s18 =	sand.u32 @!p1 $0x380, s19  }
0x27: {  	s19 =	sand.u32 @!p1 $0x7F, s11;
	s17 =	sor.u32 @!p1 s18, s17  }
0x28: {  	s18 =	sor.u32 @!p1 s19, s17  }
0x29: {  	s19 =	smulhi.u32 @!p1 $0xBA2E8BA3, s18  }
0x2a: {  	s17 =	smulhi.u32 @!p1 $0xBA2E8BA3, s17  }
0x2b: {  	s19 =	sshrl.u32 @!p1 s19, $0xB  }
0x2c: {  	s17 =	sshrl.u32 @!p1 s17, $0xB;
	s19 =	smul.u32 @!p1 $0xB00, s19  }
0x2d: {  	s20 =	sxor.u32 @!p1 $0xFFFFFFFF, s8;
	s21 =	smul.u32 @!p1 $0xB000, s13;
	s17 =	sand.u32 @!p1 $0x7F, s17  }
0x2e: {  	s20 =	sshll.u32 @!p1 s20, $0xE;
	s17 =	smul.u32 @!p1 $0x160, s17;
	s18 =	ssub.s32 @!p1 s18, s19  }
0x2f: {  	s19 =	sand.u32 @!p1 $0x4000, s20;
	s20 =	sadd.s32 @!p1 s3, s21;
	s21 =	sand.u32 @!p1 $0x7, s18  }
0x30: {  	s18 =	sshrl.u32 @!p1 s18, $0x3;
	s17 =	sadd.s32 @!p1 s17, s20;
	s20 =	sshll.u32 @!p1 s21, $0x12  }
0x31: {  	s17 =	sadd.s32 @!p1 s18, s17;
	s18 =	sor.u32 @!p1 $0x400, s20;
	s20 =	simm.s32 @!p1 $0x5800  }
0x32: {  	[tilespmem:s19], [sflag:$0x1] =	stream.strided.gather @!p1 [hbm4b:s17+s18], $0x4000, s20, s18, $0x38;
	[tilespmem:$0x10100] =	vst v63  }
0x33: {  	p1 =	seq.s32 s8, $0x0  }
0x34: {  	p2 =	seq.s32 @!p1 s8, $0x2D  }
0x35: {  	p1 =	por p1, p2  }
.Ltmp2:
0x36: {  	_ = 	snop;
	(pc) =	sbr.rel @p1 .LBB1_5-.Ltmp2, $1  }
0x37: {  	_ =	sdelay $0x3  }
0x38: {  	s17 =	simm.s32 $0x1  }
0x39: {  	_ =	swait.ge [sflag:s4], $0x4000;
	s17 =	simm.s32 @!p0 $0x0  }
0x3a: {  	[sflag:s4] =	ssyncset.done $0x0;
	s18 =	sshll.u32 s17, $0xE  }
0x3b: {  	[sflag:s4] =	ssyncadd.s32 $0xFFFFC000;
	s18 =	sor.u32 $0x40, s18  }
0x3c: {  	s17 =	smul.u32 $0x10200, s17;
	v0 =	vld [tilespmem:s18+$0x30]  }
0x3d: {  	v1 =	vld [tilespmem:s18+$0xFFFFFFD0]  }
0x3e: {  	s17 =	sshrl.u32 s17, $0x2;
	v5 =	vld [tilespmem:s18+$0xFFFFFFE0]  }
0x3f: {  	v6 =	vld [tilespmem:s18+$0xFFFFFFF0];
	s20 =	sor.u32 $0x8000, s17  }
0x40: {  	s31 =	sand.u32 $0x1, s8;
	v4 =	vld [tilespmem:s18+$0x0];
	s19 =	sadd.s32 $0x0, s20  }
0x41: {  	v3 =	vld [tilespmem:s18+$0x10];
	s17 =	smul.u32 $0x10200, s31;
	[tilespmem:s19+$0x3870 ss:$0x81] =	vst.msk $0xffff, v0  }
0x42: {  	v2 =	vld [tilespmem:s18+$0x20];
	[tilespmem:s19+$0x810 ss:$0x81] =	vst.msk $0xffff, v1  }
0x43: {  	s17 =	sshrl.u32 s17, $0x2;
	v1 =	vld [tilespmem:s18+$0xFFFFFFC0];
	[tilespmem:s19+$0x1020 ss:$0x81] =	vst.msk $0xffff, v5;
	s18 =	sadd.s32 $0x80, s18  }
0x44: {  	s21 =	simm.s32 $0x4;
	s22 =	simm.s32 $0x8;
	s17 =	sor.u32 $0x8000, s17;
	[tilespmem:s19+$0x1830 ss:$0x81] =	vst.msk $0xffff, v6;
	v0 =	vld [tilespmem:s18+$0x30]  }
.LBB1_3:
0x45: {  	p1 =	sne.s32 s22, $0x1FC;
	v5 =	vld [tilespmem:s18+$0xFFFFFFD0];
	[tilespmem:s19+$0x2040 ss:$0x81] =	vst.msk $0xffff, v4  }
0x46: {  	v6 =	vld [tilespmem:s18+$0xFFFFFFE0];
	[tilespmem:s19+$0x2850 ss:$0x81] =	vst.msk $0xffff, v3  }
0x47: {  	s23 =	sshra.s32 s21, $0x2;
	s21 =	smov.u32 s22;
	v7 =	vld [tilespmem:s18+$0xFFFFFFF0];
	[tilespmem:s19+$0x3060 ss:$0x81] =	vst.msk $0xffff, v2  }
.Ltmp3:
0x48: {  	v4 =	vld [tilespmem:s18+$0x0];
	[tilespmem:s19+$0x0 ss:$0x81] =	vst.msk $0xffff, v1;
	s19 =	sadd.s32 s23, s20;
	(pc) =	sbr.rel @p1 .LBB1_3-.Ltmp3, $4  }
0x49: {  	v3 =	vld [tilespmem:s18+$0x10];
	[tilespmem:s19+$0x3870 ss:$0x81] =	vst.msk $0xffff, v0  }
0x4a: {  	[tilespmem:s19+$0x810 ss:$0x81] =	vst.msk $0xffff, v5;
	v2 =	vld [tilespmem:s18+$0x20]  }
0x4b: {  	v1 =	vld [tilespmem:s18+$0xFFFFFFC0];
	[tilespmem:s19+$0x1020 ss:$0x81] =	vst.msk $0xffff, v6;
	s18 =	sadd.s32 $0x80, s18  }
0x4c: {  	s22 =	sadd.s32 $0x4, s22;
	v0 =	vld [tilespmem:s18+$0x30];
	[tilespmem:s19+$0x1830 ss:$0x81] =	vst.msk $0xffff, v7  }
0x4d: {  	s21 =	sshra.s32 s21, $0x2  }
0x4e: {  	s22 =	sshll.u32 s10, $0x7;
	s23 =	sshll.u32 s9, $0x3;
	p1 =	sgt.s32 s10, $0x3F  }
0x4f: {  	s24 =	smov.u32 s10;
	s25 =	sshra.s32 s10, $0x1F;
	s26 =	sshra.s32 s7, $0x1F  }
0x50: {  	s29 =	ssub.s32 $0x0, s9;
	s20 =	sadd.s32 s21, s20;
	s30 =	sand.u32 $0x1C00, s22  }
0x51: {  	s23 =	sand.u32 $0x1C00, s23;
	s24 =	simm.s32 @!p1 $0x3F;
	s31 =	sand.u32 s25, s10  }
0x52: {  	v5 =	vld [tilespmem:s18+$0xFFFFFFD0];
	[tilespmem:s19+$0x2040 ss:$0x81] =	vst.msk $0xffff, v4;
	p1 =	sgt.s32 s7, $0xA0C;
	s25 =	smov.u32 s7;
	s27 =	sand.u32 s26, s7  }
0x53: {  	v58 =	vld [tilespmem:s18+$0xFFFFFFE0];
	[tilespmem:s19+$0x2850 ss:$0x81] =	vst.msk $0xffff, v3;
	s21 =	sadd.s32 s30, s23;
	s23 =	ssub.s32 s24, s31;
	s25 =	simm.s32 @!p1 $0xA0C  }
0x54: {  	v59 =	vld [tilespmem:s18+$0xFFFFFFF0];
	[tilespmem:s19+$0x3060 ss:$0x81] =	vst.msk $0xffff, v2;
	s30 =	sand.u32 $0x380, s22;
	s31 =	smin.u32 s9, s29;
	s29 =	sand.u32 $0x7, s9  }
0x55: {  	v60 =	vld [tilespmem:s18+$0x0];
	s28 =	sadd.s32 $0xFFFFFFC1, s23;
	s24 =	ssub.s32 s25, s27;
	[tilespmem:s19+$0x0 ss:$0x81] =	vst.msk $0xffff, v1;
	s22 =	ssub.s32 $0x40, s23  }
0x56: {  	v61 =	vld [tilespmem:s18+$0x10];
	s23 =	ssub.s32 $0x80, s31;
	s19 =	sor.u32 s30, s21;
	p1 =	sgt.s32 s28, $0x0;
	[tilespmem:s20+$0x3870 ss:$0x81] =	vst.msk $0xffff, v0  }
0x57: {  	v62 =	vld [tilespmem:s18+$0x20];
	s27 =	sshll.u32 s7, $0xA;
	s22 =	simm.s32 @p1 $0x0;
	p1 =	sgt.s32 s31, $0x7F;
	[tilespmem:s20+$0x810 ss:$0x81] =	vst.msk $0xffff, v5  }
0x58: {  	v63 =	vld [tilespmem:s18+$0xFFFFFFC0];
	s25 =	sadd.s32 $0xFFFFF5F4, s24;
	s18 =	ssub.s32 $0xA8C, s24;
	[tilespmem:s20+$0x1020 ss:$0x81] =	vst.msk $0xffff, v58;
	s23 =	simm.s32 @p1 $0x0  }
0x59: {  	s19 =	sshrl.u32 s19, $0x3;
	[tilespmem:s20+$0x1830 ss:$0x81] =	vst.msk $0xffff, v59;
	p1 =	sgt.s32 s25, $0x7F;
	s26 =	smul.u32 s22, s23  }
.Ltmp4:
0x5a: {  	s28 =	sshrl.u32 s9, $0x3;
	[tilespmem:s20+$0x2040 ss:$0x81] =	vst.msk $0xffff, v60;
	s18 =	simm.s32 @p1 $0x0;
	(pc) =	sbr.rel .LBB1_5-.Ltmp4, $4  }
0x5b: {  	s21 =	sadd.s32 s2, s27;
	[tilespmem:s20+$0x2850 ss:$0x81] =	vst.msk $0xffff, v61;
	s22 =	sand.u32 $0xF, s28;
	s18 =	smul.u32 s18, s26  }
0x5c: {  	s30 =	sshll.u32 s29, $0x12;
	[tilespmem:s20+$0x3060 ss:$0x81] =	vst.msk $0xffff, v62;
	s19 =	sand.u32 $0x3F0, s19;
	s21 =	sadd.s32 s22, s21  }
0x5d: {  	[tilespmem:s20+$0x0 ss:$0x81] =	vst.msk $0xffff, v63;
	s31 =	sor.u32 $0x80, s30;
	s19 =	sadd.s32 s19, s21;
	s18 =	sand.u32 $0x3FFFFFFF, s18  }
0x5e: {  	[hbm4b:s19+s31] =	stream.strided.scatter [tilespmem:s17], [sflag:$0x2], s18, s6, s31, $0x20;
	[tilespmem:$0x10100] =	vst v63  }
.LBB1_6:
0x5f: {  	_ =	sfence.sel $0x180000  }
0x60: {  	s2 =	simm.s32 $0x1;
	[bflag:$0x0] =	sbarrier.arrive $0xFFFF  }
0x61: {  	s31 =	simm.s32 $0x2;
	[sflag:s2] =	ssyncpa.u1 $0x1  }
0x62: {  	[sflag:s31] =	ssyncpa.u1 $0x1  }
0x63: {  	p0 =	sne.s32 s1, $0x0;
	_ =	strace $0x9000004A  }
0x64: {  	s0 =	sadd.s32 @!p0 $0x100000, s0;
	[bflag:$0x2] =	sbarrier.arrive $0xFFFF  }
0x65: {  	[sflag:s0] =	ssyncadd.tile.s32 @!p0 $0x1;
	_ =	shalt  }
.Lfunc_end1:
_tile_overlayer_lowered:
.L_overlay_start_2:
0x66: {  	(tag) =	ssettag $0x2  }
0x67: {  	s0 =	rddreg [dreg:$0x0];
	s2 =	stileid.u32  }
0x68: {  	s1 =	rddreg [dreg:$0x1];
	p0 =	sne.s32 s2, $0x0  }
0x69: {  	s3 =	rddreg [dreg:$0x2];
	[bflag:$0x3] =	sbarrier.arrive $0xFFFF;
	s2 =	simm.s32 @!p0 $0x1C01  }
0x6a: {  	[timem:s3], [sflag:s2] =	dma.local @!p0 [hbm:s0], s1  }
0x6b: {  	s0 =	simm.s32 @!p0 $0x1  }
0x6c: {  	_ =	swait.ge @!p0 [sflag:s0], s1  }
0x6d: {  	s1 =	ssub.s32 @!p0 $0x0, s1;
	[sflag:s0] =	ssyncset.done @!p0 $0x0  }
0x6e: {  	[sflag:s0] =	ssyncadd.s32 @!p0 s1  }
0x6f: {  	[bflag:$0x3] =	sbarrier.arrive $0xFFFF  }
0x70: {  	_ =	shalt  }

</sc_bundles>
